<compile_context>
chip_gen: v7x
topology: tpu7x:2x2x1
jax: 0.10.2.dev20260603
libtpu: 0.0.44.dev20260713+nightly
codegen_flags: <defaults>
</compile_context>

<pallas_src>
import functools

import jax
import jax.numpy as jnp
import numpy as np
from jax import lax
from jax.experimental import pallas as pl
from jax.experimental.pallas import tpu as pltpu
from jax.experimental.pallas import tpu_sc as plsc

_TINY = 1.1754943508222875e-38


def _softplus(x):
    return jnp.maximum(x, 0.0) + jnp.log1p(jnp.exp(-jnp.abs(x)))



def _unary_body(x_ref, w_ref, s_ref, o_ref, bp_ref, acc_ref):
    i = pl.program_id(1)
    nd = pl.num_programs(1)
    x = x_ref[...]
    bp_ref[...] = x
    z = jnp.clip(x[:, 0, 0, 0], 0.0, 1.0)
    Z = jnp.clip(x[:, 1, 0, 0], 0.0, 1.0)
    sp = _softplus(Z - z) + _TINY

    @pl.when(i == 0)
    def _():
        acc_ref[...] = sp

    @pl.when(i > 0)
    def _():
        acc_ref[...] = acc_ref[...] * sp

    @pl.when(i == nd - 1)
    def _():
        t = jnp.log(acc_ref[...]) + w_ref[...][:, :1, None]
        m0 = jnp.max(t, axis=0, keepdims=True)
        o_ref[...] = (
            jnp.log(jnp.sum(jnp.exp(t - m0), axis=0)) + m0[0] - s_ref[0])[None]



def _pair_body(dp_ref, w_ref, p_ref, e_ref):
    dp = dp_ref[...]
    lsp = jnp.log(_softplus(dp) + _TINY)
    lvi = jnp.sum(lsp[:, :16, :], axis=1) + w_ref[...][:, :1]
    lvb = jnp.sum(lsp[:, 16:, :], axis=1) + w_ref[...][:, :1]
    mi = jnp.max(lvi, axis=0, keepdims=True)
    mb = jnp.max(lvb, axis=0, keepdims=True)
    ti = jnp.log(jnp.sum(jnp.exp(lvi - mi), axis=0)) + mi[0]
    tb = jnp.log(jnp.sum(jnp.exp(lvb - mb), axis=0)) + mb[0]
    log_p = ti - tb
    p_ref[...] = log_p[None, None]
    e_ref[...] = jnp.exp(log_p)[None, None]



def _make_sc_gather(M, N, Bsz):
    mesh = plsc.VectorSubcoreMesh(core_axis_name="c", subcore_axis_name="s")
    PPW = Bsz // 4
    CH = 256
    NCHUNK = PPW // CH

    @functools.partial(
        pl.kernel,
        mesh=mesh,
        compiler_params=pltpu.CompilerParams(
            use_tc_tiling_on_sc=False, needs_layout_passes=False),
        out_type=[
            jax.ShapeDtypeStruct((M * 32, Bsz), jnp.float32),
            jax.ShapeDtypeStruct((M * 32, Bsz), jnp.float32),
            jax.ShapeDtypeStruct((M * 32, Bsz), jnp.float32),
        ],
        scratch_types=[
            pltpu.VMEM((4, 8, 128), jnp.int32),
            pltpu.VMEM((4, 8, 128), jnp.int32),
            pltpu.VMEM((4, 8, 128), jnp.int32),
            pltpu.VMEM((4, 8, 128), jnp.int32),
            pltpu.VMEM((CH, 128), jnp.float32),
            pltpu.VMEM((CH, 128), jnp.float32),
            pltpu.VMEM((32, CH), jnp.float32),
            pltpu.VMEM((32, CH), jnp.float32),
            pltpu.VMEM((32, CH), jnp.float32),
            pltpu.SemaphoreType.DMA,
        ],
    )
    def sc_gather(idx0_hbm, idx1_hbm, table_hbm, outa_hbm, outb_hbm,
                  outd_hbm, ja_v, ra_v, jb_v, rb_v, rowsa_v, rowsb_v,
                  at_v, bt_v, dt_v, sem):
        cid = lax.axis_index("c")
        sid = lax.axis_index("s")
        wid = sid * 2 + cid
        m = wid // 4
        q = wid % 4
        mN4 = m * (N // 4)

        pltpu.sync_copy(idx0_hbm.at[pl.ds(q * 4, 4)], ja_v)
        pltpu.sync_copy(idx1_hbm.at[pl.ds(q * 4, 4)], jb_v)

        def _prep(i, _):
            u = i // 64
            v = (i // 8) % 8
            j = (i % 8) * 16
            xa = ja_v[u, v, pl.ds(j, 16)]
            xb = jb_v[u, v, pl.ds(j, 16)]
            ra_v[u, v, pl.ds(j, 16)] = mN4 + (xa >> 2)
            rb_v[u, v, pl.ds(j, 16)] = mN4 + (xb >> 2)
            ja_v[u, v, pl.ds(j, 16)] = (xa & 3) << 5
            jb_v[u, v, pl.ds(j, 16)] = (xb & 3) << 5
            return 0

        lax.fori_loop(0, 256, _prep, 0)

        def _chunk(c, _):
            u = c // 4
            v0 = 2 * c - 8 * (c // 4)
            cps = []
            for k in range(2):
                cps.append(pltpu.async_copy(
                    table_hbm.at[ra_v.at[u, v0 + k]],
                    rowsa_v.at[pl.ds(k * 128, 128)], sem))
                cps.append(pltpu.async_copy(
                    table_hbm.at[rb_v.at[u, v0 + k]],
                    rowsb_v.at[pl.ds(k * 128, 128)], sem))
            for cp in cps:
                cp.wait()

            def _group(g, _):
                rowbase = lax.iota(jnp.int32, 16) + g * 16
                pos = c * 2 + g // 8
                jpos = (g % 8) * 16
                u2 = pos // 8
                v2 = pos % 8
                jav = ja_v[u2, v2, pl.ds(jpos, 16)]
                jbv = jb_v[u2, v2, pl.ds(jpos, 16)]
                for comp in range(16):
                    za = plsc.load_gather(rowsa_v, [rowbase, jav + comp])
                    Za = plsc.load_gather(rowsa_v, [rowbase, jav + (16 + comp)])
                    zb = plsc.load_gather(rowsb_v, [rowbase, jbv + comp])
                    Zb = plsc.load_gather(rowsb_v, [rowbase, jbv + (16 + comp)])
                    za = jnp.minimum(jnp.maximum(za, 0.0), 1.0)
                    Za = jnp.minimum(jnp.maximum(Za, 0.0), 1.0)
                    zb = jnp.minimum(jnp.maximum(zb, 0.0), 1.0)
                    Zb = jnp.minimum(jnp.maximum(Zb, 0.0), 1.0)
                    at_v[comp, pl.ds(g * 16, 16)] = za
                    at_v[16 + comp, pl.ds(g * 16, 16)] = Za
                    bt_v[comp, pl.ds(g * 16, 16)] = zb
                    bt_v[16 + comp, pl.ds(g * 16, 16)] = Zb
                    dt_v[comp, pl.ds(g * 16, 16)] = (
                        jnp.minimum(Za, Zb) - jnp.maximum(za, zb))
                    dt_v[16 + comp, pl.ds(g * 16, 16)] = Zb - zb
                return 0

            lax.fori_loop(0, CH // 16, _group, 0)

            p0 = q * PPW + c * CH
            r0 = pl.multiple_of(m * 32, 8)
            c0 = pl.multiple_of(p0, 128)
            pltpu.sync_copy(at_v, outa_hbm.at[pl.ds(r0, 32), pl.ds(c0, CH)])
            pltpu.sync_copy(bt_v, outb_hbm.at[pl.ds(r0, 32), pl.ds(c0, CH)])
            pltpu.sync_copy(dt_v, outd_hbm.at[pl.ds(r0, 32), pl.ds(c0, CH)])
            return 0

        lax.fori_loop(0, NCHUNK, _chunk, 0)

    return sc_gather


def kernel(box_indices, box_param, weights):
    M, N, _, D = box_param.shape
    Bsz = box_indices.shape[0]
    R, C = 25, 2000
    PB = 2048
    grid2 = Bsz // PB

    log_universe_vol = float(D) * float(np.log(np.log1p(np.e) + _TINY))
    wadj = (weights - log_universe_vol).astype(jnp.float32)
    wcol = jnp.broadcast_to(wadj[:, None], (M, 128))
    wmax = jnp.max(weights)
    lsew = (jnp.log(jnp.sum(jnp.exp(weights - wmax))) + wmax).reshape(1)

    def _copy_body(x_ref, o_ref):
        o_ref[...] = x_ref[...]

    table128 = pl.pallas_call(
        _copy_body,
        grid=(50,),
        in_specs=[pl.BlockSpec((M * N // 200, 128), lambda i: (i, 0))],
        out_specs=pl.BlockSpec((M * N // 200, 128), lambda i: (i, 0)),
        out_shape=jax.ShapeDtypeStruct((M * N // 4, 128), jnp.float32),
    )(box_param.reshape(M * N // 4, 128))
    idx0 = box_indices[:, 0].reshape(Bsz // 1024, 8, 128).astype(jnp.int32)
    idx1 = box_indices[:, 1].reshape(Bsz // 1024, 8, 128).astype(jnp.int32)

    sc_gather = _make_sc_gather(M, N, Bsz)
    at_t, bt_t, dpt = sc_gather(idx0, idx1, table128)

    H = 2
    tr0 = jnp.transpose(box_param, (0, 2, 3, 1))
    tr = tr0.reshape(M, 2, D, H, R, C)
    unary2d, bp_t = pl.pallas_call(
        _unary_body,
        grid=(H, D),
        in_specs=[
            pl.BlockSpec((M, 2, 1, 1, R, C), lambda h, i: (0, 0, i, h, 0, 0)),
            pl.BlockSpec((M, 128), lambda h, i: (0, 0)),
            pl.BlockSpec(memory_space=pltpu.SMEM),
        ],
        out_specs=[
            pl.BlockSpec((1, R, C), lambda h, i: (h, 0, 0)),
            pl.BlockSpec((M, 2, 1, 1, R, C), lambda h, i: (0, 0, i, h, 0, 0)),
        ],
        out_shape=[
            jax.ShapeDtypeStruct((H, R, C), jnp.float32),
            jax.ShapeDtypeStruct((M, 2, D, H, R, C), jnp.float32),
        ],
        scratch_shapes=[pltpu.VMEM((M, R, C), jnp.float32)],
    )(tr, wcol, lsew)
    log_unary_probs = unary2d.reshape(N)
    box_param_out = bp_t.reshape(M, 2, D, N).transpose(0, 3, 1, 2)

    logp3, expp3 = pl.pallas_call(
        _pair_body,
        grid=(grid2,),
        in_specs=[
            pl.BlockSpec((M, 32, PB), lambda i: (0, 0, i)),
            pl.BlockSpec((M, 128), lambda i: (0, 0)),
        ],
        out_specs=[
            pl.BlockSpec((1, 1, PB), lambda i: (i, 0, 0)),
            pl.BlockSpec((1, 1, PB), lambda i: (i, 0, 0)),
        ],
        out_shape=[
            jax.ShapeDtypeStruct((grid2, 1, PB), jnp.float32),
            jax.ShapeDtypeStruct((grid2, 1, PB), jnp.float32),
        ],
    )(dpt.reshape(M, 32, Bsz), wcol)
    log_p = logp3.reshape(Bsz)
    exp_p = expp3.reshape(Bsz)

    A = at_t.reshape(M, 2, D, Bsz).transpose(0, 3, 1, 2)
    B = bt_t.reshape(M, 2, D, Bsz).transpose(0, 3, 1, 2)
    return (log_unary_probs, box_param_out, A, B, log_p, exp_p)

# --- scband reference (transcript-rebuilt; emitter-appended) ---
"""Pipeline reference for scband-box-model-stable-352187318794 (READ-ONLY COPY).

The authoritative reference and input builder live on the scoring server;
editing this copy changes nothing except your own understanding.
"""

import jax, jax.numpy as jnp
import numpy as np

TINY = 1.1754943508222875e-38


def _log_vol(boxes):
    # boxes: [..., 2, dims]; side lengths via softplus for stability
    z = boxes[..., 0, :]
    Z = boxes[..., 1, :]
    return jnp.sum(jnp.log(jax.nn.softplus(Z - z) + TINY), axis=-1)


def _log_weighted_sum(weights, log_box_vols):
    # LogWeightedSum.forward: logsumexp(weights + log_box_vols, 0) - logsumexp(weights, 0)
    w = weights.reshape((-1,) + (1,) * (log_box_vols.ndim - 1))
    return jax.scipy.special.logsumexp(w + log_box_vols, axis=0) - jax.scipy.special.logsumexp(weights)


def _intersection(A, B):
    z = jnp.maximum(A[..., 0, :], B[..., 0, :])
    Z = jnp.minimum(A[..., 1, :], B[..., 1, :])
    return jnp.stack((z, Z), axis=-2)


def setup_inputs(seed: int = 0):
    key = jax.random.key(seed)
    k1, k2, k3, k4 = jax.random.split(key, 4)
    M, N, D, Bsz = 8, 100000, 16, 16384
    box_indices = jax.random.randint(k1, (Bsz, 2), 0, N)
    # learned box parameters: [num_models, num_boxes, 2, dims] (min corner z, max corner Z)
    z = jax.random.uniform(k2, (M, N, D)) * 0.5
    width = jax.random.uniform(k3, (M, N, D)) * 0.3 + 0.01
    Z = jnp.minimum(z + width, 1.0 - 1e-4)
    box_param = jnp.stack((z, Z), axis=2)
    weights = jax.random.uniform(k4, (M,))
    return {"box_indices": box_indices, "box_param": box_param, "weights": weights}


def reference(box_indices, box_param, weights):
    dims = box_param.shape[-1]
    box_embeddings_orig = box_param
    # universe_box is None -> clamp=True
    box_embeddings = jnp.clip(box_embeddings_orig, 0.0, 1.0)
    universe = jnp.stack((jnp.zeros(dims), jnp.ones(dims)))[None, None]
    log_universe_vol = jnp.squeeze(_log_vol(universe))
    log_unary_probs = _log_weighted_sum(weights, _log_vol(box_embeddings) - log_universe_vol)
    A = box_embeddings[:, box_indices[:, 0]]
    B = box_embeddings[:, box_indices[:, 1]]
    log_A_int_B_vol = _log_weighted_sum(weights, _log_vol(_intersection(A, B)) - log_universe_vol)
    log_B_vol = log_unary_probs[box_indices[:, 1]]
    log_P_A_given_B = log_A_int_B_vol - log_B_vol
    return (log_unary_probs, box_embeddings_orig, A, B, log_P_A_given_B, jnp.exp(log_P_A_given_B))

if __name__ == "__main__":
    import jax
    _d = setup_inputs()
    print(jax.jit(kernel)(*tuple(_d.values())))

</pallas_src>

<mosaic_0001>
#map = affine_map<(d0, d1) -> (0, 0, 0)>
#map1 = affine_map<(d0, d1) -> (0, 0)>
module attributes {stable_mosaic.version = 14 : i64} {
  func.func @sc_gather(%arg0: i32, %arg1: i32, %arg2: memref<16x8x128xi32, #tpu.memory_space<hbm>>, %arg3: memref<16x8x128xi32, #tpu.memory_space<hbm>>, %arg4: memref<200000x128xf32, #tpu.memory_space<hbm>>, %arg5: memref<256x16384xf32, #tpu.memory_space<hbm>>, %arg6: memref<256x16384xf32, #tpu.memory_space<hbm>>, %arg7: memref<256x16384xf32, #tpu.memory_space<hbm>>, %arg8: memref<4x8x128xi32, #tpu.memory_space<vmem>>, %arg9: memref<4x8x128xi32, #tpu.memory_space<vmem>>, %arg10: memref<4x8x128xi32, #tpu.memory_space<vmem>>, %arg11: memref<4x8x128xi32, #tpu.memory_space<vmem>>, %arg12: memref<256x128xf32, #tpu.memory_space<vmem>>, %arg13: memref<256x128xf32, #tpu.memory_space<vmem>>, %arg14: memref<32x256xf32, #tpu.memory_space<vmem>>, %arg15: memref<32x256xf32, #tpu.memory_space<vmem>>, %arg16: memref<32x256xf32, #tpu.memory_space<vmem>>, %arg17: memref<!tpu.dma_semaphore, #tpu.memory_space<semaphore_mem>>) attributes {dimension_semantics = [#tpu.dimension_semantics<core_parallel>, #tpu.dimension_semantics<subcore_parallel>], iteration_bounds = array<i64: 2, 16>, scalar_prefetch = 0 : i64, scratch_operands = 10 : i64, tpu.core_type = #tpu.core_type<sc_vector_subcore>, window_params = [{transform_indices = #map}, {transform_indices = #map}, {transform_indices = #map1}, {transform_indices = #map1}, {transform_indices = #map1}, {transform_indices = #map1}]} {
    %mul3A = arith.constant 2 : i32
    %mul3A_0 = arith.muli %arg1, %mul3A : i32
    %add3A = arith.addi %mul3A_0, %arg0 : i32
    %jit3A = arith.constant 4 : i32
    %div3A = arith.divsi %add3A, %jit3A : i32
    %sign3A = arith.constant 0 : i32
    %sign3A_1 = arith.cmpi sgt, %add3A, %sign3A : i32
    %sign3A_2 = arith.extui %sign3A_1 : i1 to i32
    %sign3A_3 = arith.constant 0 : i32
    %sign3A_4 = arith.cmpi slt, %add3A, %sign3A_3 : i32
    %sign3A_5 = arith.extui %sign3A_4 : i1 to i32
    %sign3A_6 = arith.subi %sign3A_2, %sign3A_5 : i32
    %sign3A_7 = arith.constant 0 : i32
    %sign3A_8 = arith.cmpi sgt, %jit3A, %sign3A_7 : i32
    %sign3A_9 = arith.extui %sign3A_8 : i1 to i32
    %sign3A_10 = arith.constant 0 : i32
    %sign3A_11 = arith.cmpi slt, %jit3A, %sign3A_10 : i32
    %sign3A_12 = arith.extui %sign3A_11 : i1 to i32
    %sign3A_13 = arith.subi %sign3A_9, %sign3A_12 : i32
    %ne3A = arith.cmpi ne, %sign3A_6, %sign3A_13 : i32
    %rem3A = arith.remsi %add3A, %jit3A : i32
    %ne3A_14 = arith.constant 0 : i32
    %ne3A_15 = arith.cmpi ne, %rem3A, %ne3A_14 : i32
    %and3A = arith.andi %ne3A, %ne3A_15 : i1
    %sub3A = arith.constant 1 : i32
    %sub3A_16 = arith.subi %div3A, %sub3A : i32
    %select_n3A = arith.select %and3A, %sub3A_16, %div3A : i32
    %jit3A_17 = arith.constant 4 : i32
    %eq3A = arith.constant 0 : i32
    %eq3A_18 = arith.cmpi eq, %jit3A_17, %eq3A : i32
    %jit3A_19 = arith.constant 1 : i32
    %select_n3A_20 = arith.select %eq3A_18, %jit3A_19, %jit3A_17 : i32
    %rem3A_21 = arith.remsi %add3A, %select_n3A_20 : i32
    %ne3A_22 = arith.constant 0 : i32
    %ne3A_23 = arith.cmpi ne, %rem3A_21, %ne3A_22 : i32
    %lt3A = arith.constant 0 : i32
    %lt3A_24 = arith.cmpi slt, %rem3A_21, %lt3A : i32
    %lt3A_25 = arith.constant 0 : i32
    %lt3A_26 = arith.cmpi slt, %select_n3A_20, %lt3A_25 : i32
    %ne3A_27 = arith.xori %lt3A_24, %lt3A_26 : i1
    %and3A_28 = arith.andi %ne3A_27, %ne3A_23 : i1
    %add3A_29 = arith.addi %rem3A_21, %select_n3A_20 : i32
    %select_n3A_30 = arith.select %and3A_28, %add3A_29, %rem3A_21 : i32
    %mul3A_31 = arith.constant 25000 : i32
    %mul3A_32 = arith.muli %select_n3A, %mul3A_31 : i32
    %mul3A_33 = arith.constant 4 : i32
    %mul3A_34 = arith.muli %select_n3A_30, %mul3A_33 : i32
    "tpu.region"() ({
      %run_scoped3A = tpu.sem_alloc : memref<!tpu.dma_semaphore, #tpu.memory_space<semaphore_mem>>
      %dma_start3A = arith.constant 0 : i32
      %dma_start3A_50 = arith.constant 0 : i32
      %dma_start3A_51 = tpu.memref_slice %arg2[%mul3A_34, %dma_start3A, %dma_start3A_50] : memref<16x8x128xi32, #tpu.memory_space<hbm>> -> memref<4x8x128xi32, #tpu.memory_space<hbm>>
      %dma_start3A_52 = arith.constant 0 : i32
      %dma_start3A_53 = arith.constant 0 : i32
      %dma_start3A_54 = tpu.memref_slice %arg2[%mul3A_34, %dma_start3A_52, %dma_start3A_53] : memref<16x8x128xi32, #tpu.memory_space<hbm>> -> memref<4x8x128xi32, #tpu.memory_space<hbm>>
      tpu.enqueue_dma source(%dma_start3A_54 : memref<4x8x128xi32, #tpu.memory_space<hbm>>) target(%arg8 : memref<4x8x128xi32, #tpu.memory_space<vmem>>) target_semaphore(%run_scoped3A : memref<!tpu.dma_semaphore, #tpu.memory_space<semaphore_mem>>)
      %dma_wait3A = arith.constant 0 : i32
      %dma_wait3A_55 = arith.constant 0 : i32
      %dma_wait3A_56 = tpu.memref_slice %arg2[%mul3A_34, %dma_wait3A, %dma_wait3A_55] : memref<16x8x128xi32, #tpu.memory_space<hbm>> -> memref<4x8x128xi32, #tpu.memory_space<hbm>>
      %dma_wait3A_57 = arith.constant 0 : i32
      %dma_wait3A_58 = arith.constant 0 : i32
      %dma_wait3A_59 = tpu.memref_slice %arg2[%mul3A_34, %dma_wait3A_57, %dma_wait3A_58] : memref<16x8x128xi32, #tpu.memory_space<hbm>> -> memref<4x8x128xi32, #tpu.memory_space<hbm>>
      tpu.wait_dma2 semaphore(%run_scoped3A : memref<!tpu.dma_semaphore, #tpu.memory_space<semaphore_mem>>) src(%dma_wait3A_59 : memref<4x8x128xi32, #tpu.memory_space<hbm>>) dst(%arg8 : memref<4x8x128xi32, #tpu.memory_space<vmem>>)
      tpu.yield
    }) : () -> ()
    %mul3A_35 = arith.constant 4 : i32
    %mul3A_36 = arith.muli %select_n3A_30, %mul3A_35 : i32
    "tpu.region"() ({
      %run_scoped3A = tpu.sem_alloc : memref<!tpu.dma_semaphore, #tpu.memory_space<semaphore_mem>>
      %dma_start3A = arith.constant 0 : i32
      %dma_start3A_50 = arith.constant 0 : i32
      %dma_start3A_51 = tpu.memref_slice %arg3[%mul3A_36, %dma_start3A, %dma_start3A_50] : memref<16x8x128xi32, #tpu.memory_space<hbm>> -> memref<4x8x128xi32, #tpu.memory_space<hbm>>
      %dma_start3A_52 = arith.constant 0 : i32
      %dma_start3A_53 = arith.constant 0 : i32
      %dma_start3A_54 = tpu.memref_slice %arg3[%mul3A_36, %dma_start3A_52, %dma_start3A_53] : memref<16x8x128xi32, #tpu.memory_space<hbm>> -> memref<4x8x128xi32, #tpu.memory_space<hbm>>
      tpu.enqueue_dma source(%dma_start3A_54 : memref<4x8x128xi32, #tpu.memory_space<hbm>>) target(%arg10 : memref<4x8x128xi32, #tpu.memory_space<vmem>>) target_semaphore(%run_scoped3A : memref<!tpu.dma_semaphore, #tpu.memory_space<semaphore_mem>>)
      %dma_wait3A = arith.constant 0 : i32
      %dma_wait3A_55 = arith.constant 0 : i32
      %dma_wait3A_56 = tpu.memref_slice %arg3[%mul3A_36, %dma_wait3A, %dma_wait3A_55] : memref<16x8x128xi32, #tpu.memory_space<hbm>> -> memref<4x8x128xi32, #tpu.memory_space<hbm>>
      %dma_wait3A_57 = arith.constant 0 : i32
      %dma_wait3A_58 = arith.constant 0 : i32
      %dma_wait3A_59 = tpu.memref_slice %arg3[%mul3A_36, %dma_wait3A_57, %dma_wait3A_58] : memref<16x8x128xi32, #tpu.memory_space<hbm>> -> memref<4x8x128xi32, #tpu.memory_space<hbm>>
      tpu.wait_dma2 semaphore(%run_scoped3A : memref<!tpu.dma_semaphore, #tpu.memory_space<semaphore_mem>>) src(%dma_wait3A_59 : memref<4x8x128xi32, #tpu.memory_space<hbm>>) dst(%arg10 : memref<4x8x128xi32, #tpu.memory_space<vmem>>)
      tpu.yield
    }) : () -> ()
    %scan3A = arith.constant 0 : i32
    %scan3A_37 = arith.constant 0 : i32
    %scan3A_38 = arith.constant 256 : i32
    %scan3A_39 = arith.addi %scan3A_37, %scan3A_38 : i32
    %scan3A_40 = arith.constant 1 : i32
    %scan3A_41 = scf.for %scan3A_50 = %scan3A_37 to %scan3A_39 step %scan3A_40 iter_args(%scan3A_51 = %scan3A) -> (i32)  : i32 {
      %jit3A_52 = arith.constant 64 : i32
      %div3A_53 = arith.divsi %scan3A_50, %jit3A_52 : i32
      %sign3A_54 = arith.constant 0 : i32
      %sign3A_55 = arith.cmpi sgt, %scan3A_50, %sign3A_54 : i32
      %sign3A_56 = arith.extui %sign3A_55 : i1 to i32
      %sign3A_57 = arith.constant 0 : i32
      %sign3A_58 = arith.cmpi slt, %scan3A_50, %sign3A_57 : i32
      %sign3A_59 = arith.extui %sign3A_58 : i1 to i32
      %sign3A_60 = arith.subi %sign3A_56, %sign3A_59 : i32
      %sign3A_61 = arith.constant 0 : i32
      %sign3A_62 = arith.cmpi sgt, %jit3A_52, %sign3A_61 : i32
      %sign3A_63 = arith.extui %sign3A_62 : i1 to i32
      %sign3A_64 = arith.constant 0 : i32
      %sign3A_65 = arith.cmpi slt, %jit3A_52, %sign3A_64 : i32
      %sign3A_66 = arith.extui %sign3A_65 : i1 to i32
      %sign3A_67 = arith.subi %sign3A_63, %sign3A_66 : i32
      %ne3A_68 = arith.cmpi ne, %sign3A_60, %sign3A_67 : i32
      %rem3A_69 = arith.remsi %scan3A_50, %jit3A_52 : i32
      %ne3A_70 = arith.constant 0 : i32
      %ne3A_71 = arith.cmpi ne, %rem3A_69, %ne3A_70 : i32
      %and3A_72 = arith.andi %ne3A_68, %ne3A_71 : i1
      %sub3A_73 = arith.constant 1 : i32
      %sub3A_74 = arith.subi %div3A_53, %sub3A_73 : i32
      %select_n3A_75 = arith.select %and3A_72, %sub3A_74, %div3A_53 : i32
      %jit3A_76 = arith.constant 8 : i32
      %div3A_77 = arith.divsi %scan3A_50, %jit3A_76 : i32
      %sign3A_78 = arith.constant 0 : i32
      %sign3A_79 = arith.cmpi sgt, %scan3A_50, %sign3A_78 : i32
      %sign3A_80 = arith.extui %sign3A_79 : i1 to i32
      %sign3A_81 = arith.constant 0 : i32
      %sign3A_82 = arith.cmpi slt, %scan3A_50, %sign3A_81 : i32
      %sign3A_83 = arith.extui %sign3A_82 : i1 to i32
      %sign3A_84 = arith.subi %sign3A_80, %sign3A_83 : i32
      %sign3A_85 = arith.constant 0 : i32
      %sign3A_86 = arith.cmpi sgt, %jit3A_76, %sign3A_85 : i32
      %sign3A_87 = arith.extui %sign3A_86 : i1 to i32
      %sign3A_88 = arith.constant 0 : i32
      %sign3A_89 = arith.cmpi slt, %jit3A_76, %sign3A_88 : i32
      %sign3A_90 = arith.extui %sign3A_89 : i1 to i32
      %sign3A_91 = arith.subi %sign3A_87, %sign3A_90 : i32
      %ne3A_92 = arith.cmpi ne, %sign3A_84, %sign3A_91 : i32
      %rem3A_93 = arith.remsi %scan3A_50, %jit3A_76 : i32
      %ne3A_94 = arith.constant 0 : i32
      %ne3A_95 = arith.cmpi ne, %rem3A_93, %ne3A_94 : i32
      %and3A_96 = arith.andi %ne3A_92, %ne3A_95 : i1
      %sub3A_97 = arith.constant 1 : i32
      %sub3A_98 = arith.subi %div3A_77, %sub3A_97 : i32
      %select_n3A_99 = arith.select %and3A_96, %sub3A_98, %div3A_77 : i32
      %jit3A_100 = arith.constant 8 : i32
      %eq3A_101 = arith.constant 0 : i32
      %eq3A_102 = arith.cmpi eq, %jit3A_100, %eq3A_101 : i32
      %jit3A_103 = arith.constant 1 : i32
      %select_n3A_104 = arith.select %eq3A_102, %jit3A_103, %jit3A_100 : i32
      %rem3A_105 = arith.remsi %select_n3A_99, %select_n3A_104 : i32
      %ne3A_106 = arith.constant 0 : i32
      %ne3A_107 = arith.cmpi ne, %rem3A_105, %ne3A_106 : i32
      %lt3A_108 = arith.constant 0 : i32
      %lt3A_109 = arith.cmpi slt, %rem3A_105, %lt3A_108 : i32
      %lt3A_110 = arith.constant 0 : i32
      %lt3A_111 = arith.cmpi slt, %select_n3A_104, %lt3A_110 : i32
      %ne3A_112 = arith.xori %lt3A_109, %lt3A_111 : i1
      %and3A_113 = arith.andi %ne3A_112, %ne3A_107 : i1
      %add3A_114 = arith.addi %rem3A_105, %select_n3A_104 : i32
      %select_n3A_115 = arith.select %and3A_113, %add3A_114, %rem3A_105 : i32
      %jit3A_116 = arith.constant 8 : i32
      %eq3A_117 = arith.constant 0 : i32
      %eq3A_118 = arith.cmpi eq, %jit3A_116, %eq3A_117 : i32
      %jit3A_119 = arith.constant 1 : i32
      %select_n3A_120 = arith.select %eq3A_118, %jit3A_119, %jit3A_116 : i32
      %rem3A_121 = arith.remsi %scan3A_50, %select_n3A_120 : i32
      %ne3A_122 = arith.constant 0 : i32
      %ne3A_123 = arith.cmpi ne, %rem3A_121, %ne3A_122 : i32
      %lt3A_124 = arith.constant 0 : i32
      %lt3A_125 = arith.cmpi slt, %rem3A_121, %lt3A_124 : i32
      %lt3A_126 = arith.constant 0 : i32
      %lt3A_127 = arith.cmpi slt, %select_n3A_120, %lt3A_126 : i32
      %ne3A_128 = arith.xori %lt3A_125, %lt3A_127 : i1
      %and3A_129 = arith.andi %ne3A_128, %ne3A_123 : i1
      %add3A_130 = arith.addi %rem3A_121, %select_n3A_120 : i32
      %select_n3A_131 = arith.select %and3A_129, %add3A_130, %rem3A_121 : i32
      %mul3A_132 = arith.constant 16 : i32
      %mul3A_133 = arith.muli %select_n3A_131, %mul3A_132 : i32
      %get3A = arith.index_cast %select_n3A_75 : i32 to index
      %get3A_134 = arith.index_cast %select_n3A_115 : i32 to index
      %get3A_135 = arith.index_cast %mul3A_133 : i32 to index
      %get3A_136 = tpu.vector_load %arg8[%get3A, %get3A_134, %get3A_135] {strides = array<i32>} : memref<4x8x128xi32, #tpu.memory_space<vmem>>, vector<16xi32>,
      %get3A_137 = arith.index_cast %select_n3A_75 : i32 to index
      %get3A_138 = arith.index_cast %select_n3A_115 : i32 to index
      %get3A_139 = arith.index_cast %mul3A_133 : i32 to index
      %get3A_140 = tpu.vector_load %arg10[%get3A_137, %get3A_138, %get3A_139] {strides = array<i32>} : memref<4x8x128xi32, #tpu.memory_space<vmem>>, vector<16xi32>,
      %shift_right_arithmetic3A = arith.constant 2 : i32
      %shift_right_arithmetic3A_141 = vector.broadcast %shift_right_arithmetic3A : i32 to vector<16xi32>
      %shift_right_arithmetic3A_142 = arith.shrsi %get3A_136, %shift_right_arithmetic3A_141 : vector<16xi32>
      %add3A_143 = vector.broadcast %mul3A_32 : i32 to vector<16xi32>
      %add3A_144 = arith.addi %add3A_143, %shift_right_arithmetic3A_142 : vector<16xi32>
      %swap3A = arith.index_cast %select_n3A_75 : i32 to index
      %swap3A_145 = arith.index_cast %select_n3A_115 : i32 to index
      %swap3A_146 = arith.index_cast %mul3A_133 : i32 to index
      %swap3A_147 = tpu.vector_load %arg9[%swap3A, %swap3A_145, %swap3A_146] {strides = array<i32>} : memref<4x8x128xi32, #tpu.memory_space<vmem>>, vector<16xi32>,
      tpu.vector_store %arg9[%swap3A, %swap3A_145, %swap3A_146], %add3A_144 {strides = array<i32>} : memref<4x8x128xi32, #tpu.memory_space<vmem>>, vector<16xi32>,
      %shift_right_arithmetic3A_148 = arith.constant 2 : i32
      %shift_right_arithmetic3A_149 = vector.broadcast %shift_right_arithmetic3A_148 : i32 to vector<16xi32>
      %shift_right_arithmetic3A_150 = arith.shrsi %get3A_140, %shift_right_arithmetic3A_149 : vector<16xi32>
      %add3A_151 = vector.broadcast %mul3A_32 : i32 to vector<16xi32>
      %add3A_152 = arith.addi %add3A_151, %shift_right_arithmetic3A_150 : vector<16xi32>
      %swap3A_153 = arith.index_cast %select_n3A_75 : i32 to index
      %swap3A_154 = arith.index_cast %select_n3A_115 : i32 to index
      %swap3A_155 = arith.index_cast %mul3A_133 : i32 to index
      %swap3A_156 = tpu.vector_load %arg11[%swap3A_153, %swap3A_154, %swap3A_155] {strides = array<i32>} : memref<4x8x128xi32, #tpu.memory_space<vmem>>, vector<16xi32>,
      tpu.vector_store %arg11[%swap3A_153, %swap3A_154, %swap3A_155], %add3A_152 {strides = array<i32>} : memref<4x8x128xi32, #tpu.memory_space<vmem>>, vector<16xi32>,
      %and3A_157 = arith.constant 3 : i32
      %and3A_158 = vector.broadcast %and3A_157 : i32 to vector<16xi32>
      %and3A_159 = arith.andi %get3A_136, %and3A_158 : vector<16xi32>
      %shift_left3A = arith.constant 5 : i32
      %shift_left3A_160 = vector.broadcast %shift_left3A : i32 to vector<16xi32>
      %shift_left3A_161 = arith.shli %and3A_159, %shift_left3A_160 : vector<16xi32>
      %swap3A_162 = arith.index_cast %select_n3A_75 : i32 to index
      %swap3A_163 = arith.index_cast %select_n3A_115 : i32 to index
      %swap3A_164 = arith.index_cast %mul3A_133 : i32 to index
      %swap3A_165 = tpu.vector_load %arg8[%swap3A_162, %swap3A_163, %swap3A_164] {strides = array<i32>} : memref<4x8x128xi32, #tpu.memory_space<vmem>>, vector<16xi32>,
      tpu.vector_store %arg8[%swap3A_162, %swap3A_163, %swap3A_164], %shift_left3A_161 {strides = array<i32>} : memref<4x8x128xi32, #tpu.memory_space<vmem>>, vector<16xi32>,
      %and3A_166 = arith.constant 3 : i32
      %and3A_167 = vector.broadcast %and3A_166 : i32 to vector<16xi32>
      %and3A_168 = arith.andi %get3A_140, %and3A_167 : vector<16xi32>
      %shift_left3A_169 = arith.constant 5 : i32
      %shift_left3A_170 = vector.broadcast %shift_left3A_169 : i32 to vector<16xi32>
      %shift_left3A_171 = arith.shli %and3A_168, %shift_left3A_170 : vector<16xi32>
      %swap3A_172 = arith.index_cast %select_n3A_75 : i32 to index
      %swap3A_173 = arith.index_cast %select_n3A_115 : i32 to index
      %swap3A_174 = arith.index_cast %mul3A_133 : i32 to index
      %swap3A_175 = tpu.vector_load %arg10[%swap3A_172, %swap3A_173, %swap3A_174] {strides = array<i32>} : memref<4x8x128xi32, #tpu.memory_space<vmem>>, vector<16xi32>,
      tpu.vector_store %arg10[%swap3A_172, %swap3A_173, %swap3A_174], %shift_left3A_171 {strides = array<i32>} : memref<4x8x128xi32, #tpu.memory_space<vmem>>, vector<16xi32>,
      %scan3A_176 = arith.constant 0 : i32
      scf.yield %scan3A_176 : i32
    }
    %scan3A_42 = arith.constant 256 : i32
    %scan3A_43 = arith.constant 0 : i32
    %scan3A_44 = arith.constant 0 : i32
    %scan3A_45 = arith.constant 16 : i32
    %scan3A_46 = arith.addi %scan3A_44, %scan3A_45 : i32
    %scan3A_47 = arith.constant 1 : i32
    %scan3A_48 = scf.for %scan3A_50 = %scan3A_44 to %scan3A_46 step %scan3A_47 iter_args(%scan3A_51 = %scan3A_43) -> (i32)  : i32 {
      %jit3A_52 = arith.constant 4 : i32
      %div3A_53 = arith.divsi %scan3A_50, %jit3A_52 : i32
      %sign3A_54 = arith.constant 0 : i32
      %sign3A_55 = arith.cmpi sgt, %scan3A_50, %sign3A_54 : i32
      %sign3A_56 = arith.extui %sign3A_55 : i1 to i32
      %sign3A_57 = arith.constant 0 : i32
      %sign3A_58 = arith.cmpi slt, %scan3A_50, %sign3A_57 : i32
      %sign3A_59 = arith.extui %sign3A_58 : i1 to i32
      %sign3A_60 = arith.subi %sign3A_56, %sign3A_59 : i32
      %sign3A_61 = arith.constant 0 : i32
      %sign3A_62 = arith.cmpi sgt, %jit3A_52, %sign3A_61 : i32
      %sign3A_63 = arith.extui %sign3A_62 : i1 to i32
      %sign3A_64 = arith.constant 0 : i32
      %sign3A_65 = arith.cmpi slt, %jit3A_52, %sign3A_64 : i32
      %sign3A_66 = arith.extui %sign3A_65 : i1 to i32
      %sign3A_67 = arith.subi %sign3A_63, %sign3A_66 : i32
      %ne3A_68 = arith.cmpi ne, %sign3A_60, %sign3A_67 : i32
      %rem3A_69 = arith.remsi %scan3A_50, %jit3A_52 : i32
      %ne3A_70 = arith.constant 0 : i32
      %ne3A_71 = arith.cmpi ne, %rem3A_69, %ne3A_70 : i32
      %and3A_72 = arith.andi %ne3A_68, %ne3A_71 : i1
      %sub3A_73 = arith.constant 1 : i32
      %sub3A_74 = arith.subi %div3A_53, %sub3A_73 : i32
      %select_n3A_75 = arith.select %and3A_72, %sub3A_74, %div3A_53 : i32
      %mul3A_76 = arith.constant 2 : i32
      %mul3A_77 = arith.muli %mul3A_76, %scan3A_50 : i32
      %jit3A_78 = arith.constant 4 : i32
      %div3A_79 = arith.divsi %scan3A_50, %jit3A_78 : i32
      %sign3A_80 = arith.constant 0 : i32
      %sign3A_81 = arith.cmpi sgt, %scan3A_50, %sign3A_80 : i32
      %sign3A_82 = arith.extui %sign3A_81 : i1 to i32
      %sign3A_83 = arith.constant 0 : i32
      %sign3A_84 = arith.cmpi slt, %scan3A_50, %sign3A_83 : i32
      %sign3A_85 = arith.extui %sign3A_84 : i1 to i32
      %sign3A_86 = arith.subi %sign3A_82, %sign3A_85 : i32
      %sign3A_87 = arith.constant 0 : i32
      %sign3A_88 = arith.cmpi sgt, %jit3A_78, %sign3A_87 : i32
      %sign3A_89 = arith.extui %sign3A_88 : i1 to i32
      %sign3A_90 = arith.constant 0 : i32
      %sign3A_91 = arith.cmpi slt, %jit3A_78, %sign3A_90 : i32
      %sign3A_92 = arith.extui %sign3A_91 : i1 to i32
      %sign3A_93 = arith.subi %sign3A_89, %sign3A_92 : i32
      %ne3A_94 = arith.cmpi ne, %sign3A_86, %sign3A_93 : i32
      %rem3A_95 = arith.remsi %scan3A_50, %jit3A_78 : i32
      %ne3A_96 = arith.constant 0 : i32
      %ne3A_97 = arith.cmpi ne, %rem3A_95, %ne3A_96 : i32
      %and3A_98 = arith.andi %ne3A_94, %ne3A_97 : i1
      %sub3A_99 = arith.constant 1 : i32
      %sub3A_100 = arith.subi %div3A_79, %sub3A_99 : i32
      %select_n3A_101 = arith.select %and3A_98, %sub3A_100, %div3A_79 : i32
      %mul3A_102 = arith.constant 8 : i32
      %mul3A_103 = arith.muli %mul3A_102, %select_n3A_101 : i32
      %sub3A_104 = arith.subi %mul3A_77, %mul3A_103 : i32
      %add3A_105 = arith.constant 0 : i32
      %add3A_106 = arith.addi %sub3A_104, %add3A_105 : i32
      %dma_start3A = arith.constant 0 : i32
      %dma_start3A_107 = arith.constant 0 : i32
      %dma_start3A_108 = tpu.memref_slice %arg12[%dma_start3A, %dma_start3A_107] : memref<256x128xf32, #tpu.memory_space<vmem>> -> memref<128x128xf32, #tpu.memory_space<vmem>>
      %dma_start3A_109 = arith.constant 0 : i32
      %dma_start3A_110 = tpu.memref_slice %arg9[%select_n3A_75, %add3A_106, %dma_start3A_109] : memref<4x8x128xi32, #tpu.memory_space<vmem>> -> memref<1x1x128xi32, #tpu.memory_space<vmem>>
      %dma_start3A_111 = tpu.memref_squeeze %dma_start3A_110 : memref<1x1x128xi32, #tpu.memory_space<vmem>> -> memref<128xi32, #tpu.memory_space<vmem>>
      %dma_start3A_112 = arith.constant 0 : i32
      %dma_start3A_113 = arith.constant 0 : i32
      %dma_start3A_114 = tpu.memref_slice %arg4[%dma_start3A_112, %dma_start3A_113] : memref<200000x128xf32, #tpu.memory_space<hbm>> -> memref<200000x128xf32, #tpu.memory_space<hbm>>
      tpu.enqueue_indirect_dma source(%dma_start3A_114 : memref<200000x128xf32, #tpu.memory_space<hbm>>) target(%dma_start3A_108 : memref<128x128xf32, #tpu.memory_space<vmem>>) offsets(%dma_start3A_111 : memref<128xi32, #tpu.memory_space<vmem>>) semaphore(%arg17 : memref<!tpu.dma_semaphore, #tpu.memory_space<semaphore_mem>>)
      %add3A_115 = arith.constant 0 : i32
      %add3A_116 = arith.addi %sub3A_104, %add3A_115 : i32
      %dma_start3A_117 = arith.constant 0 : i32
      %dma_start3A_118 = arith.constant 0 : i32
      %dma_start3A_119 = tpu.memref_slice %arg13[%dma_start3A_117, %dma_start3A_118] : memref<256x128xf32, #tpu.memory_space<vmem>> -> memref<128x128xf32, #tpu.memory_space<vmem>>
      %dma_start3A_120 = arith.constant 0 : i32
      %dma_start3A_121 = tpu.memref_slice %arg11[%select_n3A_75, %add3A_116, %dma_start3A_120] : memref<4x8x128xi32, #tpu.memory_space<vmem>> -> memref<1x1x128xi32, #tpu.memory_space<vmem>>
      %dma_start3A_122 = tpu.memref_squeeze %dma_start3A_121 : memref<1x1x128xi32, #tpu.memory_space<vmem>> -> memref<128xi32, #tpu.memory_space<vmem>>
      %dma_start3A_123 = arith.constant 0 : i32
      %dma_start3A_124 = arith.constant 0 : i32
      %dma_start3A_125 = tpu.memref_slice %arg4[%dma_start3A_123, %dma_start3A_124] : memref<200000x128xf32, #tpu.memory_space<hbm>> -> memref<200000x128xf32, #tpu.memory_space<hbm>>
      tpu.enqueue_indirect_dma source(%dma_start3A_125 : memref<200000x128xf32, #tpu.memory_space<hbm>>) target(%dma_start3A_119 : memref<128x128xf32, #tpu.memory_space<vmem>>) offsets(%dma_start3A_122 : memref<128xi32, #tpu.memory_space<vmem>>) semaphore(%arg17 : memref<!tpu.dma_semaphore, #tpu.memory_space<semaphore_mem>>)
      %add3A_126 = arith.constant 1 : i32
      %add3A_127 = arith.addi %sub3A_104, %add3A_126 : i32
      %dma_start3A_128 = arith.constant 128 : i32
      %dma_start3A_129 = arith.constant 0 : i32
      %dma_start3A_130 = tpu.memref_slice %arg12[%dma_start3A_128, %dma_start3A_129] : memref<256x128xf32, #tpu.memory_space<vmem>> -> memref<128x128xf32, #tpu.memory_space<vmem>>
      %dma_start3A_131 = arith.constant 0 : i32
      %dma_start3A_132 = tpu.memref_slice %arg9[%select_n3A_75, %add3A_127, %dma_start3A_131] : memref<4x8x128xi32, #tpu.memory_space<vmem>> -> memref<1x1x128xi32, #tpu.memory_space<vmem>>
      %dma_start3A_133 = tpu.memref_squeeze %dma_start3A_132 : memref<1x1x128xi32, #tpu.memory_space<vmem>> -> memref<128xi32, #tpu.memory_space<vmem>>
      %dma_start3A_134 = arith.constant 0 : i32
      %dma_start3A_135 = arith.constant 0 : i32
      %dma_start3A_136 = tpu.memref_slice %arg4[%dma_start3A_134, %dma_start3A_135] : memref<200000x128xf32, #tpu.memory_space<hbm>> -> memref<200000x128xf32, #tpu.memory_space<hbm>>
      tpu.enqueue_indirect_dma source(%dma_start3A_136 : memref<200000x128xf32, #tpu.memory_space<hbm>>) target(%dma_start3A_130 : memref<128x128xf32, #tpu.memory_space<vmem>>) offsets(%dma_start3A_133 : memref<128xi32, #tpu.memory_space<vmem>>) semaphore(%arg17 : memref<!tpu.dma_semaphore, #tpu.memory_space<semaphore_mem>>)
      %add3A_137 = arith.constant 1 : i32
      %add3A_138 = arith.addi %sub3A_104, %add3A_137 : i32
      %dma_start3A_139 = arith.constant 128 : i32
      %dma_start3A_140 = arith.constant 0 : i32
      %dma_start3A_141 = tpu.memref_slice %arg13[%dma_start3A_139, %dma_start3A_140] : memref<256x128xf32, #tpu.memory_space<vmem>> -> memref<128x128xf32, #tpu.memory_space<vmem>>
      %dma_start3A_142 = arith.constant 0 : i32
      %dma_start3A_143 = tpu.memref_slice %arg11[%select_n3A_75, %add3A_138, %dma_start3A_142] : memref<4x8x128xi32, #tpu.memory_space<vmem>> -> memref<1x1x128xi32, #tpu.memory_space<vmem>>
      %dma_start3A_144 = tpu.memref_squeeze %dma_start3A_143 : memref<1x1x128xi32, #tpu.memory_space<vmem>> -> memref<128xi32, #tpu.memory_space<vmem>>
      %dma_start3A_145 = arith.constant 0 : i32
      %dma_start3A_146 = arith.constant 0 : i32
      %dma_start3A_147 = tpu.memref_slice %arg4[%dma_start3A_145, %dma_start3A_146] : memref<200000x128xf32, #tpu.memory_space<hbm>> -> memref<200000x128xf32, #tpu.memory_space<hbm>>
      tpu.enqueue_indirect_dma source(%dma_start3A_147 : memref<200000x128xf32, #tpu.memory_space<hbm>>) target(%dma_start3A_141 : memref<128x128xf32, #tpu.memory_space<vmem>>) offsets(%dma_start3A_144 : memref<128xi32, #tpu.memory_space<vmem>>) semaphore(%arg17 : memref<!tpu.dma_semaphore, #tpu.memory_space<semaphore_mem>>)
      %dma_wait3A = arith.constant 0 : i32
      %dma_wait3A_148 = arith.constant 0 : i32
      %dma_wait3A_149 = tpu.memref_slice %arg12[%dma_wait3A, %dma_wait3A_148] : memref<256x128xf32, #tpu.memory_space<vmem>> -> memref<128x128xf32, #tpu.memory_space<vmem>>
      %dma_wait3A_150 = arith.constant 0 : i32
      %dma_wait3A_151 = tpu.memref_slice %arg9[%select_n3A_75, %add3A_106, %dma_wait3A_150] : memref<4x8x128xi32, #tpu.memory_space<vmem>> -> memref<1x1x128xi32, #tpu.memory_space<vmem>>
      %dma_wait3A_152 = tpu.memref_squeeze %dma_wait3A_151 : memref<1x1x128xi32, #tpu.memory_space<vmem>> -> memref<128xi32, #tpu.memory_space<vmem>>
      %dma_wait3A_153 = arith.constant 0 : i32
      %dma_wait3A_154 = arith.constant 0 : i32
      %dma_wait3A_155 = tpu.memref_slice %arg4[%dma_wait3A_153, %dma_wait3A_154] : memref<200000x128xf32, #tpu.memory_space<hbm>> -> memref<200000x128xf32, #tpu.memory_space<hbm>>
      tpu.wait_indirect_dma semaphore(%arg17 : memref<!tpu.dma_semaphore, #tpu.memory_space<semaphore_mem>>) src(%dma_wait3A_155 : memref<200000x128xf32, #tpu.memory_space<hbm>>) dst(%dma_wait3A_149 : memref<128x128xf32, #tpu.memory_space<vmem>>)
      %dma_wait3A_156 = arith.constant 0 : i32
      %dma_wait3A_157 = arith.constant 0 : i32
      %dma_wait3A_158 = tpu.memref_slice %arg13[%dma_wait3A_156, %dma_wait3A_157] : memref<256x128xf32, #tpu.memory_space<vmem>> -> memref<128x128xf32, #tpu.memory_space<vmem>>
      %dma_wait3A_159 = arith.constant 0 : i32
      %dma_wait3A_160 = tpu.memref_slice %arg11[%select_n3A_75, %add3A_116, %dma_wait3A_159] : memref<4x8x128xi32, #tpu.memory_space<vmem>> -> memref<1x1x128xi32, #tpu.memory_space<vmem>>
      %dma_wait3A_161 = tpu.memref_squeeze %dma_wait3A_160 : memref<1x1x128xi32, #tpu.memory_space<vmem>> -> memref<128xi32, #tpu.memory_space<vmem>>
      %dma_wait3A_162 = arith.constant 0 : i32
      %dma_wait3A_163 = arith.constant 0 : i32
      %dma_wait3A_164 = tpu.memref_slice %arg4[%dma_wait3A_162, %dma_wait3A_163] : memref<200000x128xf32, #tpu.memory_space<hbm>> -> memref<200000x128xf32, #tpu.memory_space<hbm>>
      tpu.wait_indirect_dma semaphore(%arg17 : memref<!tpu.dma_semaphore, #tpu.memory_space<semaphore_mem>>) src(%dma_wait3A_164 : memref<200000x128xf32, #tpu.memory_space<hbm>>) dst(%dma_wait3A_158 : memref<128x128xf32, #tpu.memory_space<vmem>>)
      %dma_wait3A_165 = arith.constant 128 : i32
      %dma_wait3A_166 = arith.constant 0 : i32
      %dma_wait3A_167 = tpu.memref_slice %arg12[%dma_wait3A_165, %dma_wait3A_166] : memref<256x128xf32, #tpu.memory_space<vmem>> -> memref<128x128xf32, #tpu.memory_space<vmem>>
      %dma_wait3A_168 = arith.constant 0 : i32
      %dma_wait3A_169 = tpu.memref_slice %arg9[%select_n3A_75, %add3A_127, %dma_wait3A_168] : memref<4x8x128xi32, #tpu.memory_space<vmem>> -> memref<1x1x128xi32, #tpu.memory_space<vmem>>
      %dma_wait3A_170 = tpu.memref_squeeze %dma_wait3A_169 : memref<1x1x128xi32, #tpu.memory_space<vmem>> -> memref<128xi32, #tpu.memory_space<vmem>>
      %dma_wait3A_171 = arith.constant 0 : i32
      %dma_wait3A_172 = arith.constant 0 : i32
      %dma_wait3A_173 = tpu.memref_slice %arg4[%dma_wait3A_171, %dma_wait3A_172] : memref<200000x128xf32, #tpu.memory_space<hbm>> -> memref<200000x128xf32, #tpu.memory_space<hbm>>
      tpu.wait_indirect_dma semaphore(%arg17 : memref<!tpu.dma_semaphore, #tpu.memory_space<semaphore_mem>>) src(%dma_wait3A_173 : memref<200000x128xf32, #tpu.memory_space<hbm>>) dst(%dma_wait3A_167 : memref<128x128xf32, #tpu.memory_space<vmem>>)
      %dma_wait3A_174 = arith.constant 128 : i32
      %dma_wait3A_175 = arith.constant 0 : i32
      %dma_wait3A_176 = tpu.memref_slice %arg13[%dma_wait3A_174, %dma_wait3A_175] : memref<256x128xf32, #tpu.memory_space<vmem>> -> memref<128x128xf32, #tpu.memory_space<vmem>>
      %dma_wait3A_177 = arith.constant 0 : i32
      %dma_wait3A_178 = tpu.memref_slice %arg11[%select_n3A_75, %add3A_138, %dma_wait3A_177] : memref<4x8x128xi32, #tpu.memory_space<vmem>> -> memref<1x1x128xi32, #tpu.memory_space<vmem>>
      %dma_wait3A_179 = tpu.memref_squeeze %dma_wait3A_178 : memref<1x1x128xi32, #tpu.memory_space<vmem>> -> memref<128xi32, #tpu.memory_space<vmem>>
      %dma_wait3A_180 = arith.constant 0 : i32
      %dma_wait3A_181 = arith.constant 0 : i32
      %dma_wait3A_182 = tpu.memref_slice %arg4[%dma_wait3A_180, %dma_wait3A_181] : memref<200000x128xf32, #tpu.memory_space<hbm>> -> memref<200000x128xf32, #tpu.memory_space<hbm>>
      tpu.wait_indirect_dma semaphore(%arg17 : memref<!tpu.dma_semaphore, #tpu.memory_space<semaphore_mem>>) src(%dma_wait3A_182 : memref<200000x128xf32, #tpu.memory_space<hbm>>) dst(%dma_wait3A_176 : memref<128x128xf32, #tpu.memory_space<vmem>>)
      %scan3A_183 = arith.constant 0 : i32
      %scan3A_184 = arith.constant 0 : i32
      %scan3A_185 = arith.constant 16 : i32
      %scan3A_186 = arith.addi %scan3A_184, %scan3A_185 : i32
      %scan3A_187 = arith.constant 1 : i32
      %scan3A_188 = scf.for %scan3A_199 = %scan3A_184 to %scan3A_186 step %scan3A_187 iter_args(%scan3A_200 = %scan3A_183) -> (i32)  : i32 {
        %iota3A = tpu.iota {dimensions = array<i32: 0>} : vector<16xi32>
        %mul3A_201 = arith.constant 16 : i32
        %mul3A_202 = arith.muli %scan3A_199, %mul3A_201 : i32
        %add3A_203 = vector.broadcast %mul3A_202 : i32 to vector<16xi32>
        %add3A_204 = arith.addi %iota3A, %add3A_203 : vector<16xi32>
        %mul3A_205 = arith.constant 2 : i32
        %mul3A_206 = arith.muli %scan3A_50, %mul3A_205 : i32
        %jit3A_207 = arith.constant 8 : i32
        %div3A_208 = arith.divsi %scan3A_199, %jit3A_207 : i32
        %sign3A_209 = arith.constant 0 : i32
        %sign3A_210 = arith.cmpi sgt, %scan3A_199, %sign3A_209 : i32
        %sign3A_211 = arith.extui %sign3A_210 : i1 to i32
        %sign3A_212 = arith.constant 0 : i32
        %sign3A_213 = arith.cmpi slt, %scan3A_199, %sign3A_212 : i32
        %sign3A_214 = arith.extui %sign3A_213 : i1 to i32
        %sign3A_215 = arith.subi %sign3A_211, %sign3A_214 : i32
        %sign3A_216 = arith.constant 0 : i32
        %sign3A_217 = arith.cmpi sgt, %jit3A_207, %sign3A_216 : i32
        %sign3A_218 = arith.extui %sign3A_217 : i1 to i32
        %sign3A_219 = arith.constant 0 : i32
        %sign3A_220 = arith.cmpi slt, %jit3A_207, %sign3A_219 : i32
        %sign3A_221 = arith.extui %sign3A_220 : i1 to i32
        %sign3A_222 = arith.subi %sign3A_218, %sign3A_221 : i32
        %ne3A_223 = arith.cmpi ne, %sign3A_215, %sign3A_222 : i32
        %rem3A_224 = arith.remsi %scan3A_199, %jit3A_207 : i32
        %ne3A_225 = arith.constant 0 : i32
        %ne3A_226 = arith.cmpi ne, %rem3A_224, %ne3A_225 : i32
        %and3A_227 = arith.andi %ne3A_223, %ne3A_226 : i1
        %sub3A_228 = arith.constant 1 : i32
        %sub3A_229 = arith.subi %div3A_208, %sub3A_228 : i32
        %select_n3A_230 = arith.select %and3A_227, %sub3A_229, %div3A_208 : i32
        %add3A_231 = arith.addi %mul3A_206, %select_n3A_230 : i32
        %jit3A_232 = arith.constant 8 : i32
        %eq3A_233 = arith.constant 0 : i32
        %eq3A_234 = arith.cmpi eq, %jit3A_232, %eq3A_233 : i32
        %jit3A_235 = arith.constant 1 : i32
        %select_n3A_236 = arith.select %eq3A_234, %jit3A_235, %jit3A_232 : i32
        %rem3A_237 = arith.remsi %scan3A_199, %select_n3A_236 : i32
        %ne3A_238 = arith.constant 0 : i32
        %ne3A_239 = arith.cmpi ne, %rem3A_237, %ne3A_238 : i32
        %lt3A_240 = arith.constant 0 : i32
        %lt3A_241 = arith.cmpi slt, %rem3A_237, %lt3A_240 : i32
        %lt3A_242 = arith.constant 0 : i32
        %lt3A_243 = arith.cmpi slt, %select_n3A_236, %lt3A_242 : i32
        %ne3A_244 = arith.xori %lt3A_241, %lt3A_243 : i1
        %and3A_245 = arith.andi %ne3A_244, %ne3A_239 : i1
        %add3A_246 = arith.addi %rem3A_237, %select_n3A_236 : i32
        %select_n3A_247 = arith.select %and3A_245, %add3A_246, %rem3A_237 : i32
        %mul3A_248 = arith.constant 16 : i32
        %mul3A_249 = arith.muli %select_n3A_247, %mul3A_248 : i32
        %jit3A_250 = arith.constant 8 : i32
        %div3A_251 = arith.divsi %add3A_231, %jit3A_250 : i32
        %sign3A_252 = arith.constant 0 : i32
        %sign3A_253 = arith.cmpi sgt, %add3A_231, %sign3A_252 : i32
        %sign3A_254 = arith.extui %sign3A_253 : i1 to i32
        %sign3A_255 = arith.constant 0 : i32
        %sign3A_256 = arith.cmpi slt, %add3A_231, %sign3A_255 : i32
        %sign3A_257 = arith.extui %sign3A_256 : i1 to i32
        %sign3A_258 = arith.subi %sign3A_254, %sign3A_257 : i32
        %sign3A_259 = arith.constant 0 : i32
        %sign3A_260 = arith.cmpi sgt, %jit3A_250, %sign3A_259 : i32
        %sign3A_261 = arith.extui %sign3A_260 : i1 to i32
        %sign3A_262 = arith.constant 0 : i32
        %sign3A_263 = arith.cmpi slt, %jit3A_250, %sign3A_262 : i32
        %sign3A_264 = arith.extui %sign3A_263 : i1 to i32
        %sign3A_265 = arith.subi %sign3A_261, %sign3A_264 : i32
        %ne3A_266 = arith.cmpi ne, %sign3A_258, %sign3A_265 : i32
        %rem3A_267 = arith.remsi %add3A_231, %jit3A_250 : i32
        %ne3A_268 = arith.constant 0 : i32
        %ne3A_269 = arith.cmpi ne, %rem3A_267, %ne3A_268 : i32
        %and3A_270 = arith.andi %ne3A_266, %ne3A_269 : i1
        %sub3A_271 = arith.constant 1 : i32
        %sub3A_272 = arith.subi %div3A_251, %sub3A_271 : i32
        %select_n3A_273 = arith.select %and3A_270, %sub3A_272, %div3A_251 : i32
        %jit3A_274 = arith.constant 8 : i32
        %eq3A_275 = arith.constant 0 : i32
        %eq3A_276 = arith.cmpi eq, %jit3A_274, %eq3A_275 : i32
        %jit3A_277 = arith.constant 1 : i32
        %select_n3A_278 = arith.select %eq3A_276, %jit3A_277, %jit3A_274 : i32
        %rem3A_279 = arith.remsi %add3A_231, %select_n3A_278 : i32
        %ne3A_280 = arith.constant 0 : i32
        %ne3A_281 = arith.cmpi ne, %rem3A_279, %ne3A_280 : i32
        %lt3A_282 = arith.constant 0 : i32
        %lt3A_283 = arith.cmpi slt, %rem3A_279, %lt3A_282 : i32
        %lt3A_284 = arith.constant 0 : i32
        %lt3A_285 = arith.cmpi slt, %select_n3A_278, %lt3A_284 : i32
        %ne3A_286 = arith.xori %lt3A_283, %lt3A_285 : i1
        %and3A_287 = arith.andi %ne3A_286, %ne3A_281 : i1
        %add3A_288 = arith.addi %rem3A_279, %select_n3A_278 : i32
        %select_n3A_289 = arith.select %and3A_287, %add3A_288, %rem3A_279 : i32
        %get3A = arith.index_cast %select_n3A_273 : i32 to index
        %get3A_290 = arith.index_cast %select_n3A_289 : i32 to index
        %get3A_291 = arith.index_cast %mul3A_249 : i32 to index
        %get3A_292 = tpu.vector_load %arg8[%get3A, %get3A_290, %get3A_291] {strides = array<i32>} : memref<4x8x128xi32, #tpu.memory_space<vmem>>, vector<16xi32>,
        %get3A_293 = arith.index_cast %select_n3A_273 : i32 to index
        %get3A_294 = arith.index_cast %select_n3A_289 : i32 to index
        %get3A_295 = arith.index_cast %mul3A_249 : i32 to index
        %get3A_296 = tpu.vector_load %arg10[%get3A_293, %get3A_294, %get3A_295] {strides = array<i32>} : memref<4x8x128xi32, #tpu.memory_space<vmem>>, vector<16xi32>,
        %add3A_297 = arith.constant 0 : i32
        %add3A_298 = vector.broadcast %add3A_297 : i32 to vector<16xi32>
        %add3A_299 = arith.addi %get3A_292, %add3A_298 : vector<16xi32>
        %gather3A = tpu.vector_load_idx %arg12[%add3A_204, %add3A_299] : memref<256x128xf32, #tpu.memory_space<vmem>>[vector<16xi32>, vector<16xi32>], vector<16xf32>,
        %add3A_300 = arith.constant 16 : i32
        %add3A_301 = vector.broadcast %add3A_300 : i32 to vector<16xi32>
        %add3A_302 = arith.addi %get3A_292, %add3A_301 : vector<16xi32>
        %gather3A_303 = tpu.vector_load_idx %arg12[%add3A_204, %add3A_302] : memref<256x128xf32, #tpu.memory_space<vmem>>[vector<16xi32>, vector<16xi32>], vector<16xf32>,
        %add3A_304 = arith.constant 0 : i32
        %add3A_305 = vector.broadcast %add3A_304 : i32 to vector<16xi32>
        %add3A_306 = arith.addi %get3A_296, %add3A_305 : vector<16xi32>
        %gather3A_307 = tpu.vector_load_idx %arg13[%add3A_204, %add3A_306] : memref<256x128xf32, #tpu.memory_space<vmem>>[vector<16xi32>, vector<16xi32>], vector<16xf32>,
        %add3A_308 = arith.constant 16 : i32
        %add3A_309 = vector.broadcast %add3A_308 : i32 to vector<16xi32>
        %add3A_310 = arith.addi %get3A_296, %add3A_309 : vector<16xi32>
        %gather3A_311 = tpu.vector_load_idx %arg13[%add3A_204, %add3A_310] : memref<256x128xf32, #tpu.memory_space<vmem>>[vector<16xi32>, vector<16xi32>], vector<16xf32>,
        %max3A = arith.constant 0.000000e+00 : f32
        %max3A_312 = vector.broadcast %max3A : f32 to vector<16xf32>
        %max3A_313 = arith.maximumf %gather3A, %max3A_312 : vector<16xf32>
        %min3A = arith.constant 1.000000e+00 : f32
        %min3A_314 = vector.broadcast %min3A : f32 to vector<16xf32>
        %min3A_315 = arith.minimumf %max3A_313, %min3A_314 : vector<16xf32>
        %max3A_316 = arith.constant 0.000000e+00 : f32
        %max3A_317 = vector.broadcast %max3A_316 : f32 to vector<16xf32>
        %max3A_318 = arith.maximumf %gather3A_303, %max3A_317 : vector<16xf32>
        %min3A_319 = arith.constant 1.000000e+00 : f32
        %min3A_320 = vector.broadcast %min3A_319 : f32 to vector<16xf32>
        %min3A_321 = arith.minimumf %max3A_318, %min3A_320 : vector<16xf32>
        %max3A_322 = arith.constant 0.000000e+00 : f32
        %max3A_323 = vector.broadcast %max3A_322 : f32 to vector<16xf32>
        %max3A_324 = arith.maximumf %gather3A_307, %max3A_323 : vector<16xf32>
        %min3A_325 = arith.constant 1.000000e+00 : f32
        %min3A_326 = vector.broadcast %min3A_325 : f32 to vector<16xf32>
        %min3A_327 = arith.minimumf %max3A_324, %min3A_326 : vector<16xf32>
        %max3A_328 = arith.constant 0.000000e+00 : f32
        %max3A_329 = vector.broadcast %max3A_328 : f32 to vector<16xf32>
        %max3A_330 = arith.maximumf %gather3A_311, %max3A_329 : vector<16xf32>
        %min3A_331 = arith.constant 1.000000e+00 : f32
        %min3A_332 = vector.broadcast %min3A_331 : f32 to vector<16xf32>
        %min3A_333 = arith.minimumf %max3A_330, %min3A_332 : vector<16xf32>
        %mul3A_334 = arith.constant 16 : i32
        %mul3A_335 = arith.muli %scan3A_199, %mul3A_334 : i32
        %swap3A = arith.constant 0 : i32
        %swap3A_336 = arith.index_cast %swap3A : i32 to index
        %swap3A_337 = arith.index_cast %mul3A_335 : i32 to index
        %swap3A_338 = tpu.vector_load %arg14[%swap3A_336, %swap3A_337] {strides = array<i32>} : memref<32x256xf32, #tpu.memory_space<vmem>>, vector<16xf32>,
        tpu.vector_store %arg14[%swap3A_336, %swap3A_337], %min3A_315 {strides = array<i32>} : memref<32x256xf32, #tpu.memory_space<vmem>>, vector<16xf32>,
        %mul3A_339 = arith.constant 16 : i32
        %mul3A_340 = arith.muli %scan3A_199, %mul3A_339 : i32
        %swap3A_341 = arith.constant 16 : i32
        %swap3A_342 = arith.index_cast %swap3A_341 : i32 to index
        %swap3A_343 = arith.index_cast %mul3A_340 : i32 to index
        %swap3A_344 = tpu.vector_load %arg14[%swap3A_342, %swap3A_343] {strides = array<i32>} : memref<32x256xf32, #tpu.memory_space<vmem>>, vector<16xf32>,
        tpu.vector_store %arg14[%swap3A_342, %swap3A_343], %min3A_321 {strides = array<i32>} : memref<32x256xf32, #tpu.memory_space<vmem>>, vector<16xf32>,
        %mul3A_345 = arith.constant 16 : i32
        %mul3A_346 = arith.muli %scan3A_199, %mul3A_345 : i32
        %swap3A_347 = arith.constant 0 : i32
        %swap3A_348 = arith.index_cast %swap3A_347 : i32 to index
        %swap3A_349 = arith.index_cast %mul3A_346 : i32 to index
        %swap3A_350 = tpu.vector_load %arg15[%swap3A_348, %swap3A_349] {strides = array<i32>} : memref<32x256xf32, #tpu.memory_space<vmem>>, vector<16xf32>,
        tpu.vector_store %arg15[%swap3A_348, %swap3A_349], %min3A_327 {strides = array<i32>} : memref<32x256xf32, #tpu.memory_space<vmem>>, vector<16xf32>,
        %mul3A_351 = arith.constant 16 : i32
        %mul3A_352 = arith.muli %scan3A_199, %mul3A_351 : i32
        %swap3A_353 = arith.constant 16 : i32
        %swap3A_354 = arith.index_cast %swap3A_353 : i32 to index
        %swap3A_355 = arith.index_cast %mul3A_352 : i32 to index
        %swap3A_356 = tpu.vector_load %arg15[%swap3A_354, %swap3A_355] {strides = array<i32>} : memref<32x256xf32, #tpu.memory_space<vmem>>, vector<16xf32>,
        tpu.vector_store %arg15[%swap3A_354, %swap3A_355], %min3A_333 {strides = array<i32>} : memref<32x256xf32, #tpu.memory_space<vmem>>, vector<16xf32>,
        %min3A_357 = arith.minimumf %min3A_321, %min3A_333 : vector<16xf32>
        %max3A_358 = arith.maximumf %min3A_315, %min3A_327 : vector<16xf32>
        %sub3A_359 = arith.subf %min3A_357, %max3A_358 : vector<16xf32>
        %mul3A_360 = arith.constant 16 : i32
        %mul3A_361 = arith.muli %scan3A_199, %mul3A_360 : i32
        %swap3A_362 = arith.constant 0 : i32
        %swap3A_363 = arith.index_cast %swap3A_362 : i32 to index
        %swap3A_364 = arith.index_cast %mul3A_361 : i32 to index
        %swap3A_365 = tpu.vector_load %arg16[%swap3A_363, %swap3A_364] {strides = array<i32>} : memref<32x256xf32, #tpu.memory_space<vmem>>, vector<16xf32>,
        tpu.vector_store %arg16[%swap3A_363, %swap3A_364], %sub3A_359 {strides = array<i32>} : memref<32x256xf32, #tpu.memory_space<vmem>>, vector<16xf32>,
        %sub3A_366 = arith.subf %min3A_333, %min3A_327 : vector<16xf32>
        %mul3A_367 = arith.constant 16 : i32
        %mul3A_368 = arith.muli %scan3A_199, %mul3A_367 : i32
        %swap3A_369 = arith.constant 16 : i32
        %swap3A_370 = arith.index_cast %swap3A_369 : i32 to index
        %swap3A_371 = arith.index_cast %mul3A_368 : i32 to index
        %swap3A_372 = tpu.vector_load %arg16[%swap3A_370, %swap3A_371] {strides = array<i32>} : memref<32x256xf32, #tpu.memory_space<vmem>>, vector<16xf32>,
        tpu.vector_store %arg16[%swap3A_370, %swap3A_371], %sub3A_366 {strides = array<i32>} : memref<32x256xf32, #tpu.memory_space<vmem>>, vector<16xf32>,
        %add3A_373 = arith.constant 1 : i32
        %add3A_374 = vector.broadcast %add3A_373 : i32 to vector<16xi32>
        %add3A_375 = arith.addi %get3A_292, %add3A_374 : vector<16xi32>
        %gather3A_376 = tpu.vector_load_idx %arg12[%add3A_204, %add3A_375] : memref<256x128xf32, #tpu.memory_space<vmem>>[vector<16xi32>, vector<16xi32>], vector<16xf32>,
        %add3A_377 = arith.constant 17 : i32
        %add3A_378 = vector.broadcast %add3A_377 : i32 to vector<16xi32>
        %add3A_379 = arith.addi %get3A_292, %add3A_378 : vector<16xi32>
        %gather3A_380 = tpu.vector_load_idx %arg12[%add3A_204, %add3A_379] : memref<256x128xf32, #tpu.memory_space<vmem>>[vector<16xi32>, vector<16xi32>], vector<16xf32>,
        %add3A_381 = arith.constant 1 : i32
        %add3A_382 = vector.broadcast %add3A_381 : i32 to vector<16xi32>
        %add3A_383 = arith.addi %get3A_296, %add3A_382 : vector<16xi32>
        %gather3A_384 = tpu.vector_load_idx %arg13[%add3A_204, %add3A_383] : memref<256x128xf32, #tpu.memory_space<vmem>>[vector<16xi32>, vector<16xi32>], vector<16xf32>,
        %add3A_385 = arith.constant 17 : i32
        %add3A_386 = vector.broadcast %add3A_385 : i32 to vector<16xi32>
        %add3A_387 = arith.addi %get3A_296, %add3A_386 : vector<16xi32>
        %gather3A_388 = tpu.vector_load_idx %arg13[%add3A_204, %add3A_387] : memref<256x128xf32, #tpu.memory_space<vmem>>[vector<16xi32>, vector<16xi32>], vector<16xf32>,
        %max3A_389 = arith.constant 0.000000e+00 : f32
        %max3A_390 = vector.broadcast %max3A_389 : f32 to vector<16xf32>
        %max3A_391 = arith.maximumf %gather3A_376, %max3A_390 : vector<16xf32>
        %min3A_392 = arith.constant 1.000000e+00 : f32
        %min3A_393 = vector.broadcast %min3A_392 : f32 to vector<16xf32>
        %min3A_394 = arith.minimumf %max3A_391, %min3A_393 : vector<16xf32>
        %max3A_395 = arith.constant 0.000000e+00 : f32
        %max3A_396 = vector.broadcast %max3A_395 : f32 to vector<16xf32>
        %max3A_397 = arith.maximumf %gather3A_380, %max3A_396 : vector<16xf32>
        %min3A_398 = arith.constant 1.000000e+00 : f32
        %min3A_399 = vector.broadcast %min3A_398 : f32 to vector<16xf32>
        %min3A_400 = arith.minimumf %max3A_397, %min3A_399 : vector<16xf32>
        %max3A_401 = arith.constant 0.000000e+00 : f32
        %max3A_402 = vector.broadcast %max3A_401 : f32 to vector<16xf32>
        %max3A_403 = arith.maximumf %gather3A_384, %max3A_402 : vector<16xf32>
        %min3A_404 = arith.constant 1.000000e+00 : f32
        %min3A_405 = vector.broadcast %min3A_404 : f32 to vector<16xf32>
        %min3A_406 = arith.minimumf %max3A_403, %min3A_405 : vector<16xf32>
        %max3A_407 = arith.constant 0.000000e+00 : f32
        %max3A_408 = vector.broadcast %max3A_407 : f32 to vector<16xf32>
        %max3A_409 = arith.maximumf %gather3A_388, %max3A_408 : vector<16xf32>
        %min3A_410 = arith.constant 1.000000e+00 : f32
        %min3A_411 = vector.broadcast %min3A_410 : f32 to vector<16xf32>
        %min3A_412 = arith.minimumf %max3A_409, %min3A_411 : vector<16xf32>
        %mul3A_413 = arith.constant 16 : i32
        %mul3A_414 = arith.muli %scan3A_199, %mul3A_413 : i32
        %swap3A_415 = arith.constant 1 : i32
        %swap3A_416 = arith.index_cast %swap3A_415 : i32 to index
        %swap3A_417 = arith.index_cast %mul3A_414 : i32 to index
        %swap3A_418 = tpu.vector_load %arg14[%swap3A_416, %swap3A_417] {strides = array<i32>} : memref<32x256xf32, #tpu.memory_space<vmem>>, vector<16xf32>,
        tpu.vector_store %arg14[%swap3A_416, %swap3A_417], %min3A_394 {strides = array<i32>} : memref<32x256xf32, #tpu.memory_space<vmem>>, vector<16xf32>,
        %mul3A_419 = arith.constant 16 : i32
        %mul3A_420 = arith.muli %scan3A_199, %mul3A_419 : i32
        %swap3A_421 = arith.constant 17 : i32
        %swap3A_422 = arith.index_cast %swap3A_421 : i32 to index
        %swap3A_423 = arith.index_cast %mul3A_420 : i32 to index
        %swap3A_424 = tpu.vector_load %arg14[%swap3A_422, %swap3A_423] {strides = array<i32>} : memref<32x256xf32, #tpu.memory_space<vmem>>, vector<16xf32>,
        tpu.vector_store %arg14[%swap3A_422, %swap3A_423], %min3A_400 {strides = array<i32>} : memref<32x256xf32, #tpu.memory_space<vmem>>, vector<16xf32>,
        %mul3A_425 = arith.constant 16 : i32
        %mul3A_426 = arith.muli %scan3A_199, %mul3A_425 : i32
        %swap3A_427 = arith.constant 1 : i32
        %swap3A_428 = arith.index_cast %swap3A_427 : i32 to index
        %swap3A_429 = arith.index_cast %mul3A_426 : i32 to index
        %swap3A_430 = tpu.vector_load %arg15[%swap3A_428, %swap3A_429] {strides = array<i32>} : memref<32x256xf32, #tpu.memory_space<vmem>>, vector<16xf32>,
        tpu.vector_store %arg15[%swap3A_428, %swap3A_429], %min3A_406 {strides = array<i32>} : memref<32x256xf32, #tpu.memory_space<vmem>>, vector<16xf32>,
        %mul3A_431 = arith.constant 16 : i32
        %mul3A_432 = arith.muli %scan3A_199, %mul3A_431 : i32
        %swap3A_433 = arith.constant 17 : i32
        %swap3A_434 = arith.index_cast %swap3A_433 : i32 to index
        %swap3A_435 = arith.index_cast %mul3A_432 : i32 to index
        %swap3A_436 = tpu.vector_load %arg15[%swap3A_434, %swap3A_435] {strides = array<i32>} : memref<32x256xf32, #tpu.memory_space<vmem>>, vector<16xf32>,
        tpu.vector_store %arg15[%swap3A_434, %swap3A_435], %min3A_412 {strides = array<i32>} : memref<32x256xf32, #tpu.memory_space<vmem>>, vector<16xf32>,
        %min3A_437 = arith.minimumf %min3A_400, %min3A_412 : vector<16xf32>
        %max3A_438 = arith.maximumf %min3A_394, %min3A_406 : vector<16xf32>
        %sub3A_439 = arith.subf %min3A_437, %max3A_438 : vector<16xf32>
        %mul3A_440 = arith.constant 16 : i32
        %mul3A_441 = arith.muli %scan3A_199, %mul3A_440 : i32
        %swap3A_442 = arith.constant 1 : i32
        %swap3A_443 = arith.index_cast %swap3A_442 : i32 to index
        %swap3A_444 = arith.index_cast %mul3A_441 : i32 to index
        %swap3A_445 = tpu.vector_load %arg16[%swap3A_443, %swap3A_444] {strides = array<i32>} : memref<32x256xf32, #tpu.memory_space<vmem>>, vector<16xf32>,
        tpu.vector_store %arg16[%swap3A_443, %swap3A_444], %sub3A_439 {strides = array<i32>} : memref<32x256xf32, #tpu.memory_space<vmem>>, vector<16xf32>,
        %sub3A_446 = arith.subf %min3A_412, %min3A_406 : vector<16xf32>
        %mul3A_447 = arith.constant 16 : i32
        %mul3A_448 = arith.muli %scan3A_199, %mul3A_447 : i32
        %swap3A_449 = arith.constant 17 : i32
        %swap3A_450 = arith.index_cast %swap3A_449 : i32 to index
        %swap3A_451 = arith.index_cast %mul3A_448 : i32 to index
        %swap3A_452 = tpu.vector_load %arg16[%swap3A_450, %swap3A_451] {strides = array<i32>} : memref<32x256xf32, #tpu.memory_space<vmem>>, vector<16xf32>,
        tpu.vector_store %arg16[%swap3A_450, %swap3A_451], %sub3A_446 {strides = array<i32>} : memref<32x256xf32, #tpu.memory_space<vmem>>, vector<16xf32>,
        %add3A_453 = arith.constant 2 : i32
        %add3A_454 = vector.broadcast %add3A_453 : i32 to vector<16xi32>
        %add3A_455 = arith.addi %get3A_292, %add3A_454 : vector<16xi32>
        %gather3A_456 = tpu.vector_load_idx %arg12[%add3A_204, %add3A_455] : memref<256x128xf32, #tpu.memory_space<vmem>>[vector<16xi32>, vector<16xi32>], vector<16xf32>,
        %add3A_457 = arith.constant 18 : i32
        %add3A_458 = vector.broadcast %add3A_457 : i32 to vector<16xi32>
        %add3A_459 = arith.addi %get3A_292, %add3A_458 : vector<16xi32>
        %gather3A_460 = tpu.vector_load_idx %arg12[%add3A_204, %add3A_459] : memref<256x128xf32, #tpu.memory_space<vmem>>[vector<16xi32>, vector<16xi32>], vector<16xf32>,
        %add3A_461 = arith.constant 2 : i32
        %add3A_462 = vector.broadcast %add3A_461 : i32 to vector<16xi32>
        %add3A_463 = arith.addi %get3A_296, %add3A_462 : vector<16xi32>
        %gather3A_464 = tpu.vector_load_idx %arg13[%add3A_204, %add3A_463] : memref<256x128xf32, #tpu.memory_space<vmem>>[vector<16xi32>, vector<16xi32>], vector<16xf32>,
        %add3A_465 = arith.constant 18 : i32
        %add3A_466 = vector.broadcast %add3A_465 : i32 to vector<16xi32>
        %add3A_467 = arith.addi %get3A_296, %add3A_466 : vector<16xi32>
        %gather3A_468 = tpu.vector_load_idx %arg13[%add3A_204, %add3A_467] : memref<256x128xf32, #tpu.memory_space<vmem>>[vector<16xi32>, vector<16xi32>], vector<16xf32>,
        %max3A_469 = arith.constant 0.000000e+00 : f32
        %max3A_470 = vector.broadcast %max3A_469 : f32 to vector<16xf32>
        %max3A_471 = arith.maximumf %gather3A_456, %max3A_470 : vector<16xf32>
        %min3A_472 = arith.constant 1.000000e+00 : f32
        %min3A_473 = vector.broadcast %min3A_472 : f32 to vector<16xf32>
        %min3A_474 = arith.minimumf %max3A_471, %min3A_473 : vector<16xf32>
        %max3A_475 = arith.constant 0.000000e+00 : f32
        %max3A_476 = vector.broadcast %max3A_475 : f32 to vector<16xf32>
        %max3A_477 = arith.maximumf %gather3A_460, %max3A_476 : vector<16xf32>
        %min3A_478 = arith.constant 1.000000e+00 : f32
        %min3A_479 = vector.broadcast %min3A_478 : f32 to vector<16xf32>
        %min3A_480 = arith.minimumf %max3A_477, %min3A_479 : vector<16xf32>
        %max3A_481 = arith.constant 0.000000e+00 : f32
        %max3A_482 = vector.broadcast %max3A_481 : f32 to vector<16xf32>
        %max3A_483 = arith.maximumf %gather3A_464, %max3A_482 : vector<16xf32>
        %min3A_484 = arith.constant 1.000000e+00 : f32
        %min3A_485 = vector.broadcast %min3A_484 : f32 to vector<16xf32>
        %min3A_486 = arith.minimumf %max3A_483, %min3A_485 : vector<16xf32>
        %max3A_487 = arith.constant 0.000000e+00 : f32
        %max3A_488 = vector.broadcast %max3A_487 : f32 to vector<16xf32>
        %max3A_489 = arith.maximumf %gather3A_468, %max3A_488 : vector<16xf32>
        %min3A_490 = arith.constant 1.000000e+00 : f32
        %min3A_491 = vector.broadcast %min3A_490 : f32 to vector<16xf32>
        %min3A_492 = arith.minimumf %max3A_489, %min3A_491 : vector<16xf32>
        %mul3A_493 = arith.constant 16 : i32
        %mul3A_494 = arith.muli %scan3A_199, %mul3A_493 : i32
        %swap3A_495 = arith.constant 2 : i32
        %swap3A_496 = arith.index_cast %swap3A_495 : i32 to index
        %swap3A_497 = arith.index_cast %mul3A_494 : i32 to index
        %swap3A_498 = tpu.vector_load %arg14[%swap3A_496, %swap3A_497] {strides = array<i32>} : memref<32x256xf32, #tpu.memory_space<vmem>>, vector<16xf32>,
        tpu.vector_store %arg14[%swap3A_496, %swap3A_497], %min3A_474 {strides = array<i32>} : memref<32x256xf32, #tpu.memory_space<vmem>>, vector<16xf32>,
        %mul3A_499 = arith.constant 16 : i32
        %mul3A_500 = arith.muli %scan3A_199, %mul3A_499 : i32
        %swap3A_501 = arith.constant 18 : i32
        %swap3A_502 = arith.index_cast %swap3A_501 : i32 to index
        %swap3A_503 = arith.index_cast %mul3A_500 : i32 to index
        %swap3A_504 = tpu.vector_load %arg14[%swap3A_502, %swap3A_503] {strides = array<i32>} : memref<32x256xf32, #tpu.memory_space<vmem>>, vector<16xf32>,
        tpu.vector_store %arg14[%swap3A_502, %swap3A_503], %min3A_480 {strides = array<i32>} : memref<32x256xf32, #tpu.memory_space<vmem>>, vector<16xf32>,
        %mul3A_505 = arith.constant 16 : i32
        %mul3A_506 = arith.muli %scan3A_199, %mul3A_505 : i32
        %swap3A_507 = arith.constant 2 : i32
        %swap3A_508 = arith.index_cast %swap3A_507 : i32 to index
        %swap3A_509 = arith.index_cast %mul3A_506 : i32 to index
        %swap3A_510 = tpu.vector_load %arg15[%swap3A_508, %swap3A_509] {strides = array<i32>} : memref<32x256xf32, #tpu.memory_space<vmem>>, vector<16xf32>,
        tpu.vector_store %arg15[%swap3A_508, %swap3A_509], %min3A_486 {strides = array<i32>} : memref<32x256xf32, #tpu.memory_space<vmem>>, vector<16xf32>,
        %mul3A_511 = arith.constant 16 : i32
        %mul3A_512 = arith.muli %scan3A_199, %mul3A_511 : i32
        %swap3A_513 = arith.constant 18 : i32
        %swap3A_514 = arith.index_cast %swap3A_513 : i32 to index
        %swap3A_515 = arith.index_cast %mul3A_512 : i32 to index
        %swap3A_516 = tpu.vector_load %arg15[%swap3A_514, %swap3A_515] {strides = array<i32>} : memref<32x256xf32, #tpu.memory_space<vmem>>, vector<16xf32>,
        tpu.vector_store %arg15[%swap3A_514, %swap3A_515], %min3A_492 {strides = array<i32>} : memref<32x256xf32, #tpu.memory_space<vmem>>, vector<16xf32>,
        %min3A_517 = arith.minimumf %min3A_480, %min3A_492 : vector<16xf32>
        %max3A_518 = arith.maximumf %min3A_474, %min3A_486 : vector<16xf32>
        %sub3A_519 = arith.subf %min3A_517, %max3A_518 : vector<16xf32>
        %mul3A_520 = arith.constant 16 : i32
        %mul3A_521 = arith.muli %scan3A_199, %mul3A_520 : i32
        %swap3A_522 = arith.constant 2 : i32
        %swap3A_523 = arith.index_cast %swap3A_522 : i32 to index
        %swap3A_524 = arith.index_cast %mul3A_521 : i32 to index
        %swap3A_525 = tpu.vector_load %arg16[%swap3A_523, %swap3A_524] {strides = array<i32>} : memref<32x256xf32, #tpu.memory_space<vmem>>, vector<16xf32>,
        tpu.vector_store %arg16[%swap3A_523, %swap3A_524], %sub3A_519 {strides = array<i32>} : memref<32x256xf32, #tpu.memory_space<vmem>>, vector<16xf32>,
        %sub3A_526 = arith.subf %min3A_492, %min3A_486 : vector<16xf32>
        %mul3A_527 = arith.constant 16 : i32
        %mul3A_528 = arith.muli %scan3A_199, %mul3A_527 : i32
        %swap3A_529 = arith.constant 18 : i32
        %swap3A_530 = arith.index_cast %swap3A_529 : i32 to index
        %swap3A_531 = arith.index_cast %mul3A_528 : i32 to index
        %swap3A_532 = tpu.vector_load %arg16[%swap3A_530, %swap3A_531] {strides = array<i32>} : memref<32x256xf32, #tpu.memory_space<vmem>>, vector<16xf32>,
        tpu.vector_store %arg16[%swap3A_530, %swap3A_531], %sub3A_526 {strides = array<i32>} : memref<32x256xf32, #tpu.memory_space<vmem>>, vector<16xf32>,
        %add3A_533 = arith.constant 3 : i32
        %add3A_534 = vector.broadcast %add3A_533 : i32 to vector<16xi32>
        %add3A_535 = arith.addi %get3A_292, %add3A_534 : vector<16xi32>
        %gather3A_536 = tpu.vector_load_idx %arg12[%add3A_204, %add3A_535] : memref<256x128xf32, #tpu.memory_space<vmem>>[vector<16xi32>, vector<16xi32>], vector<16xf32>,
        %add3A_537 = arith.constant 19 : i32
        %add3A_538 = vector.broadcast %add3A_537 : i32 to vector<16xi32>
        %add3A_539 = arith.addi %get3A_292, %add3A_538 : vector<16xi32>
        %gather3A_540 = tpu.vector_load_idx %arg12[%add3A_204, %add3A_539] : memref<256x128xf32, #tpu.memory_space<vmem>>[vector<16xi32>, vector<16xi32>], vector<16xf32>,
        %add3A_541 = arith.constant 3 : i32
        %add3A_542 = vector.broadcast %add3A_541 : i32 to vector<16xi32>
        %add3A_543 = arith.addi %get3A_296, %add3A_542 : vector<16xi32>
        %gather3A_544 = tpu.vector_load_idx %arg13[%add3A_204, %add3A_543] : memref<256x128xf32, #tpu.memory_space<vmem>>[vector<16xi32>, vector<16xi32>], vector<16xf32>,
        %add3A_545 = arith.constant 19 : i32
        %add3A_546 = vector.broadcast %add3A_545 : i32 to vector<16xi32>
        %add3A_547 = arith.addi %get3A_296, %add3A_546 : vector<16xi32>
        %gather3A_548 = tpu.vector_load_idx %arg13[%add3A_204, %add3A_547] : memref<256x128xf32, #tpu.memory_space<vmem>>[vector<16xi32>, vector<16xi32>], vector<16xf32>,
        %max3A_549 = arith.constant 0.000000e+00 : f32
        %max3A_550 = vector.broadcast %max3A_549 : f32 to vector<16xf32>
        %max3A_551 = arith.maximumf %gather3A_536, %max3A_550 : vector<16xf32>
        %min3A_552 = arith.constant 1.000000e+00 : f32
        %min3A_553 = vector.broadcast %min3A_552 : f32 to vector<16xf32>
        %min3A_554 = arith.minimumf %max3A_551, %min3A_553 : vector<16xf32>
        %max3A_555 = arith.constant 0.000000e+00 : f32
        %max3A_556 = vector.broadcast %max3A_555 : f32 to vector<16xf32>
        %max3A_557 = arith.maximumf %gather3A_540, %max3A_556 : vector<16xf32>
        %min3A_558 = arith.constant 1.000000e+00 : f32
        %min3A_559 = vector.broadcast %min3A_558 : f32 to vector<16xf32>
        %min3A_560 = arith.minimumf %max3A_557, %min3A_559 : vector<16xf32>
        %max3A_561 = arith.constant 0.000000e+00 : f32
        %max3A_562 = vector.broadcast %max3A_561 : f32 to vector<16xf32>
        %max3A_563 = arith.maximumf %gather3A_544, %max3A_562 : vector<16xf32>
        %min3A_564 = arith.constant 1.000000e+00 : f32
        %min3A_565 = vector.broadcast %min3A_564 : f32 to vector<16xf32>
        %min3A_566 = arith.minimumf %max3A_563, %min3A_565 : vector<16xf32>
        %max3A_567 = arith.constant 0.000000e+00 : f32
        %max3A_568 = vector.broadcast %max3A_567 : f32 to vector<16xf32>
        %max3A_569 = arith.maximumf %gather3A_548, %max3A_568 : vector<16xf32>
        %min3A_570 = arith.constant 1.000000e+00 : f32
        %min3A_571 = vector.broadcast %min3A_570 : f32 to vector<16xf32>
        %min3A_572 = arith.minimumf %max3A_569, %min3A_571 : vector<16xf32>
        %mul3A_573 = arith.constant 16 : i32
        %mul3A_574 = arith.muli %scan3A_199, %mul3A_573 : i32
        %swap3A_575 = arith.constant 3 : i32
        %swap3A_576 = arith.index_cast %swap3A_575 : i32 to index
        %swap3A_577 = arith.index_cast %mul3A_574 : i32 to index
        %swap3A_578 = tpu.vector_load %arg14[%swap3A_576, %swap3A_577] {strides = array<i32>} : memref<32x256xf32, #tpu.memory_space<vmem>>, vector<16xf32>,
        tpu.vector_store %arg14[%swap3A_576, %swap3A_577], %min3A_554 {strides = array<i32>} : memref<32x256xf32, #tpu.memory_space<vmem>>, vector<16xf32>,
        %mul3A_579 = arith.constant 16 : i32
        %mul3A_580 = arith.muli %scan3A_199, %mul3A_579 : i32
        %swap3A_581 = arith.constant 19 : i32
        %swap3A_582 = arith.index_cast %swap3A_581 : i32 to index
        %swap3A_583 = arith.index_cast %mul3A_580 : i32 to index
        %swap3A_584 = tpu.vector_load %arg14[%swap3A_582, %swap3A_583] {strides = array<i32>} : memref<32x256xf32, #tpu.memory_space<vmem>>, vector<16xf32>,
        tpu.vector_store %arg14[%swap3A_582, %swap3A_583], %min3A_560 {strides = array<i32>} : memref<32x256xf32, #tpu.memory_space<vmem>>, vector<16xf32>,
        %mul3A_585 = arith.constant 16 : i32
        %mul3A_586 = arith.muli %scan3A_199, %mul3A_585 : i32
        %swap3A_587 = arith.constant 3 : i32
        %swap3A_588 = arith.index_cast %swap3A_587 : i32 to index
        %swap3A_589 = arith.index_cast %mul3A_586 : i32 to index
        %swap3A_590 = tpu.vector_load %arg15[%swap3A_588, %swap3A_589] {strides = array<i32>} : memref<32x256xf32, #tpu.memory_space<vmem>>, vector<16xf32>,
        tpu.vector_store %arg15[%swap3A_588, %swap3A_589], %min3A_566 {strides = array<i32>} : memref<32x256xf32, #tpu.memory_space<vmem>>, vector<16xf32>,
        %mul3A_591 = arith.constant 16 : i32
        %mul3A_592 = arith.muli %scan3A_199, %mul3A_591 : i32
        %swap3A_593 = arith.constant 19 : i32
        %swap3A_594 = arith.index_cast %swap3A_593 : i32 to index
        %swap3A_595 = arith.index_cast %mul3A_592 : i32 to index
        %swap3A_596 = tpu.vector_load %arg15[%swap3A_594, %swap3A_595] {strides = array<i32>} : memref<32x256xf32, #tpu.memory_space<vmem>>, vector<16xf32>,
        tpu.vector_store %arg15[%swap3A_594, %swap3A_595], %min3A_572 {strides = array<i32>} : memref<32x256xf32, #tpu.memory_space<vmem>>, vector<16xf32>,
        %min3A_597 = arith.minimumf %min3A_560, %min3A_572 : vector<16xf32>
        %max3A_598 = arith.maximumf %min3A_554, %min3A_566 : vector<16xf32>
        %sub3A_599 = arith.subf %min3A_597, %max3A_598 : vector<16xf32>
        %mul3A_600 = arith.constant 16 : i32
        %mul3A_601 = arith.muli %scan3A_199, %mul3A_600 : i32
        %swap3A_602 = arith.constant 3 : i32
        %swap3A_603 = arith.index_cast %swap3A_602 : i32 to index
        %swap3A_604 = arith.index_cast %mul3A_601 : i32 to index
        %swap3A_605 = tpu.vector_load %arg16[%swap3A_603, %swap3A_604] {strides = array<i32>} : memref<32x256xf32, #tpu.memory_space<vmem>>, vector<16xf32>,
        tpu.vector_store %arg16[%swap3A_603, %swap3A_604], %sub3A_599 {strides = array<i32>} : memref<32x256xf32, #tpu.memory_space<vmem>>, vector<16xf32>,
        %sub3A_606 = arith.subf %min3A_572, %min3A_566 : vector<16xf32>
        %mul3A_607 = arith.constant 16 : i32
        %mul3A_608 = arith.muli %scan3A_199, %mul3A_607 : i32
        %swap3A_609 = arith.constant 19 : i32
        %swap3A_610 = arith.index_cast %swap3A_609 : i32 to index
        %swap3A_611 = arith.index_cast %mul3A_608 : i32 to index
        %swap3A_612 = tpu.vector_load %arg16[%swap3A_610, %swap3A_611] {strides = array<i32>} : memref<32x256xf32, #tpu.memory_space<vmem>>, vector<16xf32>,
        tpu.vector_store %arg16[%swap3A_610, %swap3A_611], %sub3A_606 {strides = array<i32>} : memref<32x256xf32, #tpu.memory_space<vmem>>, vector<16xf32>,
        %add3A_613 = arith.constant 4 : i32
        %add3A_614 = vector.broadcast %add3A_613 : i32 to vector<16xi32>
        %add3A_615 = arith.addi %get3A_292, %add3A_614 : vector<16xi32>
        %gather3A_616 = tpu.vector_load_idx %arg12[%add3A_204, %add3A_615] : memref<256x128xf32, #tpu.memory_space<vmem>>[vector<16xi32>, vector<16xi32>], vector<16xf32>,
        %add3A_617 = arith.constant 20 : i32
        %add3A_618 = vector.broadcast %add3A_617 : i32 to vector<16xi32>
        %add3A_619 = arith.addi %get3A_292, %add3A_618 : vector<16xi32>
        %gather3A_620 = tpu.vector_load_idx %arg12[%add3A_204, %add3A_619] : memref<256x128xf32, #tpu.memory_space<vmem>>[vector<16xi32>, vector<16xi32>], vector<16xf32>,
        %add3A_621 = arith.constant 4 : i32
        %add3A_622 = vector.broadcast %add3A_621 : i32 to vector<16xi32>
        %add3A_623 = arith.addi %get3A_296, %add3A_622 : vector<16xi32>
        %gather3A_624 = tpu.vector_load_idx %arg13[%add3A_204, %add3A_623] : memref<256x128xf32, #tpu.memory_space<vmem>>[vector<16xi32>, vector<16xi32>], vector<16xf32>,
        %add3A_625 = arith.constant 20 : i32
        %add3A_626 = vector.broadcast %add3A_625 : i32 to vector<16xi32>
        %add3A_627 = arith.addi %get3A_296, %add3A_626 : vector<16xi32>
        %gather3A_628 = tpu.vector_load_idx %arg13[%add3A_204, %add3A_627] : memref<256x128xf32, #tpu.memory_space<vmem>>[vector<16xi32>, vector<16xi32>], vector<16xf32>,
        %max3A_629 = arith.constant 0.000000e+00 : f32
        %max3A_630 = vector.broadcast %max3A_629 : f32 to vector<16xf32>
        %max3A_631 = arith.maximumf %gather3A_616, %max3A_630 : vector<16xf32>
        %min3A_632 = arith.constant 1.000000e+00 : f32
        %min3A_633 = vector.broadcast %min3A_632 : f32 to vector<16xf32>
        %min3A_634 = arith.minimumf %max3A_631, %min3A_633 : vector<16xf32>
        %max3A_635 = arith.constant 0.000000e+00 : f32
        %max3A_636 = vector.broadcast %max3A_635 : f32 to vector<16xf32>
        %max3A_637 = arith.maximumf %gather3A_620, %max3A_636 : vector<16xf32>
        %min3A_638 = arith.constant 1.000000e+00 : f32
        %min3A_639 = vector.broadcast %min3A_638 : f32 to vector<16xf32>
        %min3A_640 = arith.minimumf %max3A_637, %min3A_639 : vector<16xf32>
        %max3A_641 = arith.constant 0.000000e+00 : f32
        %max3A_642 = vector.broadcast %max3A_641 : f32 to vector<16xf32>
        %max3A_643 = arith.maximumf %gather3A_624, %max3A_642 : vector<16xf32>
        %min3A_644 = arith.constant 1.000000e+00 : f32
        %min3A_645 = vector.broadcast %min3A_644 : f32 to vector<16xf32>
        %min3A_646 = arith.minimumf %max3A_643, %min3A_645 : vector<16xf32>
        %max3A_647 = arith.constant 0.000000e+00 : f32
        %max3A_648 = vector.broadcast %max3A_647 : f32 to vector<16xf32>
        %max3A_649 = arith.maximumf %gather3A_628, %max3A_648 : vector<16xf32>
        %min3A_650 = arith.constant 1.000000e+00 : f32
        %min3A_651 = vector.broadcast %min3A_650 : f32 to vector<16xf32>
        %min3A_652 = arith.minimumf %max3A_649, %min3A_651 : vector<16xf32>
        %mul3A_653 = arith.constant 16 : i32
        %mul3A_654 = arith.muli %scan3A_199, %mul3A_653 : i32
        %swap3A_655 = arith.constant 4 : i32
        %swap3A_656 = arith.index_cast %swap3A_655 : i32 to index
        %swap3A_657 = arith.index_cast %mul3A_654 : i32 to index
        %swap3A_658 = tpu.vector_load %arg14[%swap3A_656, %swap3A_657] {strides = array<i32>} : memref<32x256xf32, #tpu.memory_space<vmem>>, vector<16xf32>,
        tpu.vector_store %arg14[%swap3A_656, %swap3A_657], %min3A_634 {strides = array<i32>} : memref<32x256xf32, #tpu.memory_space<vmem>>, vector<16xf32>,
        %mul3A_659 = arith.constant 16 : i32
        %mul3A_660 = arith.muli %scan3A_199, %mul3A_659 : i32
        %swap3A_661 = arith.constant 20 : i32
        %swap3A_662 = arith.index_cast %swap3A_661 : i32 to index
        %swap3A_663 = arith.index_cast %mul3A_660 : i32 to index
        %swap3A_664 = tpu.vector_load %arg14[%swap3A_662, %swap3A_663] {strides = array<i32>} : memref<32x256xf32, #tpu.memory_space<vmem>>, vector<16xf32>,
        tpu.vector_store %arg14[%swap3A_662, %swap3A_663], %min3A_640 {strides = array<i32>} : memref<32x256xf32, #tpu.memory_space<vmem>>, vector<16xf32>,
        %mul3A_665 = arith.constant 16 : i32
        %mul3A_666 = arith.muli %scan3A_199, %mul3A_665 : i32
        %swap3A_667 = arith.constant 4 : i32
        %swap3A_668 = arith.index_cast %swap3A_667 : i32 to index
        %swap3A_669 = arith.index_cast %mul3A_666 : i32 to index
        %swap3A_670 = tpu.vector_load %arg15[%swap3A_668, %swap3A_669] {strides = array<i32>} : memref<32x256xf32, #tpu.memory_space<vmem>>, vector<16xf32>,
        tpu.vector_store %arg15[%swap3A_668, %swap3A_669], %min3A_646 {strides = array<i32>} : memref<32x256xf32, #tpu.memory_space<vmem>>, vector<16xf32>,
        %mul3A_671 = arith.constant 16 : i32
        %mul3A_672 = arith.muli %scan3A_199, %mul3A_671 : i32
        %swap3A_673 = arith.constant 20 : i32
        %swap3A_674 = arith.index_cast %swap3A_673 : i32 to index
        %swap3A_675 = arith.index_cast %mul3A_672 : i32 to index
        %swap3A_676 = tpu.vector_load %arg15[%swap3A_674, %swap3A_675] {strides = array<i32>} : memref<32x256xf32, #tpu.memory_space<vmem>>, vector<16xf32>,
        tpu.vector_store %arg15[%swap3A_674, %swap3A_675], %min3A_652 {strides = array<i32>} : memref<32x256xf32, #tpu.memory_space<vmem>>, vector<16xf32>,
        %min3A_677 = arith.minimumf %min3A_640, %min3A_652 : vector<16xf32>
        %max3A_678 = arith.maximumf %min3A_634, %min3A_646 : vector<16xf32>
        %sub3A_679 = arith.subf %min3A_677, %max3A_678 : vector<16xf32>
        %mul3A_680 = arith.constant 16 : i32
        %mul3A_681 = arith.muli %scan3A_199, %mul3A_680 : i32
        %swap3A_682 = arith.constant 4 : i32
        %swap3A_683 = arith.index_cast %swap3A_682 : i32 to index
        %swap3A_684 = arith.index_cast %mul3A_681 : i32 to index
        %swap3A_685 = tpu.vector_load %arg16[%swap3A_683, %swap3A_684] {strides = array<i32>} : memref<32x256xf32, #tpu.memory_space<vmem>>, vector<16xf32>,
        tpu.vector_store %arg16[%swap3A_683, %swap3A_684], %sub3A_679 {strides = array<i32>} : memref<32x256xf32, #tpu.memory_space<vmem>>, vector<16xf32>,
        %sub3A_686 = arith.subf %min3A_652, %min3A_646 : vector<16xf32>
        %mul3A_687 = arith.constant 16 : i32
        %mul3A_688 = arith.muli %scan3A_199, %mul3A_687 : i32
        %swap3A_689 = arith.constant 20 : i32
        %swap3A_690 = arith.index_cast %swap3A_689 : i32 to index
        %swap3A_691 = arith.index_cast %mul3A_688 : i32 to index
        %swap3A_692 = tpu.vector_load %arg16[%swap3A_690, %swap3A_691] {strides = array<i32>} : memref<32x256xf32, #tpu.memory_space<vmem>>, vector<16xf32>,
        tpu.vector_store %arg16[%swap3A_690, %swap3A_691], %sub3A_686 {strides = array<i32>} : memref<32x256xf32, #tpu.memory_space<vmem>>, vector<16xf32>,
        %add3A_693 = arith.constant 5 : i32
        %add3A_694 = vector.broadcast %add3A_693 : i32 to vector<16xi32>
        %add3A_695 = arith.addi %get3A_292, %add3A_694 : vector<16xi32>
        %gather3A_696 = tpu.vector_load_idx %arg12[%add3A_204, %add3A_695] : memref<256x128xf32, #tpu.memory_space<vmem>>[vector<16xi32>, vector<16xi32>], vector<16xf32>,
        %add3A_697 = arith.constant 21 : i32
        %add3A_698 = vector.broadcast %add3A_697 : i32 to vector<16xi32>
        %add3A_699 = arith.addi %get3A_292, %add3A_698 : vector<16xi32>
        %gather3A_700 = tpu.vector_load_idx %arg12[%add3A_204, %add3A_699] : memref<256x128xf32, #tpu.memory_space<vmem>>[vector<16xi32>, vector<16xi32>], vector<16xf32>,
        %add3A_701 = arith.constant 5 : i32
        %add3A_702 = vector.broadcast %add3A_701 : i32 to vector<16xi32>
        %add3A_703 = arith.addi %get3A_296, %add3A_702 : vector<16xi32>
        %gather3A_704 = tpu.vector_load_idx %arg13[%add3A_204, %add3A_703] : memref<256x128xf32, #tpu.memory_space<vmem>>[vector<16xi32>, vector<16xi32>], vector<16xf32>,
        %add3A_705 = arith.constant 21 : i32
        %add3A_706 = vector.broadcast %add3A_705 : i32 to vector<16xi32>
        %add3A_707 = arith.addi %get3A_296, %add3A_706 : vector<16xi32>
        %gather3A_708 = tpu.vector_load_idx %arg13[%add3A_204, %add3A_707] : memref<256x128xf32, #tpu.memory_space<vmem>>[vector<16xi32>, vector<16xi32>], vector<16xf32>,
        %max3A_709 = arith.constant 0.000000e+00 : f32
        %max3A_710 = vector.broadcast %max3A_709 : f32 to vector<16xf32>
        %max3A_711 = arith.maximumf %gather3A_696, %max3A_710 : vector<16xf32>
        %min3A_712 = arith.constant 1.000000e+00 : f32
        %min3A_713 = vector.broadcast %min3A_712 : f32 to vector<16xf32>
        %min3A_714 = arith.minimumf %max3A_711, %min3A_713 : vector<16xf32>
        %max3A_715 = arith.constant 0.000000e+00 : f32
        %max3A_716 = vector.broadcast %max3A_715 : f32 to vector<16xf32>
        %max3A_717 = arith.maximumf %gather3A_700, %max3A_716 : vector<16xf32>
        %min3A_718 = arith.constant 1.000000e+00 : f32
        %min3A_719 = vector.broadcast %min3A_718 : f32 to vector<16xf32>
        %min3A_720 = arith.minimumf %max3A_717, %min3A_719 : vector<16xf32>
        %max3A_721 = arith.constant 0.000000e+00 : f32
        %max3A_722 = vector.broadcast %max3A_721 : f32 to vector<16xf32>
        %max3A_723 = arith.maximumf %gather3A_704, %max3A_722 : vector<16xf32>
        %min3A_724 = arith.constant 1.000000e+00 : f32
        %min3A_725 = vector.broadcast %min3A_724 : f32 to vector<16xf32>
        %min3A_726 = arith.minimumf %max3A_723, %min3A_725 : vector<16xf32>
        %max3A_727 = arith.constant 0.000000e+00 : f32
        %max3A_728 = vector.broadcast %max3A_727 : f32 to vector<16xf32>
        %max3A_729 = arith.maximumf %gather3A_708, %max3A_728 : vector<16xf32>
        %min3A_730 = arith.constant 1.000000e+00 : f32
        %min3A_731 = vector.broadcast %min3A_730 : f32 to vector<16xf32>
        %min3A_732 = arith.minimumf %max3A_729, %min3A_731 : vector<16xf32>
        %mul3A_733 = arith.constant 16 : i32
        %mul3A_734 = arith.muli %scan3A_199, %mul3A_733 : i32
        %swap3A_735 = arith.constant 5 : i32
        %swap3A_736 = arith.index_cast %swap3A_735 : i32 to index
        %swap3A_737 = arith.index_cast %mul3A_734 : i32 to index
        %swap3A_738 = tpu.vector_load %arg14[%swap3A_736, %swap3A_737] {strides = array<i32>} : memref<32x256xf32, #tpu.memory_space<vmem>>, vector<16xf32>,
        tpu.vector_store %arg14[%swap3A_736, %swap3A_737], %min3A_714 {strides = array<i32>} : memref<32x256xf32, #tpu.memory_space<vmem>>, vector<16xf32>,
        %mul3A_739 = arith.constant 16 : i32
        %mul3A_740 = arith.muli %scan3A_199, %mul3A_739 : i32
        %swap3A_741 = arith.constant 21 : i32
        %swap3A_742 = arith.index_cast %swap3A_741 : i32 to index
        %swap3A_743 = arith.index_cast %mul3A_740 : i32 to index
        %swap3A_744 = tpu.vector_load %arg14[%swap3A_742, %swap3A_743] {strides = array<i32>} : memref<32x256xf32, #tpu.memory_space<vmem>>, vector<16xf32>,
        tpu.vector_store %arg14[%swap3A_742, %swap3A_743], %min3A_720 {strides = array<i32>} : memref<32x256xf32, #tpu.memory_space<vmem>>, vector<16xf32>,
        %mul3A_745 = arith.constant 16 : i32
        %mul3A_746 = arith.muli %scan3A_199, %mul3A_745 : i32
        %swap3A_747 = arith.constant 5 : i32
        %swap3A_748 = arith.index_cast %swap3A_747 : i32 to index
        %swap3A_749 = arith.index_cast %mul3A_746 : i32 to index
        %swap3A_750 = tpu.vector_load %arg15[%swap3A_748, %swap3A_749] {strides = array<i32>} : memref<32x256xf32, #tpu.memory_space<vmem>>, vector<16xf32>,
        tpu.vector_store %arg15[%swap3A_748, %swap3A_749], %min3A_726 {strides = array<i32>} : memref<32x256xf32, #tpu.memory_space<vmem>>, vector<16xf32>,
        %mul3A_751 = arith.constant 16 : i32
        %mul3A_752 = arith.muli %scan3A_199, %mul3A_751 : i32
        %swap3A_753 = arith.constant 21 : i32
        %swap3A_754 = arith.index_cast %swap3A_753 : i32 to index
        %swap3A_755 = arith.index_cast %mul3A_752 : i32 to index
        %swap3A_756 = tpu.vector_load %arg15[%swap3A_754, %swap3A_755] {strides = array<i32>} : memref<32x256xf32, #tpu.memory_space<vmem>>, vector<16xf32>,
        tpu.vector_store %arg15[%swap3A_754, %swap3A_755], %min3A_732 {strides = array<i32>} : memref<32x256xf32, #tpu.memory_space<vmem>>, vector<16xf32>,
        %min3A_757 = arith.minimumf %min3A_720, %min3A_732 : vector<16xf32>
        %max3A_758 = arith.maximumf %min3A_714, %min3A_726 : vector<16xf32>
        %sub3A_759 = arith.subf %min3A_757, %max3A_758 : vector<16xf32>
        %mul3A_760 = arith.constant 16 : i32
        %mul3A_761 = arith.muli %scan3A_199, %mul3A_760 : i32
        %swap3A_762 = arith.constant 5 : i32
        %swap3A_763 = arith.index_cast %swap3A_762 : i32 to index
        %swap3A_764 = arith.index_cast %mul3A_761 : i32 to index
        %swap3A_765 = tpu.vector_load %arg16[%swap3A_763, %swap3A_764] {strides = array<i32>} : memref<32x256xf32, #tpu.memory_space<vmem>>, vector<16xf32>,
        tpu.vector_store %arg16[%swap3A_763, %swap3A_764], %sub3A_759 {strides = array<i32>} : memref<32x256xf32, #tpu.memory_space<vmem>>, vector<16xf32>,
        %sub3A_766 = arith.subf %min3A_732, %min3A_726 : vector<16xf32>
        %mul3A_767 = arith.constant 16 : i32
        %mul3A_768 = arith.muli %scan3A_199, %mul3A_767 : i32
        %swap3A_769 = arith.constant 21 : i32
        %swap3A_770 = arith.index_cast %swap3A_769 : i32 to index
        %swap3A_771 = arith.index_cast %mul3A_768 : i32 to index
        %swap3A_772 = tpu.vector_load %arg16[%swap3A_770, %swap3A_771] {strides = array<i32>} : memref<32x256xf32, #tpu.memory_space<vmem>>, vector<16xf32>,
        tpu.vector_store %arg16[%swap3A_770, %swap3A_771], %sub3A_766 {strides = array<i32>} : memref<32x256xf32, #tpu.memory_space<vmem>>, vector<16xf32>,
        %add3A_773 = arith.constant 6 : i32
        %add3A_774 = vector.broadcast %add3A_773 : i32 to vector<16xi32>
        %add3A_775 = arith.addi %get3A_292, %add3A_774 : vector<16xi32>
        %gather3A_776 = tpu.vector_load_idx %arg12[%add3A_204, %add3A_775] : memref<256x128xf32, #tpu.memory_space<vmem>>[vector<16xi32>, vector<16xi32>], vector<16xf32>,
        %add3A_777 = arith.constant 22 : i32
        %add3A_778 = vector.broadcast %add3A_777 : i32 to vector<16xi32>
        %add3A_779 = arith.addi %get3A_292, %add3A_778 : vector<16xi32>
        %gather3A_780 = tpu.vector_load_idx %arg12[%add3A_204, %add3A_779] : memref<256x128xf32, #tpu.memory_space<vmem>>[vector<16xi32>, vector<16xi32>], vector<16xf32>,
        %add3A_781 = arith.constant 6 : i32
        %add3A_782 = vector.broadcast %add3A_781 : i32 to vector<16xi32>
        %add3A_783 = arith.addi %get3A_296, %add3A_782 : vector<16xi32>
        %gather3A_784 = tpu.vector_load_idx %arg13[%add3A_204, %add3A_783] : memref<256x128xf32, #tpu.memory_space<vmem>>[vector<16xi32>, vector<16xi32>], vector<16xf32>,
        %add3A_785 = arith.constant 22 : i32
        %add3A_786 = vector.broadcast %add3A_785 : i32 to vector<16xi32>
        %add3A_787 = arith.addi %get3A_296, %add3A_786 : vector<16xi32>
        %gather3A_788 = tpu.vector_load_idx %arg13[%add3A_204, %add3A_787] : memref<256x128xf32, #tpu.memory_space<vmem>>[vector<16xi32>, vector<16xi32>], vector<16xf32>,
        %max3A_789 = arith.constant 0.000000e+00 : f32
        %max3A_790 = vector.broadcast %max3A_789 : f32 to vector<16xf32>
        %max3A_791 = arith.maximumf %gather3A_776, %max3A_790 : vector<16xf32>
        %min3A_792 = arith.constant 1.000000e+00 : f32
        %min3A_793 = vector.broadcast %min3A_792 : f32 to vector<16xf32>
        %min3A_794 = arith.minimumf %max3A_791, %min3A_793 : vector<16xf32>
        %max3A_795 = arith.constant 0.000000e+00 : f32
        %max3A_796 = vector.broadcast %max3A_795 : f32 to vector<16xf32>
        %max3A_797 = arith.maximumf %gather3A_780, %max3A_796 : vector<16xf32>
        %min3A_798 = arith.constant 1.000000e+00 : f32
        %min3A_799 = vector.broadcast %min3A_798 : f32 to vector<16xf32>
        %min3A_800 = arith.minimumf %max3A_797, %min3A_799 : vector<16xf32>
        %max3A_801 = arith.constant 0.000000e+00 : f32
        %max3A_802 = vector.broadcast %max3A_801 : f32 to vector<16xf32>
        %max3A_803 = arith.maximumf %gather3A_784, %max3A_802 : vector<16xf32>
        %min3A_804 = arith.constant 1.000000e+00 : f32
        %min3A_805 = vector.broadcast %min3A_804 : f32 to vector<16xf32>
        %min3A_806 = arith.minimumf %max3A_803, %min3A_805 : vector<16xf32>
        %max3A_807 = arith.constant 0.000000e+00 : f32
        %max3A_808 = vector.broadcast %max3A_807 : f32 to vector<16xf32>
        %max3A_809 = arith.maximumf %gather3A_788, %max3A_808 : vector<16xf32>
        %min3A_810 = arith.constant 1.000000e+00 : f32
        %min3A_811 = vector.broadcast %min3A_810 : f32 to vector<16xf32>
        %min3A_812 = arith.minimumf %max3A_809, %min3A_811 : vector<16xf32>
        %mul3A_813 = arith.constant 16 : i32
        %mul3A_814 = arith.muli %scan3A_199, %mul3A_813 : i32
        %swap3A_815 = arith.constant 6 : i32
        %swap3A_816 = arith.index_cast %swap3A_815 : i32 to index
        %swap3A_817 = arith.index_cast %mul3A_814 : i32 to index
        %swap3A_818 = tpu.vector_load %arg14[%swap3A_816, %swap3A_817] {strides = array<i32>} : memref<32x256xf32, #tpu.memory_space<vmem>>, vector<16xf32>,
        tpu.vector_store %arg14[%swap3A_816, %swap3A_817], %min3A_794 {strides = array<i32>} : memref<32x256xf32, #tpu.memory_space<vmem>>, vector<16xf32>,
        %mul3A_819 = arith.constant 16 : i32
        %mul3A_820 = arith.muli %scan3A_199, %mul3A_819 : i32
        %swap3A_821 = arith.constant 22 : i32
        %swap3A_822 = arith.index_cast %swap3A_821 : i32 to index
        %swap3A_823 = arith.index_cast %mul3A_820 : i32 to index
        %swap3A_824 = tpu.vector_load %arg14[%swap3A_822, %swap3A_823] {strides = array<i32>} : memref<32x256xf32, #tpu.memory_space<vmem>>, vector<16xf32>,
        tpu.vector_store %arg14[%swap3A_822, %swap3A_823], %min3A_800 {strides = array<i32>} : memref<32x256xf32, #tpu.memory_space<vmem>>, vector<16xf32>,
        %mul3A_825 = arith.constant 16 : i32
        %mul3A_826 = arith.muli %scan3A_199, %mul3A_825 : i32
        %swap3A_827 = arith.constant 6 : i32
        %swap3A_828 = arith.index_cast %swap3A_827 : i32 to index
        %swap3A_829 = arith.index_cast %mul3A_826 : i32 to index
        %swap3A_830 = tpu.vector_load %arg15[%swap3A_828, %swap3A_829] {strides = array<i32>} : memref<32x256xf32, #tpu.memory_space<vmem>>, vector<16xf32>,
        tpu.vector_store %arg15[%swap3A_828, %swap3A_829], %min3A_806 {strides = array<i32>} : memref<32x256xf32, #tpu.memory_space<vmem>>, vector<16xf32>,
        %mul3A_831 = arith.constant 16 : i32
        %mul3A_832 = arith.muli %scan3A_199, %mul3A_831 : i32
        %swap3A_833 = arith.constant 22 : i32
        %swap3A_834 = arith.index_cast %swap3A_833 : i32 to index
        %swap3A_835 = arith.index_cast %mul3A_832 : i32 to index
        %swap3A_836 = tpu.vector_load %arg15[%swap3A_834, %swap3A_835] {strides = array<i32>} : memref<32x256xf32, #tpu.memory_space<vmem>>, vector<16xf32>,
        tpu.vector_store %arg15[%swap3A_834, %swap3A_835], %min3A_812 {strides = array<i32>} : memref<32x256xf32, #tpu.memory_space<vmem>>, vector<16xf32>,
        %min3A_837 = arith.minimumf %min3A_800, %min3A_812 : vector<16xf32>
        %max3A_838 = arith.maximumf %min3A_794, %min3A_806 : vector<16xf32>
        %sub3A_839 = arith.subf %min3A_837, %max3A_838 : vector<16xf32>
        %mul3A_840 = arith.constant 16 : i32
        %mul3A_841 = arith.muli %scan3A_199, %mul3A_840 : i32
        %swap3A_842 = arith.constant 6 : i32
        %swap3A_843 = arith.index_cast %swap3A_842 : i32 to index
        %swap3A_844 = arith.index_cast %mul3A_841 : i32 to index
        %swap3A_845 = tpu.vector_load %arg16[%swap3A_843, %swap3A_844] {strides = array<i32>} : memref<32x256xf32, #tpu.memory_space<vmem>>, vector<16xf32>,
        tpu.vector_store %arg16[%swap3A_843, %swap3A_844], %sub3A_839 {strides = array<i32>} : memref<32x256xf32, #tpu.memory_space<vmem>>, vector<16xf32>,
        %sub3A_846 = arith.subf %min3A_812, %min3A_806 : vector<16xf32>
        %mul3A_847 = arith.constant 16 : i32
        %mul3A_848 = arith.muli %scan3A_199, %mul3A_847 : i32
        %swap3A_849 = arith.constant 22 : i32
        %swap3A_850 = arith.index_cast %swap3A_849 : i32 to index
        %swap3A_851 = arith.index_cast %mul3A_848 : i32 to index
        %swap3A_852 = tpu.vector_load %arg16[%swap3A_850, %swap3A_851] {strides = array<i32>} : memref<32x256xf32, #tpu.memory_space<vmem>>, vector<16xf32>,
        tpu.vector_store %arg16[%swap3A_850, %swap3A_851], %sub3A_846 {strides = array<i32>} : memref<32x256xf32, #tpu.memory_space<vmem>>, vector<16xf32>,
        %add3A_853 = arith.constant 7 : i32
        %add3A_854 = vector.broadcast %add3A_853 : i32 to vector<16xi32>
        %add3A_855 = arith.addi %get3A_292, %add3A_854 : vector<16xi32>
        %gather3A_856 = tpu.vector_load_idx %arg12[%add3A_204, %add3A_855] : memref<256x128xf32, #tpu.memory_space<vmem>>[vector<16xi32>, vector<16xi32>], vector<16xf32>,
        %add3A_857 = arith.constant 23 : i32
        %add3A_858 = vector.broadcast %add3A_857 : i32 to vector<16xi32>
        %add3A_859 = arith.addi %get3A_292, %add3A_858 : vector<16xi32>
        %gather3A_860 = tpu.vector_load_idx %arg12[%add3A_204, %add3A_859] : memref<256x128xf32, #tpu.memory_space<vmem>>[vector<16xi32>, vector<16xi32>], vector<16xf32>,
        %add3A_861 = arith.constant 7 : i32
        %add3A_862 = vector.broadcast %add3A_861 : i32 to vector<16xi32>
        %add3A_863 = arith.addi %get3A_296, %add3A_862 : vector<16xi32>
        %gather3A_864 = tpu.vector_load_idx %arg13[%add3A_204, %add3A_863] : memref<256x128xf32, #tpu.memory_space<vmem>>[vector<16xi32>, vector<16xi32>], vector<16xf32>,
        %add3A_865 = arith.constant 23 : i32
        %add3A_866 = vector.broadcast %add3A_865 : i32 to vector<16xi32>
        %add3A_867 = arith.addi %get3A_296, %add3A_866 : vector<16xi32>
        %gather3A_868 = tpu.vector_load_idx %arg13[%add3A_204, %add3A_867] : memref<256x128xf32, #tpu.memory_space<vmem>>[vector<16xi32>, vector<16xi32>], vector<16xf32>,
        %max3A_869 = arith.constant 0.000000e+00 : f32
        %max3A_870 = vector.broadcast %max3A_869 : f32 to vector<16xf32>
        %max3A_871 = arith.maximumf %gather3A_856, %max3A_870 : vector<16xf32>
        %min3A_872 = arith.constant 1.000000e+00 : f32
        %min3A_873 = vector.broadcast %min3A_872 : f32 to vector<16xf32>
        %min3A_874 = arith.minimumf %max3A_871, %min3A_873 : vector<16xf32>
        %max3A_875 = arith.constant 0.000000e+00 : f32
        %max3A_876 = vector.broadcast %max3A_875 : f32 to vector<16xf32>
        %max3A_877 = arith.maximumf %gather3A_860, %max3A_876 : vector<16xf32>
        %min3A_878 = arith.constant 1.000000e+00 : f32
        %min3A_879 = vector.broadcast %min3A_878 : f32 to vector<16xf32>
        %min3A_880 = arith.minimumf %max3A_877, %min3A_879 : vector<16xf32>
        %max3A_881 = arith.constant 0.000000e+00 : f32
        %max3A_882 = vector.broadcast %max3A_881 : f32 to vector<16xf32>
        %max3A_883 = arith.maximumf %gather3A_864, %max3A_882 : vector<16xf32>
        %min3A_884 = arith.constant 1.000000e+00 : f32
        %min3A_885 = vector.broadcast %min3A_884 : f32 to vector<16xf32>
        %min3A_886 = arith.minimumf %max3A_883, %min3A_885 : vector<16xf32>
        %max3A_887 = arith.constant 0.000000e+00 : f32
        %max3A_888 = vector.broadcast %max3A_887 : f32 to vector<16xf32>
        %max3A_889 = arith.maximumf %gather3A_868, %max3A_888 : vector<16xf32>
        %min3A_890 = arith.constant 1.000000e+00 : f32
        %min3A_891 = vector.broadcast %min3A_890 : f32 to vector<16xf32>
        %min3A_892 = arith.minimumf %max3A_889, %min3A_891 : vector<16xf32>
        %mul3A_893 = arith.constant 16 : i32
        %mul3A_894 = arith.muli %scan3A_199, %mul3A_893 : i32
        %swap3A_895 = arith.constant 7 : i32
        %swap3A_896 = arith.index_cast %swap3A_895 : i32 to index
        %swap3A_897 = arith.index_cast %mul3A_894 : i32 to index
        %swap3A_898 = tpu.vector_load %arg14[%swap3A_896, %swap3A_897] {strides = array<i32>} : memref<32x256xf32, #tpu.memory_space<vmem>>, vector<16xf32>,
        tpu.vector_store %arg14[%swap3A_896, %swap3A_897], %min3A_874 {strides = array<i32>} : memref<32x256xf32, #tpu.memory_space<vmem>>, vector<16xf32>,
        %mul3A_899 = arith.constant 16 : i32
        %mul3A_900 = arith.muli %scan3A_199, %mul3A_899 : i32
        %swap3A_901 = arith.constant 23 : i32
        %swap3A_902 = arith.index_cast %swap3A_901 : i32 to index
        %swap3A_903 = arith.index_cast %mul3A_900 : i32 to index
        %swap3A_904 = tpu.vector_load %arg14[%swap3A_902, %swap3A_903] {strides = array<i32>} : memref<32x256xf32, #tpu.memory_space<vmem>>, vector<16xf32>,
        tpu.vector_store %arg14[%swap3A_902, %swap3A_903], %min3A_880 {strides = array<i32>} : memref<32x256xf32, #tpu.memory_space<vmem>>, vector<16xf32>,
        %mul3A_905 = arith.constant 16 : i32
        %mul3A_906 = arith.muli %scan3A_199, %mul3A_905 : i32
        %swap3A_907 = arith.constant 7 : i32
        %swap3A_908 = arith.index_cast %swap3A_907 : i32 to index
        %swap3A_909 = arith.index_cast %mul3A_906 : i32 to index
        %swap3A_910 = tpu.vector_load %arg15[%swap3A_908, %swap3A_909] {strides = array<i32>} : memref<32x256xf32, #tpu.memory_space<vmem>>, vector<16xf32>,
        tpu.vector_store %arg15[%swap3A_908, %swap3A_909], %min3A_886 {strides = array<i32>} : memref<32x256xf32, #tpu.memory_space<vmem>>, vector<16xf32>,
        %mul3A_911 = arith.constant 16 : i32
        %mul3A_912 = arith.muli %scan3A_199, %mul3A_911 : i32
        %swap3A_913 = arith.constant 23 : i32
        %swap3A_914 = arith.index_cast %swap3A_913 : i32 to index
        %swap3A_915 = arith.index_cast %mul3A_912 : i32 to index
        %swap3A_916 = tpu.vector_load %arg15[%swap3A_914, %swap3A_915] {strides = array<i32>} : memref<32x256xf32, #tpu.memory_space<vmem>>, vector<16xf32>,
        tpu.vector_store %arg15[%swap3A_914, %swap3A_915], %min3A_892 {strides = array<i32>} : memref<32x256xf32, #tpu.memory_space<vmem>>, vector<16xf32>,
        %min3A_917 = arith.minimumf %min3A_880, %min3A_892 : vector<16xf32>
        %max3A_918 = arith.maximumf %min3A_874, %min3A_886 : vector<16xf32>
        %sub3A_919 = arith.subf %min3A_917, %max3A_918 : vector<16xf32>
        %mul3A_920 = arith.constant 16 : i32
        %mul3A_921 = arith.muli %scan3A_199, %mul3A_920 : i32
        %swap3A_922 = arith.constant 7 : i32
        %swap3A_923 = arith.index_cast %swap3A_922 : i32 to index
        %swap3A_924 = arith.index_cast %mul3A_921 : i32 to index
        %swap3A_925 = tpu.vector_load %arg16[%swap3A_923, %swap3A_924] {strides = array<i32>} : memref<32x256xf32, #tpu.memory_space<vmem>>, vector<16xf32>,
        tpu.vector_store %arg16[%swap3A_923, %swap3A_924], %sub3A_919 {strides = array<i32>} : memref<32x256xf32, #tpu.memory_space<vmem>>, vector<16xf32>,
        %sub3A_926 = arith.subf %min3A_892, %min3A_886 : vector<16xf32>
        %mul3A_927 = arith.constant 16 : i32
        %mul3A_928 = arith.muli %scan3A_199, %mul3A_927 : i32
        %swap3A_929 = arith.constant 23 : i32
        %swap3A_930 = arith.index_cast %swap3A_929 : i32 to index
        %swap3A_931 = arith.index_cast %mul3A_928 : i32 to index
        %swap3A_932 = tpu.vector_load %arg16[%swap3A_930, %swap3A_931] {strides = array<i32>} : memref<32x256xf32, #tpu.memory_space<vmem>>, vector<16xf32>,
        tpu.vector_store %arg16[%swap3A_930, %swap3A_931], %sub3A_926 {strides = array<i32>} : memref<32x256xf32, #tpu.memory_space<vmem>>, vector<16xf32>,
        %add3A_933 = arith.constant 8 : i32
        %add3A_934 = vector.broadcast %add3A_933 : i32 to vector<16xi32>
        %add3A_935 = arith.addi %get3A_292, %add3A_934 : vector<16xi32>
        %gather3A_936 = tpu.vector_load_idx %arg12[%add3A_204, %add3A_935] : memref<256x128xf32, #tpu.memory_space<vmem>>[vector<16xi32>, vector<16xi32>], vector<16xf32>,
        %add3A_937 = arith.constant 24 : i32
        %add3A_938 = vector.broadcast %add3A_937 : i32 to vector<16xi32>
        %add3A_939 = arith.addi %get3A_292, %add3A_938 : vector<16xi32>
        %gather3A_940 = tpu.vector_load_idx %arg12[%add3A_204, %add3A_939] : memref<256x128xf32, #tpu.memory_space<vmem>>[vector<16xi32>, vector<16xi32>], vector<16xf32>,
        %add3A_941 = arith.constant 8 : i32
        %add3A_942 = vector.broadcast %add3A_941 : i32 to vector<16xi32>
        %add3A_943 = arith.addi %get3A_296, %add3A_942 : vector<16xi32>
        %gather3A_944 = tpu.vector_load_idx %arg13[%add3A_204, %add3A_943] : memref<256x128xf32, #tpu.memory_space<vmem>>[vector<16xi32>, vector<16xi32>], vector<16xf32>,
        %add3A_945 = arith.constant 24 : i32
        %add3A_946 = vector.broadcast %add3A_945 : i32 to vector<16xi32>
        %add3A_947 = arith.addi %get3A_296, %add3A_946 : vector<16xi32>
        %gather3A_948 = tpu.vector_load_idx %arg13[%add3A_204, %add3A_947] : memref<256x128xf32, #tpu.memory_space<vmem>>[vector<16xi32>, vector<16xi32>], vector<16xf32>,
        %max3A_949 = arith.constant 0.000000e+00 : f32
        %max3A_950 = vector.broadcast %max3A_949 : f32 to vector<16xf32>
        %max3A_951 = arith.maximumf %gather3A_936, %max3A_950 : vector<16xf32>
        %min3A_952 = arith.constant 1.000000e+00 : f32
        %min3A_953 = vector.broadcast %min3A_952 : f32 to vector<16xf32>
        %min3A_954 = arith.minimumf %max3A_951, %min3A_953 : vector<16xf32>
        %max3A_955 = arith.constant 0.000000e+00 : f32
        %max3A_956 = vector.broadcast %max3A_955 : f32 to vector<16xf32>
        %max3A_957 = arith.maximumf %gather3A_940, %max3A_956 : vector<16xf32>
        %min3A_958 = arith.constant 1.000000e+00 : f32
        %min3A_959 = vector.broadcast %min3A_958 : f32 to vector<16xf32>
        %min3A_960 = arith.minimumf %max3A_957, %min3A_959 : vector<16xf32>
        %max3A_961 = arith.constant 0.000000e+00 : f32
        %max3A_962 = vector.broadcast %max3A_961 : f32 to vector<16xf32>
        %max3A_963 = arith.maximumf %gather3A_944, %max3A_962 : vector<16xf32>
        %min3A_964 = arith.constant 1.000000e+00 : f32
        %min3A_965 = vector.broadcast %min3A_964 : f32 to vector<16xf32>
        %min3A_966 = arith.minimumf %max3A_963, %min3A_965 : vector<16xf32>
        %max3A_967 = arith.constant 0.000000e+00 : f32
        %max3A_968 = vector.broadcast %max3A_967 : f32 to vector<16xf32>
        %max3A_969 = arith.maximumf %gather3A_948, %max3A_968 : vector<16xf32>
        %min3A_970 = arith.constant 1.000000e+00 : f32
        %min3A_971 = vector.broadcast %min3A_970 : f32 to vector<16xf32>
        %min3A_972 = arith.minimumf %max3A_969, %min3A_971 : vector<16xf32>
        %mul3A_973 = arith.constant 16 : i32
        %mul3A_974 = arith.muli %scan3A_199, %mul3A_973 : i32
        %swap3A_975 = arith.constant 8 : i32
        %swap3A_976 = arith.index_cast %swap3A_975 : i32 to index
        %swap3A_977 = arith.index_cast %mul3A_974 : i32 to index
        %swap3A_978 = tpu.vector_load %arg14[%swap3A_976, %swap3A_977] {strides = array<i32>} : memref<32x256xf32, #tpu.memory_space<vmem>>, vector<16xf32>,
        tpu.vector_store %arg14[%swap3A_976, %swap3A_977], %min3A_954 {strides = array<i32>} : memref<32x256xf32, #tpu.memory_space<vmem>>, vector<16xf32>,
        %mul3A_979 = arith.constant 16 : i32
        %mul3A_980 = arith.muli %scan3A_199, %mul3A_979 : i32
        %swap3A_981 = arith.constant 24 : i32
        %swap3A_982 = arith.index_cast %swap3A_981 : i32 to index
        %swap3A_983 = arith.index_cast %mul3A_980 : i32 to index
        %swap3A_984 = tpu.vector_load %arg14[%swap3A_982, %swap3A_983] {strides = array<i32>} : memref<32x256xf32, #tpu.memory_space<vmem>>, vector<16xf32>,
        tpu.vector_store %arg14[%swap3A_982, %swap3A_983], %min3A_960 {strides = array<i32>} : memref<32x256xf32, #tpu.memory_space<vmem>>, vector<16xf32>,
        %mul3A_985 = arith.constant 16 : i32
        %mul3A_986 = arith.muli %scan3A_199, %mul3A_985 : i32
        %swap3A_987 = arith.constant 8 : i32
        %swap3A_988 = arith.index_cast %swap3A_987 : i32 to index
        %swap3A_989 = arith.index_cast %mul3A_986 : i32 to index
        %swap3A_990 = tpu.vector_load %arg15[%swap3A_988, %swap3A_989] {strides = array<i32>} : memref<32x256xf32, #tpu.memory_space<vmem>>, vector<16xf32>,
        tpu.vector_store %arg15[%swap3A_988, %swap3A_989], %min3A_966 {strides = array<i32>} : memref<32x256xf32, #tpu.memory_space<vmem>>, vector<16xf32>,
        %mul3A_991 = arith.constant 16 : i32
        %mul3A_992 = arith.muli %scan3A_199, %mul3A_991 : i32
        %swap3A_993 = arith.constant 24 : i32
        %swap3A_994 = arith.index_cast %swap3A_993 : i32 to index
        %swap3A_995 = arith.index_cast %mul3A_992 : i32 to index
        %swap3A_996 = tpu.vector_load %arg15[%swap3A_994, %swap3A_995] {strides = array<i32>} : memref<32x256xf32, #tpu.memory_space<vmem>>, vector<16xf32>,
        tpu.vector_store %arg15[%swap3A_994, %swap3A_995], %min3A_972 {strides = array<i32>} : memref<32x256xf32, #tpu.memory_space<vmem>>, vector<16xf32>,
        %min3A_997 = arith.minimumf %min3A_960, %min3A_972 : vector<16xf32>
        %max3A_998 = arith.maximumf %min3A_954, %min3A_966 : vector<16xf32>
        %sub3A_999 = arith.subf %min3A_997, %max3A_998 : vector<16xf32>
        %mul3A_1000 = arith.constant 16 : i32
        %mul3A_1001 = arith.muli %scan3A_199, %mul3A_1000 : i32
        %swap3A_1002 = arith.constant 8 : i32
        %swap3A_1003 = arith.index_cast %swap3A_1002 : i32 to index
        %swap3A_1004 = arith.index_cast %mul3A_1001 : i32 to index
        %swap3A_1005 = tpu.vector_load %arg16[%swap3A_1003, %swap3A_1004] {strides = array<i32>} : memref<32x256xf32, #tpu.memory_space<vmem>>, vector<16xf32>,
        tpu.vector_store %arg16[%swap3A_1003, %swap3A_1004], %sub3A_999 {strides = array<i32>} : memref<32x256xf32, #tpu.memory_space<vmem>>, vector<16xf32>,
        %sub3A_1006 = arith.subf %min3A_972, %min3A_966 : vector<16xf32>
        %mul3A_1007 = arith.constant 16 : i32
        %mul3A_1008 = arith.muli %scan3A_199, %mul3A_1007 : i32
        %swap3A_1009 = arith.constant 24 : i32
        %swap3A_1010 = arith.index_cast %swap3A_1009 : i32 to index
        %swap3A_1011 = arith.index_cast %mul3A_1008 : i32 to index
        %swap3A_1012 = tpu.vector_load %arg16[%swap3A_1010, %swap3A_1011] {strides = array<i32>} : memref<32x256xf32, #tpu.memory_space<vmem>>, vector<16xf32>,
        tpu.vector_store %arg16[%swap3A_1010, %swap3A_1011], %sub3A_1006 {strides = array<i32>} : memref<32x256xf32, #tpu.memory_space<vmem>>, vector<16xf32>,
        %add3A_1013 = arith.constant 9 : i32
        %add3A_1014 = vector.broadcast %add3A_1013 : i32 to vector<16xi32>
        %add3A_1015 = arith.addi %get3A_292, %add3A_1014 : vector<16xi32>
        %gather3A_1016 = tpu.vector_load_idx %arg12[%add3A_204, %add3A_1015] : memref<256x128xf32, #tpu.memory_space<vmem>>[vector<16xi32>, vector<16xi32>], vector<16xf32>,
        %add3A_1017 = arith.constant 25 : i32
        %add3A_1018 = vector.broadcast %add3A_1017 : i32 to vector<16xi32>
        %add3A_1019 = arith.addi %get3A_292, %add3A_1018 : vector<16xi32>
        %gather3A_1020 = tpu.vector_load_idx %arg12[%add3A_204, %add3A_1019] : memref<256x128xf32, #tpu.memory_space<vmem>>[vector<16xi32>, vector<16xi32>], vector<16xf32>,
        %add3A_1021 = arith.constant 9 : i32
        %add3A_1022 = vector.broadcast %add3A_1021 : i32 to vector<16xi32>
        %add3A_1023 = arith.addi %get3A_296, %add3A_1022 : vector<16xi32>
        %gather3A_1024 = tpu.vector_load_idx %arg13[%add3A_204, %add3A_1023] : memref<256x128xf32, #tpu.memory_space<vmem>>[vector<16xi32>, vector<16xi32>], vector<16xf32>,
        %add3A_1025 = arith.constant 25 : i32
        %add3A_1026 = vector.broadcast %add3A_1025 : i32 to vector<16xi32>
        %add3A_1027 = arith.addi %get3A_296, %add3A_1026 : vector<16xi32>
        %gather3A_1028 = tpu.vector_load_idx %arg13[%add3A_204, %add3A_1027] : memref<256x128xf32, #tpu.memory_space<vmem>>[vector<16xi32>, vector<16xi32>], vector<16xf32>,
        %max3A_1029 = arith.constant 0.000000e+00 : f32
        %max3A_1030 = vector.broadcast %max3A_1029 : f32 to vector<16xf32>
        %max3A_1031 = arith.maximumf %gather3A_1016, %max3A_1030 : vector<16xf32>
        %min3A_1032 = arith.constant 1.000000e+00 : f32
        %min3A_1033 = vector.broadcast %min3A_1032 : f32 to vector<16xf32>
        %min3A_1034 = arith.minimumf %max3A_1031, %min3A_1033 : vector<16xf32>
        %max3A_1035 = arith.constant 0.000000e+00 : f32
        %max3A_1036 = vector.broadcast %max3A_1035 : f32 to vector<16xf32>
        %max3A_1037 = arith.maximumf %gather3A_1020, %max3A_1036 : vector<16xf32>
        %min3A_1038 = arith.constant 1.000000e+00 : f32
        %min3A_1039 = vector.broadcast %min3A_1038 : f32 to vector<16xf32>
        %min3A_1040 = arith.minimumf %max3A_1037, %min3A_1039 : vector<16xf32>
        %max3A_1041 = arith.constant 0.000000e+00 : f32
        %max3A_1042 = vector.broadcast %max3A_1041 : f32 to vector<16xf32>
        %max3A_1043 = arith.maximumf %gather3A_1024, %max3A_1042 : vector<16xf32>
        %min3A_1044 = arith.constant 1.000000e+00 : f32
        %min3A_1045 = vector.broadcast %min3A_1044 : f32 to vector<16xf32>
        %min3A_1046 = arith.minimumf %max3A_1043, %min3A_1045 : vector<16xf32>
        %max3A_1047 = arith.constant 0.000000e+00 : f32
        %max3A_1048 = vector.broadcast %max3A_1047 : f32 to vector<16xf32>
        %max3A_1049 = arith.maximumf %gather3A_1028, %max3A_1048 : vector<16xf32>
        %min3A_1050 = arith.constant 1.000000e+00 : f32
        %min3A_1051 = vector.broadcast %min3A_1050 : f32 to vector<16xf32>
        %min3A_1052 = arith.minimumf %max3A_1049, %min3A_1051 : vector<16xf32>
        %mul3A_1053 = arith.constant 16 : i32
        %mul3A_1054 = arith.muli %scan3A_199, %mul3A_1053 : i32
        %swap3A_1055 = arith.constant 9 : i32
        %swap3A_1056 = arith.index_cast %swap3A_1055 : i32 to index
        %swap3A_1057 = arith.index_cast %mul3A_1054 : i32 to index
        %swap3A_1058 = tpu.vector_load %arg14[%swap3A_1056, %swap3A_1057] {strides = array<i32>} : memref<32x256xf32, #tpu.memory_space<vmem>>, vector<16xf32>,
        tpu.vector_store %arg14[%swap3A_1056, %swap3A_1057], %min3A_1034 {strides = array<i32>} : memref<32x256xf32, #tpu.memory_space<vmem>>, vector<16xf32>,
        %mul3A_1059 = arith.constant 16 : i32
        %mul3A_1060 = arith.muli %scan3A_199, %mul3A_1059 : i32
        %swap3A_1061 = arith.constant 25 : i32
        %swap3A_1062 = arith.index_cast %swap3A_1061 : i32 to index
        %swap3A_1063 = arith.index_cast %mul3A_1060 : i32 to index
        %swap3A_1064 = tpu.vector_load %arg14[%swap3A_1062, %swap3A_1063] {strides = array<i32>} : memref<32x256xf32, #tpu.memory_space<vmem>>, vector<16xf32>,
        tpu.vector_store %arg14[%swap3A_1062, %swap3A_1063], %min3A_1040 {strides = array<i32>} : memref<32x256xf32, #tpu.memory_space<vmem>>, vector<16xf32>,
        %mul3A_1065 = arith.constant 16 : i32
        %mul3A_1066 = arith.muli %scan3A_199, %mul3A_1065 : i32
        %swap3A_1067 = arith.constant 9 : i32
        %swap3A_1068 = arith.index_cast %swap3A_1067 : i32 to index
        %swap3A_1069 = arith.index_cast %mul3A_1066 : i32 to index
        %swap3A_1070 = tpu.vector_load %arg15[%swap3A_1068, %swap3A_1069] {strides = array<i32>} : memref<32x256xf32, #tpu.memory_space<vmem>>, vector<16xf32>,
        tpu.vector_store %arg15[%swap3A_1068, %swap3A_1069], %min3A_1046 {strides = array<i32>} : memref<32x256xf32, #tpu.memory_space<vmem>>, vector<16xf32>,
        %mul3A_1071 = arith.constant 16 : i32
        %mul3A_1072 = arith.muli %scan3A_199, %mul3A_1071 : i32
        %swap3A_1073 = arith.constant 25 : i32
        %swap3A_1074 = arith.index_cast %swap3A_1073 : i32 to index
        %swap3A_1075 = arith.index_cast %mul3A_1072 : i32 to index
        %swap3A_1076 = tpu.vector_load %arg15[%swap3A_1074, %swap3A_1075] {strides = array<i32>} : memref<32x256xf32, #tpu.memory_space<vmem>>, vector<16xf32>,
        tpu.vector_store %arg15[%swap3A_1074, %swap3A_1075], %min3A_1052 {strides = array<i32>} : memref<32x256xf32, #tpu.memory_space<vmem>>, vector<16xf32>,
        %min3A_1077 = arith.minimumf %min3A_1040, %min3A_1052 : vector<16xf32>
        %max3A_1078 = arith.maximumf %min3A_1034, %min3A_1046 : vector<16xf32>
        %sub3A_1079 = arith.subf %min3A_1077, %max3A_1078 : vector<16xf32>
        %mul3A_1080 = arith.constant 16 : i32
        %mul3A_1081 = arith.muli %scan3A_199, %mul3A_1080 : i32
        %swap3A_1082 = arith.constant 9 : i32
        %swap3A_1083 = arith.index_cast %swap3A_1082 : i32 to index
        %swap3A_1084 = arith.index_cast %mul3A_1081 : i32 to index
        %swap3A_1085 = tpu.vector_load %arg16[%swap3A_1083, %swap3A_1084] {strides = array<i32>} : memref<32x256xf32, #tpu.memory_space<vmem>>, vector<16xf32>,
        tpu.vector_store %arg16[%swap3A_1083, %swap3A_1084], %sub3A_1079 {strides = array<i32>} : memref<32x256xf32, #tpu.memory_space<vmem>>, vector<16xf32>,
        %sub3A_1086 = arith.subf %min3A_1052, %min3A_1046 : vector<16xf32>
        %mul3A_1087 = arith.constant 16 : i32
        %mul3A_1088 = arith.muli %scan3A_199, %mul3A_1087 : i32
        %swap3A_1089 = arith.constant 25 : i32
        %swap3A_1090 = arith.index_cast %swap3A_1089 : i32 to index
        %swap3A_1091 = arith.index_cast %mul3A_1088 : i32 to index
        %swap3A_1092 = tpu.vector_load %arg16[%swap3A_1090, %swap3A_1091] {strides = array<i32>} : memref<32x256xf32, #tpu.memory_space<vmem>>, vector<16xf32>,
        tpu.vector_store %arg16[%swap3A_1090, %swap3A_1091], %sub3A_1086 {strides = array<i32>} : memref<32x256xf32, #tpu.memory_space<vmem>>, vector<16xf32>,
        %add3A_1093 = arith.constant 10 : i32
        %add3A_1094 = vector.broadcast %add3A_1093 : i32 to vector<16xi32>
        %add3A_1095 = arith.addi %get3A_292, %add3A_1094 : vector<16xi32>
        %gather3A_1096 = tpu.vector_load_idx %arg12[%add3A_204, %add3A_1095] : memref<256x128xf32, #tpu.memory_space<vmem>>[vector<16xi32>, vector<16xi32>], vector<16xf32>,
        %add3A_1097 = arith.constant 26 : i32
        %add3A_1098 = vector.broadcast %add3A_1097 : i32 to vector<16xi32>
        %add3A_1099 = arith.addi %get3A_292, %add3A_1098 : vector<16xi32>
        %gather3A_1100 = tpu.vector_load_idx %arg12[%add3A_204, %add3A_1099] : memref<256x128xf32, #tpu.memory_space<vmem>>[vector<16xi32>, vector<16xi32>], vector<16xf32>,
        %add3A_1101 = arith.constant 10 : i32
        %add3A_1102 = vector.broadcast %add3A_1101 : i32 to vector<16xi32>
        %add3A_1103 = arith.addi %get3A_296, %add3A_1102 : vector<16xi32>
        %gather3A_1104 = tpu.vector_load_idx %arg13[%add3A_204, %add3A_1103] : memref<256x128xf32, #tpu.memory_space<vmem>>[vector<16xi32>, vector<16xi32>], vector<16xf32>,
        %add3A_1105 = arith.constant 26 : i32
        %add3A_1106 = vector.broadcast %add3A_1105 : i32 to vector<16xi32>
        %add3A_1107 = arith.addi %get3A_296, %add3A_1106 : vector<16xi32>
        %gather3A_1108 = tpu.vector_load_idx %arg13[%add3A_204, %add3A_1107] : memref<256x128xf32, #tpu.memory_space<vmem>>[vector<16xi32>, vector<16xi32>], vector<16xf32>,
        %max3A_1109 = arith.constant 0.000000e+00 : f32
        %max3A_1110 = vector.broadcast %max3A_1109 : f32 to vector<16xf32>
        %max3A_1111 = arith.maximumf %gather3A_1096, %max3A_1110 : vector<16xf32>
        %min3A_1112 = arith.constant 1.000000e+00 : f32
        %min3A_1113 = vector.broadcast %min3A_1112 : f32 to vector<16xf32>
        %min3A_1114 = arith.minimumf %max3A_1111, %min3A_1113 : vector<16xf32>
        %max3A_1115 = arith.constant 0.000000e+00 : f32
        %max3A_1116 = vector.broadcast %max3A_1115 : f32 to vector<16xf32>
        %max3A_1117 = arith.maximumf %gather3A_1100, %max3A_1116 : vector<16xf32>
        %min3A_1118 = arith.constant 1.000000e+00 : f32
        %min3A_1119 = vector.broadcast %min3A_1118 : f32 to vector<16xf32>
        %min3A_1120 = arith.minimumf %max3A_1117, %min3A_1119 : vector<16xf32>
        %max3A_1121 = arith.constant 0.000000e+00 : f32
        %max3A_1122 = vector.broadcast %max3A_1121 : f32 to vector<16xf32>
        %max3A_1123 = arith.maximumf %gather3A_1104, %max3A_1122 : vector<16xf32>
        %min3A_1124 = arith.constant 1.000000e+00 : f32
        %min3A_1125 = vector.broadcast %min3A_1124 : f32 to vector<16xf32>
        %min3A_1126 = arith.minimumf %max3A_1123, %min3A_1125 : vector<16xf32>
        %max3A_1127 = arith.constant 0.000000e+00 : f32
        %max3A_1128 = vector.broadcast %max3A_1127 : f32 to vector<16xf32>
        %max3A_1129 = arith.maximumf %gather3A_1108, %max3A_1128 : vector<16xf32>
        %min3A_1130 = arith.constant 1.000000e+00 : f32
        %min3A_1131 = vector.broadcast %min3A_1130 : f32 to vector<16xf32>
        %min3A_1132 = arith.minimumf %max3A_1129, %min3A_1131 : vector<16xf32>
        %mul3A_1133 = arith.constant 16 : i32
        %mul3A_1134 = arith.muli %scan3A_199, %mul3A_1133 : i32
        %swap3A_1135 = arith.constant 10 : i32
        %swap3A_1136 = arith.index_cast %swap3A_1135 : i32 to index
        %swap3A_1137 = arith.index_cast %mul3A_1134 : i32 to index
        %swap3A_1138 = tpu.vector_load %arg14[%swap3A_1136, %swap3A_1137] {strides = array<i32>} : memref<32x256xf32, #tpu.memory_space<vmem>>, vector<16xf32>,
        tpu.vector_store %arg14[%swap3A_1136, %swap3A_1137], %min3A_1114 {strides = array<i32>} : memref<32x256xf32, #tpu.memory_space<vmem>>, vector<16xf32>,
        %mul3A_1139 = arith.constant 16 : i32
        %mul3A_1140 = arith.muli %scan3A_199, %mul3A_1139 : i32
        %swap3A_1141 = arith.constant 26 : i32
        %swap3A_1142 = arith.index_cast %swap3A_1141 : i32 to index
        %swap3A_1143 = arith.index_cast %mul3A_1140 : i32 to index
        %swap3A_1144 = tpu.vector_load %arg14[%swap3A_1142, %swap3A_1143] {strides = array<i32>} : memref<32x256xf32, #tpu.memory_space<vmem>>, vector<16xf32>,
        tpu.vector_store %arg14[%swap3A_1142, %swap3A_1143], %min3A_1120 {strides = array<i32>} : memref<32x256xf32, #tpu.memory_space<vmem>>, vector<16xf32>,
        %mul3A_1145 = arith.constant 16 : i32
        %mul3A_1146 = arith.muli %scan3A_199, %mul3A_1145 : i32
        %swap3A_1147 = arith.constant 10 : i32
        %swap3A_1148 = arith.index_cast %swap3A_1147 : i32 to index
        %swap3A_1149 = arith.index_cast %mul3A_1146 : i32 to index
        %swap3A_1150 = tpu.vector_load %arg15[%swap3A_1148, %swap3A_1149] {strides = array<i32>} : memref<32x256xf32, #tpu.memory_space<vmem>>, vector<16xf32>,
        tpu.vector_store %arg15[%swap3A_1148, %swap3A_1149], %min3A_1126 {strides = array<i32>} : memref<32x256xf32, #tpu.memory_space<vmem>>, vector<16xf32>,
        %mul3A_1151 = arith.constant 16 : i32
        %mul3A_1152 = arith.muli %scan3A_199, %mul3A_1151 : i32
        %swap3A_1153 = arith.constant 26 : i32
        %swap3A_1154 = arith.index_cast %swap3A_1153 : i32 to index
        %swap3A_1155 = arith.index_cast %mul3A_1152 : i32 to index
        %swap3A_1156 = tpu.vector_load %arg15[%swap3A_1154, %swap3A_1155] {strides = array<i32>} : memref<32x256xf32, #tpu.memory_space<vmem>>, vector<16xf32>,
        tpu.vector_store %arg15[%swap3A_1154, %swap3A_1155], %min3A_1132 {strides = array<i32>} : memref<32x256xf32, #tpu.memory_space<vmem>>, vector<16xf32>,
        %min3A_1157 = arith.minimumf %min3A_1120, %min3A_1132 : vector<16xf32>
        %max3A_1158 = arith.maximumf %min3A_1114, %min3A_1126 : vector<16xf32>
        %sub3A_1159 = arith.subf %min3A_1157, %max3A_1158 : vector<16xf32>
        %mul3A_1160 = arith.constant 16 : i32
        %mul3A_1161 = arith.muli %scan3A_199, %mul3A_1160 : i32
        %swap3A_1162 = arith.constant 10 : i32
        %swap3A_1163 = arith.index_cast %swap3A_1162 : i32 to index
        %swap3A_1164 = arith.index_cast %mul3A_1161 : i32 to index
        %swap3A_1165 = tpu.vector_load %arg16[%swap3A_1163, %swap3A_1164] {strides = array<i32>} : memref<32x256xf32, #tpu.memory_space<vmem>>, vector<16xf32>,
        tpu.vector_store %arg16[%swap3A_1163, %swap3A_1164], %sub3A_1159 {strides = array<i32>} : memref<32x256xf32, #tpu.memory_space<vmem>>, vector<16xf32>,
        %sub3A_1166 = arith.subf %min3A_1132, %min3A_1126 : vector<16xf32>
        %mul3A_1167 = arith.constant 16 : i32
        %mul3A_1168 = arith.muli %scan3A_199, %mul3A_1167 : i32
        %swap3A_1169 = arith.constant 26 : i32
        %swap3A_1170 = arith.index_cast %swap3A_1169 : i32 to index
        %swap3A_1171 = arith.index_cast %mul3A_1168 : i32 to index
        %swap3A_1172 = tpu.vector_load %arg16[%swap3A_1170, %swap3A_1171] {strides = array<i32>} : memref<32x256xf32, #tpu.memory_space<vmem>>, vector<16xf32>,
        tpu.vector_store %arg16[%swap3A_1170, %swap3A_1171], %sub3A_1166 {strides = array<i32>} : memref<32x256xf32, #tpu.memory_space<vmem>>, vector<16xf32>,
        %add3A_1173 = arith.constant 11 : i32
        %add3A_1174 = vector.broadcast %add3A_1173 : i32 to vector<16xi32>
        %add3A_1175 = arith.addi %get3A_292, %add3A_1174 : vector<16xi32>
        %gather3A_1176 = tpu.vector_load_idx %arg12[%add3A_204, %add3A_1175] : memref<256x128xf32, #tpu.memory_space<vmem>>[vector<16xi32>, vector<16xi32>], vector<16xf32>,
        %add3A_1177 = arith.constant 27 : i32
        %add3A_1178 = vector.broadcast %add3A_1177 : i32 to vector<16xi32>
        %add3A_1179 = arith.addi %get3A_292, %add3A_1178 : vector<16xi32>
        %gather3A_1180 = tpu.vector_load_idx %arg12[%add3A_204, %add3A_1179] : memref<256x128xf32, #tpu.memory_space<vmem>>[vector<16xi32>, vector<16xi32>], vector<16xf32>,
        %add3A_1181 = arith.constant 11 : i32
        %add3A_1182 = vector.broadcast %add3A_1181 : i32 to vector<16xi32>
        %add3A_1183 = arith.addi %get3A_296, %add3A_1182 : vector<16xi32>
        %gather3A_1184 = tpu.vector_load_idx %arg13[%add3A_204, %add3A_1183] : memref<256x128xf32, #tpu.memory_space<vmem>>[vector<16xi32>, vector<16xi32>], vector<16xf32>,
        %add3A_1185 = arith.constant 27 : i32
        %add3A_1186 = vector.broadcast %add3A_1185 : i32 to vector<16xi32>
        %add3A_1187 = arith.addi %get3A_296, %add3A_1186 : vector<16xi32>
        %gather3A_1188 = tpu.vector_load_idx %arg13[%add3A_204, %add3A_1187] : memref<256x128xf32, #tpu.memory_space<vmem>>[vector<16xi32>, vector<16xi32>], vector<16xf32>,
        %max3A_1189 = arith.constant 0.000000e+00 : f32
        %max3A_1190 = vector.broadcast %max3A_1189 : f32 to vector<16xf32>
        %max3A_1191 = arith.maximumf %gather3A_1176, %max3A_1190 : vector<16xf32>
        %min3A_1192 = arith.constant 1.000000e+00 : f32
        %min3A_1193 = vector.broadcast %min3A_1192 : f32 to vector<16xf32>
        %min3A_1194 = arith.minimumf %max3A_1191, %min3A_1193 : vector<16xf32>
        %max3A_1195 = arith.constant 0.000000e+00 : f32
        %max3A_1196 = vector.broadcast %max3A_1195 : f32 to vector<16xf32>
        %max3A_1197 = arith.maximumf %gather3A_1180, %max3A_1196 : vector<16xf32>
        %min3A_1198 = arith.constant 1.000000e+00 : f32
        %min3A_1199 = vector.broadcast %min3A_1198 : f32 to vector<16xf32>
        %min3A_1200 = arith.minimumf %max3A_1197, %min3A_1199 : vector<16xf32>
        %max3A_1201 = arith.constant 0.000000e+00 : f32
        %max3A_1202 = vector.broadcast %max3A_1201 : f32 to vector<16xf32>
        %max3A_1203 = arith.maximumf %gather3A_1184, %max3A_1202 : vector<16xf32>
        %min3A_1204 = arith.constant 1.000000e+00 : f32
        %min3A_1205 = vector.broadcast %min3A_1204 : f32 to vector<16xf32>
        %min3A_1206 = arith.minimumf %max3A_1203, %min3A_1205 : vector<16xf32>
        %max3A_1207 = arith.constant 0.000000e+00 : f32
        %max3A_1208 = vector.broadcast %max3A_1207 : f32 to vector<16xf32>
        %max3A_1209 = arith.maximumf %gather3A_1188, %max3A_1208 : vector<16xf32>
        %min3A_1210 = arith.constant 1.000000e+00 : f32
        %min3A_1211 = vector.broadcast %min3A_1210 : f32 to vector<16xf32>
        %min3A_1212 = arith.minimumf %max3A_1209, %min3A_1211 : vector<16xf32>
        %mul3A_1213 = arith.constant 16 : i32
        %mul3A_1214 = arith.muli %scan3A_199, %mul3A_1213 : i32
        %swap3A_1215 = arith.constant 11 : i32
        %swap3A_1216 = arith.index_cast %swap3A_1215 : i32 to index
        %swap3A_1217 = arith.index_cast %mul3A_1214 : i32 to index
        %swap3A_1218 = tpu.vector_load %arg14[%swap3A_1216, %swap3A_1217] {strides = array<i32>} : memref<32x256xf32, #tpu.memory_space<vmem>>, vector<16xf32>,
        tpu.vector_store %arg14[%swap3A_1216, %swap3A_1217], %min3A_1194 {strides = array<i32>} : memref<32x256xf32, #tpu.memory_space<vmem>>, vector<16xf32>,
        %mul3A_1219 = arith.constant 16 : i32
        %mul3A_1220 = arith.muli %scan3A_199, %mul3A_1219 : i32
        %swap3A_1221 = arith.constant 27 : i32
        %swap3A_1222 = arith.index_cast %swap3A_1221 : i32 to index
        %swap3A_1223 = arith.index_cast %mul3A_1220 : i32 to index
        %swap3A_1224 = tpu.vector_load %arg14[%swap3A_1222, %swap3A_1223] {strides = array<i32>} : memref<32x256xf32, #tpu.memory_space<vmem>>, vector<16xf32>,
        tpu.vector_store %arg14[%swap3A_1222, %swap3A_1223], %min3A_1200 {strides = array<i32>} : memref<32x256xf32, #tpu.memory_space<vmem>>, vector<16xf32>,
        %mul3A_1225 = arith.constant 16 : i32
        %mul3A_1226 = arith.muli %scan3A_199, %mul3A_1225 : i32
        %swap3A_1227 = arith.constant 11 : i32
        %swap3A_1228 = arith.index_cast %swap3A_1227 : i32 to index
        %swap3A_1229 = arith.index_cast %mul3A_1226 : i32 to index
        %swap3A_1230 = tpu.vector_load %arg15[%swap3A_1228, %swap3A_1229] {strides = array<i32>} : memref<32x256xf32, #tpu.memory_space<vmem>>, vector<16xf32>,
        tpu.vector_store %arg15[%swap3A_1228, %swap3A_1229], %min3A_1206 {strides = array<i32>} : memref<32x256xf32, #tpu.memory_space<vmem>>, vector<16xf32>,
        %mul3A_1231 = arith.constant 16 : i32
        %mul3A_1232 = arith.muli %scan3A_199, %mul3A_1231 : i32
        %swap3A_1233 = arith.constant 27 : i32
        %swap3A_1234 = arith.index_cast %swap3A_1233 : i32 to index
        %swap3A_1235 = arith.index_cast %mul3A_1232 : i32 to index
        %swap3A_1236 = tpu.vector_load %arg15[%swap3A_1234, %swap3A_1235] {strides = array<i32>} : memref<32x256xf32, #tpu.memory_space<vmem>>, vector<16xf32>,
        tpu.vector_store %arg15[%swap3A_1234, %swap3A_1235], %min3A_1212 {strides = array<i32>} : memref<32x256xf32, #tpu.memory_space<vmem>>, vector<16xf32>,
        %min3A_1237 = arith.minimumf %min3A_1200, %min3A_1212 : vector<16xf32>
        %max3A_1238 = arith.maximumf %min3A_1194, %min3A_1206 : vector<16xf32>
        %sub3A_1239 = arith.subf %min3A_1237, %max3A_1238 : vector<16xf32>
        %mul3A_1240 = arith.constant 16 : i32
        %mul3A_1241 = arith.muli %scan3A_199, %mul3A_1240 : i32
        %swap3A_1242 = arith.constant 11 : i32
        %swap3A_1243 = arith.index_cast %swap3A_1242 : i32 to index
        %swap3A_1244 = arith.index_cast %mul3A_1241 : i32 to index
        %swap3A_1245 = tpu.vector_load %arg16[%swap3A_1243, %swap3A_1244] {strides = array<i32>} : memref<32x256xf32, #tpu.memory_space<vmem>>, vector<16xf32>,
        tpu.vector_store %arg16[%swap3A_1243, %swap3A_1244], %sub3A_1239 {strides = array<i32>} : memref<32x256xf32, #tpu.memory_space<vmem>>, vector<16xf32>,
        %sub3A_1246 = arith.subf %min3A_1212, %min3A_1206 : vector<16xf32>
        %mul3A_1247 = arith.constant 16 : i32
        %mul3A_1248 = arith.muli %scan3A_199, %mul3A_1247 : i32
        %swap3A_1249 = arith.constant 27 : i32
        %swap3A_1250 = arith.index_cast %swap3A_1249 : i32 to index
        %swap3A_1251 = arith.index_cast %mul3A_1248 : i32 to index
        %swap3A_1252 = tpu.vector_load %arg16[%swap3A_1250, %swap3A_1251] {strides = array<i32>} : memref<32x256xf32, #tpu.memory_space<vmem>>, vector<16xf32>,
        tpu.vector_store %arg16[%swap3A_1250, %swap3A_1251], %sub3A_1246 {strides = array<i32>} : memref<32x256xf32, #tpu.memory_space<vmem>>, vector<16xf32>,
        %add3A_1253 = arith.constant 12 : i32
        %add3A_1254 = vector.broadcast %add3A_1253 : i32 to vector<16xi32>
        %add3A_1255 = arith.addi %get3A_292, %add3A_1254 : vector<16xi32>
        %gather3A_1256 = tpu.vector_load_idx %arg12[%add3A_204, %add3A_1255] : memref<256x128xf32, #tpu.memory_space<vmem>>[vector<16xi32>, vector<16xi32>], vector<16xf32>,
        %add3A_1257 = arith.constant 28 : i32
        %add3A_1258 = vector.broadcast %add3A_1257 : i32 to vector<16xi32>
        %add3A_1259 = arith.addi %get3A_292, %add3A_1258 : vector<16xi32>
        %gather3A_1260 = tpu.vector_load_idx %arg12[%add3A_204, %add3A_1259] : memref<256x128xf32, #tpu.memory_space<vmem>>[vector<16xi32>, vector<16xi32>], vector<16xf32>,
        %add3A_1261 = arith.constant 12 : i32
        %add3A_1262 = vector.broadcast %add3A_1261 : i32 to vector<16xi32>
        %add3A_1263 = arith.addi %get3A_296, %add3A_1262 : vector<16xi32>
        %gather3A_1264 = tpu.vector_load_idx %arg13[%add3A_204, %add3A_1263] : memref<256x128xf32, #tpu.memory_space<vmem>>[vector<16xi32>, vector<16xi32>], vector<16xf32>,
        %add3A_1265 = arith.constant 28 : i32
        %add3A_1266 = vector.broadcast %add3A_1265 : i32 to vector<16xi32>
        %add3A_1267 = arith.addi %get3A_296, %add3A_1266 : vector<16xi32>
        %gather3A_1268 = tpu.vector_load_idx %arg13[%add3A_204, %add3A_1267] : memref<256x128xf32, #tpu.memory_space<vmem>>[vector<16xi32>, vector<16xi32>], vector<16xf32>,
        %max3A_1269 = arith.constant 0.000000e+00 : f32
        %max3A_1270 = vector.broadcast %max3A_1269 : f32 to vector<16xf32>
        %max3A_1271 = arith.maximumf %gather3A_1256, %max3A_1270 : vector<16xf32>
        %min3A_1272 = arith.constant 1.000000e+00 : f32
        %min3A_1273 = vector.broadcast %min3A_1272 : f32 to vector<16xf32>
        %min3A_1274 = arith.minimumf %max3A_1271, %min3A_1273 : vector<16xf32>
        %max3A_1275 = arith.constant 0.000000e+00 : f32
        %max3A_1276 = vector.broadcast %max3A_1275 : f32 to vector<16xf32>
        %max3A_1277 = arith.maximumf %gather3A_1260, %max3A_1276 : vector<16xf32>
        %min3A_1278 = arith.constant 1.000000e+00 : f32
        %min3A_1279 = vector.broadcast %min3A_1278 : f32 to vector<16xf32>
        %min3A_1280 = arith.minimumf %max3A_1277, %min3A_1279 : vector<16xf32>
        %max3A_1281 = arith.constant 0.000000e+00 : f32
        %max3A_1282 = vector.broadcast %max3A_1281 : f32 to vector<16xf32>
        %max3A_1283 = arith.maximumf %gather3A_1264, %max3A_1282 : vector<16xf32>
        %min3A_1284 = arith.constant 1.000000e+00 : f32
        %min3A_1285 = vector.broadcast %min3A_1284 : f32 to vector<16xf32>
        %min3A_1286 = arith.minimumf %max3A_1283, %min3A_1285 : vector<16xf32>
        %max3A_1287 = arith.constant 0.000000e+00 : f32
        %max3A_1288 = vector.broadcast %max3A_1287 : f32 to vector<16xf32>
        %max3A_1289 = arith.maximumf %gather3A_1268, %max3A_1288 : vector<16xf32>
        %min3A_1290 = arith.constant 1.000000e+00 : f32
        %min3A_1291 = vector.broadcast %min3A_1290 : f32 to vector<16xf32>
        %min3A_1292 = arith.minimumf %max3A_1289, %min3A_1291 : vector<16xf32>
        %mul3A_1293 = arith.constant 16 : i32
        %mul3A_1294 = arith.muli %scan3A_199, %mul3A_1293 : i32
        %swap3A_1295 = arith.constant 12 : i32
        %swap3A_1296 = arith.index_cast %swap3A_1295 : i32 to index
        %swap3A_1297 = arith.index_cast %mul3A_1294 : i32 to index
        %swap3A_1298 = tpu.vector_load %arg14[%swap3A_1296, %swap3A_1297] {strides = array<i32>} : memref<32x256xf32, #tpu.memory_space<vmem>>, vector<16xf32>,
        tpu.vector_store %arg14[%swap3A_1296, %swap3A_1297], %min3A_1274 {strides = array<i32>} : memref<32x256xf32, #tpu.memory_space<vmem>>, vector<16xf32>,
        %mul3A_1299 = arith.constant 16 : i32
        %mul3A_1300 = arith.muli %scan3A_199, %mul3A_1299 : i32
        %swap3A_1301 = arith.constant 28 : i32
        %swap3A_1302 = arith.index_cast %swap3A_1301 : i32 to index
        %swap3A_1303 = arith.index_cast %mul3A_1300 : i32 to index
        %swap3A_1304 = tpu.vector_load %arg14[%swap3A_1302, %swap3A_1303] {strides = array<i32>} : memref<32x256xf32, #tpu.memory_space<vmem>>, vector<16xf32>,
        tpu.vector_store %arg14[%swap3A_1302, %swap3A_1303], %min3A_1280 {strides = array<i32>} : memref<32x256xf32, #tpu.memory_space<vmem>>, vector<16xf32>,
        %mul3A_1305 = arith.constant 16 : i32
        %mul3A_1306 = arith.muli %scan3A_199, %mul3A_1305 : i32
        %swap3A_1307 = arith.constant 12 : i32
        %swap3A_1308 = arith.index_cast %swap3A_1307 : i32 to index
        %swap3A_1309 = arith.index_cast %mul3A_1306 : i32 to index
        %swap3A_1310 = tpu.vector_load %arg15[%swap3A_1308, %swap3A_1309] {strides = array<i32>} : memref<32x256xf32, #tpu.memory_space<vmem>>, vector<16xf32>,
        tpu.vector_store %arg15[%swap3A_1308, %swap3A_1309], %min3A_1286 {strides = array<i32>} : memref<32x256xf32, #tpu.memory_space<vmem>>, vector<16xf32>,
        %mul3A_1311 = arith.constant 16 : i32
        %mul3A_1312 = arith.muli %scan3A_199, %mul3A_1311 : i32
        %swap3A_1313 = arith.constant 28 : i32
        %swap3A_1314 = arith.index_cast %swap3A_1313 : i32 to index
        %swap3A_1315 = arith.index_cast %mul3A_1312 : i32 to index
        %swap3A_1316 = tpu.vector_load %arg15[%swap3A_1314, %swap3A_1315] {strides = array<i32>} : memref<32x256xf32, #tpu.memory_space<vmem>>, vector<16xf32>,
        tpu.vector_store %arg15[%swap3A_1314, %swap3A_1315], %min3A_1292 {strides = array<i32>} : memref<32x256xf32, #tpu.memory_space<vmem>>, vector<16xf32>,
        %min3A_1317 = arith.minimumf %min3A_1280, %min3A_1292 : vector<16xf32>
        %max3A_1318 = arith.maximumf %min3A_1274, %min3A_1286 : vector<16xf32>
        %sub3A_1319 = arith.subf %min3A_1317, %max3A_1318 : vector<16xf32>
        %mul3A_1320 = arith.constant 16 : i32
        %mul3A_1321 = arith.muli %scan3A_199, %mul3A_1320 : i32
        %swap3A_1322 = arith.constant 12 : i32
        %swap3A_1323 = arith.index_cast %swap3A_1322 : i32 to index
        %swap3A_1324 = arith.index_cast %mul3A_1321 : i32 to index
        %swap3A_1325 = tpu.vector_load %arg16[%swap3A_1323, %swap3A_1324] {strides = array<i32>} : memref<32x256xf32, #tpu.memory_space<vmem>>, vector<16xf32>,
        tpu.vector_store %arg16[%swap3A_1323, %swap3A_1324], %sub3A_1319 {strides = array<i32>} : memref<32x256xf32, #tpu.memory_space<vmem>>, vector<16xf32>,
        %sub3A_1326 = arith.subf %min3A_1292, %min3A_1286 : vector<16xf32>
        %mul3A_1327 = arith.constant 16 : i32
        %mul3A_1328 = arith.muli %scan3A_199, %mul3A_1327 : i32
        %swap3A_1329 = arith.constant 28 : i32
        %swap3A_1330 = arith.index_cast %swap3A_1329 : i32 to index
        %swap3A_1331 = arith.index_cast %mul3A_1328 : i32 to index
        %swap3A_1332 = tpu.vector_load %arg16[%swap3A_1330, %swap3A_1331] {strides = array<i32>} : memref<32x256xf32, #tpu.memory_space<vmem>>, vector<16xf32>,
        tpu.vector_store %arg16[%swap3A_1330, %swap3A_1331], %sub3A_1326 {strides = array<i32>} : memref<32x256xf32, #tpu.memory_space<vmem>>, vector<16xf32>,
        %add3A_1333 = arith.constant 13 : i32
        %add3A_1334 = vector.broadcast %add3A_1333 : i32 to vector<16xi32>
        %add3A_1335 = arith.addi %get3A_292, %add3A_1334 : vector<16xi32>
        %gather3A_1336 = tpu.vector_load_idx %arg12[%add3A_204, %add3A_1335] : memref<256x128xf32, #tpu.memory_space<vmem>>[vector<16xi32>, vector<16xi32>], vector<16xf32>,
        %add3A_1337 = arith.constant 29 : i32
        %add3A_1338 = vector.broadcast %add3A_1337 : i32 to vector<16xi32>
        %add3A_1339 = arith.addi %get3A_292, %add3A_1338 : vector<16xi32>
        %gather3A_1340 = tpu.vector_load_idx %arg12[%add3A_204, %add3A_1339] : memref<256x128xf32, #tpu.memory_space<vmem>>[vector<16xi32>, vector<16xi32>], vector<16xf32>,
        %add3A_1341 = arith.constant 13 : i32
        %add3A_1342 = vector.broadcast %add3A_1341 : i32 to vector<16xi32>
        %add3A_1343 = arith.addi %get3A_296, %add3A_1342 : vector<16xi32>
        %gather3A_1344 = tpu.vector_load_idx %arg13[%add3A_204, %add3A_1343] : memref<256x128xf32, #tpu.memory_space<vmem>>[vector<16xi32>, vector<16xi32>], vector<16xf32>,
        %add3A_1345 = arith.constant 29 : i32
        %add3A_1346 = vector.broadcast %add3A_1345 : i32 to vector<16xi32>
        %add3A_1347 = arith.addi %get3A_296, %add3A_1346 : vector<16xi32>
        %gather3A_1348 = tpu.vector_load_idx %arg13[%add3A_204, %add3A_1347] : memref<256x128xf32, #tpu.memory_space<vmem>>[vector<16xi32>, vector<16xi32>], vector<16xf32>,
        %max3A_1349 = arith.constant 0.000000e+00 : f32
        %max3A_1350 = vector.broadcast %max3A_1349 : f32 to vector<16xf32>
        %max3A_1351 = arith.maximumf %gather3A_1336, %max3A_1350 : vector<16xf32>
        %min3A_1352 = arith.constant 1.000000e+00 : f32
        %min3A_1353 = vector.broadcast %min3A_1352 : f32 to vector<16xf32>
        %min3A_1354 = arith.minimumf %max3A_1351, %min3A_1353 : vector<16xf32>
        %max3A_1355 = arith.constant 0.000000e+00 : f32
        %max3A_1356 = vector.broadcast %max3A_1355 : f32 to vector<16xf32>
        %max3A_1357 = arith.maximumf %gather3A_1340, %max3A_1356 : vector<16xf32>
        %min3A_1358 = arith.constant 1.000000e+00 : f32
        %min3A_1359 = vector.broadcast %min3A_1358 : f32 to vector<16xf32>
        %min3A_1360 = arith.minimumf %max3A_1357, %min3A_1359 : vector<16xf32>
        %max3A_1361 = arith.constant 0.000000e+00 : f32
        %max3A_1362 = vector.broadcast %max3A_1361 : f32 to vector<16xf32>
        %max3A_1363 = arith.maximumf %gather3A_1344, %max3A_1362 : vector<16xf32>
        %min3A_1364 = arith.constant 1.000000e+00 : f32
        %min3A_1365 = vector.broadcast %min3A_1364 : f32 to vector<16xf32>
        %min3A_1366 = arith.minimumf %max3A_1363, %min3A_1365 : vector<16xf32>
        %max3A_1367 = arith.constant 0.000000e+00 : f32
        %max3A_1368 = vector.broadcast %max3A_1367 : f32 to vector<16xf32>
        %max3A_1369 = arith.maximumf %gather3A_1348, %max3A_1368 : vector<16xf32>
        %min3A_1370 = arith.constant 1.000000e+00 : f32
        %min3A_1371 = vector.broadcast %min3A_1370 : f32 to vector<16xf32>
        %min3A_1372 = arith.minimumf %max3A_1369, %min3A_1371 : vector<16xf32>
        %mul3A_1373 = arith.constant 16 : i32
        %mul3A_1374 = arith.muli %scan3A_199, %mul3A_1373 : i32
        %swap3A_1375 = arith.constant 13 : i32
        %swap3A_1376 = arith.index_cast %swap3A_1375 : i32 to index
        %swap3A_1377 = arith.index_cast %mul3A_1374 : i32 to index
        %swap3A_1378 = tpu.vector_load %arg14[%swap3A_1376, %swap3A_1377] {strides = array<i32>} : memref<32x256xf32, #tpu.memory_space<vmem>>, vector<16xf32>,
        tpu.vector_store %arg14[%swap3A_1376, %swap3A_1377], %min3A_1354 {strides = array<i32>} : memref<32x256xf32, #tpu.memory_space<vmem>>, vector<16xf32>,
        %mul3A_1379 = arith.constant 16 : i32
        %mul3A_1380 = arith.muli %scan3A_199, %mul3A_1379 : i32
        %swap3A_1381 = arith.constant 29 : i32
        %swap3A_1382 = arith.index_cast %swap3A_1381 : i32 to index
        %swap3A_1383 = arith.index_cast %mul3A_1380 : i32 to index
        %swap3A_1384 = tpu.vector_load %arg14[%swap3A_1382, %swap3A_1383] {strides = array<i32>} : memref<32x256xf32, #tpu.memory_space<vmem>>, vector<16xf32>,
        tpu.vector_store %arg14[%swap3A_1382, %swap3A_1383], %min3A_1360 {strides = array<i32>} : memref<32x256xf32, #tpu.memory_space<vmem>>, vector<16xf32>,
        %mul3A_1385 = arith.constant 16 : i32
        %mul3A_1386 = arith.muli %scan3A_199, %mul3A_1385 : i32
        %swap3A_1387 = arith.constant 13 : i32
        %swap3A_1388 = arith.index_cast %swap3A_1387 : i32 to index
        %swap3A_1389 = arith.index_cast %mul3A_1386 : i32 to index
        %swap3A_1390 = tpu.vector_load %arg15[%swap3A_1388, %swap3A_1389] {strides = array<i32>} : memref<32x256xf32, #tpu.memory_space<vmem>>, vector<16xf32>,
        tpu.vector_store %arg15[%swap3A_1388, %swap3A_1389], %min3A_1366 {strides = array<i32>} : memref<32x256xf32, #tpu.memory_space<vmem>>, vector<16xf32>,
        %mul3A_1391 = arith.constant 16 : i32
        %mul3A_1392 = arith.muli %scan3A_199, %mul3A_1391 : i32
        %swap3A_1393 = arith.constant 29 : i32
        %swap3A_1394 = arith.index_cast %swap3A_1393 : i32 to index
        %swap3A_1395 = arith.index_cast %mul3A_1392 : i32 to index
        %swap3A_1396 = tpu.vector_load %arg15[%swap3A_1394, %swap3A_1395] {strides = array<i32>} : memref<32x256xf32, #tpu.memory_space<vmem>>, vector<16xf32>,
        tpu.vector_store %arg15[%swap3A_1394, %swap3A_1395], %min3A_1372 {strides = array<i32>} : memref<32x256xf32, #tpu.memory_space<vmem>>, vector<16xf32>,
        %min3A_1397 = arith.minimumf %min3A_1360, %min3A_1372 : vector<16xf32>
        %max3A_1398 = arith.maximumf %min3A_1354, %min3A_1366 : vector<16xf32>
        %sub3A_1399 = arith.subf %min3A_1397, %max3A_1398 : vector<16xf32>
        %mul3A_1400 = arith.constant 16 : i32
        %mul3A_1401 = arith.muli %scan3A_199, %mul3A_1400 : i32
        %swap3A_1402 = arith.constant 13 : i32
        %swap3A_1403 = arith.index_cast %swap3A_1402 : i32 to index
        %swap3A_1404 = arith.index_cast %mul3A_1401 : i32 to index
        %swap3A_1405 = tpu.vector_load %arg16[%swap3A_1403, %swap3A_1404] {strides = array<i32>} : memref<32x256xf32, #tpu.memory_space<vmem>>, vector<16xf32>,
        tpu.vector_store %arg16[%swap3A_1403, %swap3A_1404], %sub3A_1399 {strides = array<i32>} : memref<32x256xf32, #tpu.memory_space<vmem>>, vector<16xf32>,
        %sub3A_1406 = arith.subf %min3A_1372, %min3A_1366 : vector<16xf32>
        %mul3A_1407 = arith.constant 16 : i32
        %mul3A_1408 = arith.muli %scan3A_199, %mul3A_1407 : i32
        %swap3A_1409 = arith.constant 29 : i32
        %swap3A_1410 = arith.index_cast %swap3A_1409 : i32 to index
        %swap3A_1411 = arith.index_cast %mul3A_1408 : i32 to index
        %swap3A_1412 = tpu.vector_load %arg16[%swap3A_1410, %swap3A_1411] {strides = array<i32>} : memref<32x256xf32, #tpu.memory_space<vmem>>, vector<16xf32>,
        tpu.vector_store %arg16[%swap3A_1410, %swap3A_1411], %sub3A_1406 {strides = array<i32>} : memref<32x256xf32, #tpu.memory_space<vmem>>, vector<16xf32>,
        %add3A_1413 = arith.constant 14 : i32
        %add3A_1414 = vector.broadcast %add3A_1413 : i32 to vector<16xi32>
        %add3A_1415 = arith.addi %get3A_292, %add3A_1414 : vector<16xi32>
        %gather3A_1416 = tpu.vector_load_idx %arg12[%add3A_204, %add3A_1415] : memref<256x128xf32, #tpu.memory_space<vmem>>[vector<16xi32>, vector<16xi32>], vector<16xf32>,
        %add3A_1417 = arith.constant 30 : i32
        %add3A_1418 = vector.broadcast %add3A_1417 : i32 to vector<16xi32>
        %add3A_1419 = arith.addi %get3A_292, %add3A_1418 : vector<16xi32>
        %gather3A_1420 = tpu.vector_load_idx %arg12[%add3A_204, %add3A_1419] : memref<256x128xf32, #tpu.memory_space<vmem>>[vector<16xi32>, vector<16xi32>], vector<16xf32>,
        %add3A_1421 = arith.constant 14 : i32
        %add3A_1422 = vector.broadcast %add3A_1421 : i32 to vector<16xi32>
        %add3A_1423 = arith.addi %get3A_296, %add3A_1422 : vector<16xi32>
        %gather3A_1424 = tpu.vector_load_idx %arg13[%add3A_204, %add3A_1423] : memref<256x128xf32, #tpu.memory_space<vmem>>[vector<16xi32>, vector<16xi32>], vector<16xf32>,
        %add3A_1425 = arith.constant 30 : i32
        %add3A_1426 = vector.broadcast %add3A_1425 : i32 to vector<16xi32>
        %add3A_1427 = arith.addi %get3A_296, %add3A_1426 : vector<16xi32>
        %gather3A_1428 = tpu.vector_load_idx %arg13[%add3A_204, %add3A_1427] : memref<256x128xf32, #tpu.memory_space<vmem>>[vector<16xi32>, vector<16xi32>], vector<16xf32>,
        %max3A_1429 = arith.constant 0.000000e+00 : f32
        %max3A_1430 = vector.broadcast %max3A_1429 : f32 to vector<16xf32>
        %max3A_1431 = arith.maximumf %gather3A_1416, %max3A_1430 : vector<16xf32>
        %min3A_1432 = arith.constant 1.000000e+00 : f32
        %min3A_1433 = vector.broadcast %min3A_1432 : f32 to vector<16xf32>
        %min3A_1434 = arith.minimumf %max3A_1431, %min3A_1433 : vector<16xf32>
        %max3A_1435 = arith.constant 0.000000e+00 : f32
        %max3A_1436 = vector.broadcast %max3A_1435 : f32 to vector<16xf32>
        %max3A_1437 = arith.maximumf %gather3A_1420, %max3A_1436 : vector<16xf32>
        %min3A_1438 = arith.constant 1.000000e+00 : f32
        %min3A_1439 = vector.broadcast %min3A_1438 : f32 to vector<16xf32>
        %min3A_1440 = arith.minimumf %max3A_1437, %min3A_1439 : vector<16xf32>
        %max3A_1441 = arith.constant 0.000000e+00 : f32
        %max3A_1442 = vector.broadcast %max3A_1441 : f32 to vector<16xf32>
        %max3A_1443 = arith.maximumf %gather3A_1424, %max3A_1442 : vector<16xf32>
        %min3A_1444 = arith.constant 1.000000e+00 : f32
        %min3A_1445 = vector.broadcast %min3A_1444 : f32 to vector<16xf32>
        %min3A_1446 = arith.minimumf %max3A_1443, %min3A_1445 : vector<16xf32>
        %max3A_1447 = arith.constant 0.000000e+00 : f32
        %max3A_1448 = vector.broadcast %max3A_1447 : f32 to vector<16xf32>
        %max3A_1449 = arith.maximumf %gather3A_1428, %max3A_1448 : vector<16xf32>
        %min3A_1450 = arith.constant 1.000000e+00 : f32
        %min3A_1451 = vector.broadcast %min3A_1450 : f32 to vector<16xf32>
        %min3A_1452 = arith.minimumf %max3A_1449, %min3A_1451 : vector<16xf32>
        %mul3A_1453 = arith.constant 16 : i32
        %mul3A_1454 = arith.muli %scan3A_199, %mul3A_1453 : i32
        %swap3A_1455 = arith.constant 14 : i32
        %swap3A_1456 = arith.index_cast %swap3A_1455 : i32 to index
        %swap3A_1457 = arith.index_cast %mul3A_1454 : i32 to index
        %swap3A_1458 = tpu.vector_load %arg14[%swap3A_1456, %swap3A_1457] {strides = array<i32>} : memref<32x256xf32, #tpu.memory_space<vmem>>, vector<16xf32>,
        tpu.vector_store %arg14[%swap3A_1456, %swap3A_1457], %min3A_1434 {strides = array<i32>} : memref<32x256xf32, #tpu.memory_space<vmem>>, vector<16xf32>,
        %mul3A_1459 = arith.constant 16 : i32
        %mul3A_1460 = arith.muli %scan3A_199, %mul3A_1459 : i32
        %swap3A_1461 = arith.constant 30 : i32
        %swap3A_1462 = arith.index_cast %swap3A_1461 : i32 to index
        %swap3A_1463 = arith.index_cast %mul3A_1460 : i32 to index
        %swap3A_1464 = tpu.vector_load %arg14[%swap3A_1462, %swap3A_1463] {strides = array<i32>} : memref<32x256xf32, #tpu.memory_space<vmem>>, vector<16xf32>,
        tpu.vector_store %arg14[%swap3A_1462, %swap3A_1463], %min3A_1440 {strides = array<i32>} : memref<32x256xf32, #tpu.memory_space<vmem>>, vector<16xf32>,
        %mul3A_1465 = arith.constant 16 : i32
        %mul3A_1466 = arith.muli %scan3A_199, %mul3A_1465 : i32
        %swap3A_1467 = arith.constant 14 : i32
        %swap3A_1468 = arith.index_cast %swap3A_1467 : i32 to index
        %swap3A_1469 = arith.index_cast %mul3A_1466 : i32 to index
        %swap3A_1470 = tpu.vector_load %arg15[%swap3A_1468, %swap3A_1469] {strides = array<i32>} : memref<32x256xf32, #tpu.memory_space<vmem>>, vector<16xf32>,
        tpu.vector_store %arg15[%swap3A_1468, %swap3A_1469], %min3A_1446 {strides = array<i32>} : memref<32x256xf32, #tpu.memory_space<vmem>>, vector<16xf32>,
        %mul3A_1471 = arith.constant 16 : i32
        %mul3A_1472 = arith.muli %scan3A_199, %mul3A_1471 : i32
        %swap3A_1473 = arith.constant 30 : i32
        %swap3A_1474 = arith.index_cast %swap3A_1473 : i32 to index
        %swap3A_1475 = arith.index_cast %mul3A_1472 : i32 to index
        %swap3A_1476 = tpu.vector_load %arg15[%swap3A_1474, %swap3A_1475] {strides = array<i32>} : memref<32x256xf32, #tpu.memory_space<vmem>>, vector<16xf32>,
        tpu.vector_store %arg15[%swap3A_1474, %swap3A_1475], %min3A_1452 {strides = array<i32>} : memref<32x256xf32, #tpu.memory_space<vmem>>, vector<16xf32>,
        %min3A_1477 = arith.minimumf %min3A_1440, %min3A_1452 : vector<16xf32>
        %max3A_1478 = arith.maximumf %min3A_1434, %min3A_1446 : vector<16xf32>
        %sub3A_1479 = arith.subf %min3A_1477, %max3A_1478 : vector<16xf32>
        %mul3A_1480 = arith.constant 16 : i32
        %mul3A_1481 = arith.muli %scan3A_199, %mul3A_1480 : i32
        %swap3A_1482 = arith.constant 14 : i32
        %swap3A_1483 = arith.index_cast %swap3A_1482 : i32 to index
        %swap3A_1484 = arith.index_cast %mul3A_1481 : i32 to index
        %swap3A_1485 = tpu.vector_load %arg16[%swap3A_1483, %swap3A_1484] {strides = array<i32>} : memref<32x256xf32, #tpu.memory_space<vmem>>, vector<16xf32>,
        tpu.vector_store %arg16[%swap3A_1483, %swap3A_1484], %sub3A_1479 {strides = array<i32>} : memref<32x256xf32, #tpu.memory_space<vmem>>, vector<16xf32>,
        %sub3A_1486 = arith.subf %min3A_1452, %min3A_1446 : vector<16xf32>
        %mul3A_1487 = arith.constant 16 : i32
        %mul3A_1488 = arith.muli %scan3A_199, %mul3A_1487 : i32
        %swap3A_1489 = arith.constant 30 : i32
        %swap3A_1490 = arith.index_cast %swap3A_1489 : i32 to index
        %swap3A_1491 = arith.index_cast %mul3A_1488 : i32 to index
        %swap3A_1492 = tpu.vector_load %arg16[%swap3A_1490, %swap3A_1491] {strides = array<i32>} : memref<32x256xf32, #tpu.memory_space<vmem>>, vector<16xf32>,
        tpu.vector_store %arg16[%swap3A_1490, %swap3A_1491], %sub3A_1486 {strides = array<i32>} : memref<32x256xf32, #tpu.memory_space<vmem>>, vector<16xf32>,
        %add3A_1493 = arith.constant 15 : i32
        %add3A_1494 = vector.broadcast %add3A_1493 : i32 to vector<16xi32>
        %add3A_1495 = arith.addi %get3A_292, %add3A_1494 : vector<16xi32>
        %gather3A_1496 = tpu.vector_load_idx %arg12[%add3A_204, %add3A_1495] : memref<256x128xf32, #tpu.memory_space<vmem>>[vector<16xi32>, vector<16xi32>], vector<16xf32>,
        %add3A_1497 = arith.constant 31 : i32
        %add3A_1498 = vector.broadcast %add3A_1497 : i32 to vector<16xi32>
        %add3A_1499 = arith.addi %get3A_292, %add3A_1498 : vector<16xi32>
        %gather3A_1500 = tpu.vector_load_idx %arg12[%add3A_204, %add3A_1499] : memref<256x128xf32, #tpu.memory_space<vmem>>[vector<16xi32>, vector<16xi32>], vector<16xf32>,
        %add3A_1501 = arith.constant 15 : i32
        %add3A_1502 = vector.broadcast %add3A_1501 : i32 to vector<16xi32>
        %add3A_1503 = arith.addi %get3A_296, %add3A_1502 : vector<16xi32>
        %gather3A_1504 = tpu.vector_load_idx %arg13[%add3A_204, %add3A_1503] : memref<256x128xf32, #tpu.memory_space<vmem>>[vector<16xi32>, vector<16xi32>], vector<16xf32>,
        %add3A_1505 = arith.constant 31 : i32
        %add3A_1506 = vector.broadcast %add3A_1505 : i32 to vector<16xi32>
        %add3A_1507 = arith.addi %get3A_296, %add3A_1506 : vector<16xi32>
        %gather3A_1508 = tpu.vector_load_idx %arg13[%add3A_204, %add3A_1507] : memref<256x128xf32, #tpu.memory_space<vmem>>[vector<16xi32>, vector<16xi32>], vector<16xf32>,
        %max3A_1509 = arith.constant 0.000000e+00 : f32
        %max3A_1510 = vector.broadcast %max3A_1509 : f32 to vector<16xf32>
        %max3A_1511 = arith.maximumf %gather3A_1496, %max3A_1510 : vector<16xf32>
        %min3A_1512 = arith.constant 1.000000e+00 : f32
        %min3A_1513 = vector.broadcast %min3A_1512 : f32 to vector<16xf32>
        %min3A_1514 = arith.minimumf %max3A_1511, %min3A_1513 : vector<16xf32>
        %max3A_1515 = arith.constant 0.000000e+00 : f32
        %max3A_1516 = vector.broadcast %max3A_1515 : f32 to vector<16xf32>
        %max3A_1517 = arith.maximumf %gather3A_1500, %max3A_1516 : vector<16xf32>
        %min3A_1518 = arith.constant 1.000000e+00 : f32
        %min3A_1519 = vector.broadcast %min3A_1518 : f32 to vector<16xf32>
        %min3A_1520 = arith.minimumf %max3A_1517, %min3A_1519 : vector<16xf32>
        %max3A_1521 = arith.constant 0.000000e+00 : f32
        %max3A_1522 = vector.broadcast %max3A_1521 : f32 to vector<16xf32>
        %max3A_1523 = arith.maximumf %gather3A_1504, %max3A_1522 : vector<16xf32>
        %min3A_1524 = arith.constant 1.000000e+00 : f32
        %min3A_1525 = vector.broadcast %min3A_1524 : f32 to vector<16xf32>
        %min3A_1526 = arith.minimumf %max3A_1523, %min3A_1525 : vector<16xf32>
        %max3A_1527 = arith.constant 0.000000e+00 : f32
        %max3A_1528 = vector.broadcast %max3A_1527 : f32 to vector<16xf32>
        %max3A_1529 = arith.maximumf %gather3A_1508, %max3A_1528 : vector<16xf32>
        %min3A_1530 = arith.constant 1.000000e+00 : f32
        %min3A_1531 = vector.broadcast %min3A_1530 : f32 to vector<16xf32>
        %min3A_1532 = arith.minimumf %max3A_1529, %min3A_1531 : vector<16xf32>
        %mul3A_1533 = arith.constant 16 : i32
        %mul3A_1534 = arith.muli %scan3A_199, %mul3A_1533 : i32
        %swap3A_1535 = arith.constant 15 : i32
        %swap3A_1536 = arith.index_cast %swap3A_1535 : i32 to index
        %swap3A_1537 = arith.index_cast %mul3A_1534 : i32 to index
        %swap3A_1538 = tpu.vector_load %arg14[%swap3A_1536, %swap3A_1537] {strides = array<i32>} : memref<32x256xf32, #tpu.memory_space<vmem>>, vector<16xf32>,
        tpu.vector_store %arg14[%swap3A_1536, %swap3A_1537], %min3A_1514 {strides = array<i32>} : memref<32x256xf32, #tpu.memory_space<vmem>>, vector<16xf32>,
        %mul3A_1539 = arith.constant 16 : i32
        %mul3A_1540 = arith.muli %scan3A_199, %mul3A_1539 : i32
        %swap3A_1541 = arith.constant 31 : i32
        %swap3A_1542 = arith.index_cast %swap3A_1541 : i32 to index
        %swap3A_1543 = arith.index_cast %mul3A_1540 : i32 to index
        %swap3A_1544 = tpu.vector_load %arg14[%swap3A_1542, %swap3A_1543] {strides = array<i32>} : memref<32x256xf32, #tpu.memory_space<vmem>>, vector<16xf32>,
        tpu.vector_store %arg14[%swap3A_1542, %swap3A_1543], %min3A_1520 {strides = array<i32>} : memref<32x256xf32, #tpu.memory_space<vmem>>, vector<16xf32>,
        %mul3A_1545 = arith.constant 16 : i32
        %mul3A_1546 = arith.muli %scan3A_199, %mul3A_1545 : i32
        %swap3A_1547 = arith.constant 15 : i32
        %swap3A_1548 = arith.index_cast %swap3A_1547 : i32 to index
        %swap3A_1549 = arith.index_cast %mul3A_1546 : i32 to index
        %swap3A_1550 = tpu.vector_load %arg15[%swap3A_1548, %swap3A_1549] {strides = array<i32>} : memref<32x256xf32, #tpu.memory_space<vmem>>, vector<16xf32>,
        tpu.vector_store %arg15[%swap3A_1548, %swap3A_1549], %min3A_1526 {strides = array<i32>} : memref<32x256xf32, #tpu.memory_space<vmem>>, vector<16xf32>,
        %mul3A_1551 = arith.constant 16 : i32
        %mul3A_1552 = arith.muli %scan3A_199, %mul3A_1551 : i32
        %swap3A_1553 = arith.constant 31 : i32
        %swap3A_1554 = arith.index_cast %swap3A_1553 : i32 to index
        %swap3A_1555 = arith.index_cast %mul3A_1552 : i32 to index
        %swap3A_1556 = tpu.vector_load %arg15[%swap3A_1554, %swap3A_1555] {strides = array<i32>} : memref<32x256xf32, #tpu.memory_space<vmem>>, vector<16xf32>,
        tpu.vector_store %arg15[%swap3A_1554, %swap3A_1555], %min3A_1532 {strides = array<i32>} : memref<32x256xf32, #tpu.memory_space<vmem>>, vector<16xf32>,
        %min3A_1557 = arith.minimumf %min3A_1520, %min3A_1532 : vector<16xf32>
        %max3A_1558 = arith.maximumf %min3A_1514, %min3A_1526 : vector<16xf32>
        %sub3A_1559 = arith.subf %min3A_1557, %max3A_1558 : vector<16xf32>
        %mul3A_1560 = arith.constant 16 : i32
        %mul3A_1561 = arith.muli %scan3A_199, %mul3A_1560 : i32
        %swap3A_1562 = arith.constant 15 : i32
        %swap3A_1563 = arith.index_cast %swap3A_1562 : i32 to index
        %swap3A_1564 = arith.index_cast %mul3A_1561 : i32 to index
        %swap3A_1565 = tpu.vector_load %arg16[%swap3A_1563, %swap3A_1564] {strides = array<i32>} : memref<32x256xf32, #tpu.memory_space<vmem>>, vector<16xf32>,
        tpu.vector_store %arg16[%swap3A_1563, %swap3A_1564], %sub3A_1559 {strides = array<i32>} : memref<32x256xf32, #tpu.memory_space<vmem>>, vector<16xf32>,
        %sub3A_1566 = arith.subf %min3A_1532, %min3A_1526 : vector<16xf32>
        %mul3A_1567 = arith.constant 16 : i32
        %mul3A_1568 = arith.muli %scan3A_199, %mul3A_1567 : i32
        %swap3A_1569 = arith.constant 31 : i32
        %swap3A_1570 = arith.index_cast %swap3A_1569 : i32 to index
        %swap3A_1571 = arith.index_cast %mul3A_1568 : i32 to index
        %swap3A_1572 = tpu.vector_load %arg16[%swap3A_1570, %swap3A_1571] {strides = array<i32>} : memref<32x256xf32, #tpu.memory_space<vmem>>, vector<16xf32>,
        tpu.vector_store %arg16[%swap3A_1570, %swap3A_1571], %sub3A_1566 {strides = array<i32>} : memref<32x256xf32, #tpu.memory_space<vmem>>, vector<16xf32>,
        %scan3A_1573 = arith.constant 0 : i32
        scf.yield %scan3A_1573 : i32
      }
      %scan3A_189 = arith.constant 16 : i32
      %mul3A_190 = arith.constant 4096 : i32
      %mul3A_191 = arith.muli %select_n3A_30, %mul3A_190 : i32
      %mul3A_192 = arith.constant 256 : i32
      %mul3A_193 = arith.muli %scan3A_50, %mul3A_192 : i32
      %add3A_194 = arith.addi %mul3A_191, %mul3A_193 : i32
      %mul3A_195 = arith.constant 32 : i32
      %mul3A_196 = arith.muli %select_n3A, %mul3A_195 : i32
      %multiple_of3A = tpu.assume_multiple %mul3A_196, 8 : i32
      %multiple_of3A_197 = tpu.assume_multiple %add3A_194, 128 : i32
      "tpu.region"() ({
        %run_scoped3A = tpu.sem_alloc : memref<!tpu.dma_semaphore, #tpu.memory_space<semaphore_mem>>
        %dma_start3A_199 = tpu.memref_slice %arg5[%multiple_of3A, %multiple_of3A_197] : memref<256x16384xf32, #tpu.memory_space<hbm>> -> memref<32x256xf32, #tpu.memory_space<hbm>>
        %dma_start3A_200 = tpu.memref_slice %arg5[%multiple_of3A, %multiple_of3A_197] : memref<256x16384xf32, #tpu.memory_space<hbm>> -> memref<32x256xf32, #tpu.memory_space<hbm>>
        tpu.enqueue_dma source(%arg14 : memref<32x256xf32, #tpu.memory_space<vmem>>) target(%dma_start3A_200 : memref<32x256xf32, #tpu.memory_space<hbm>>) target_semaphore(%run_scoped3A : memref<!tpu.dma_semaphore, #tpu.memory_space<semaphore_mem>>)
        %dma_wait3A_201 = tpu.memref_slice %arg5[%multiple_of3A, %multiple_of3A_197] : memref<256x16384xf32, #tpu.memory_space<hbm>> -> memref<32x256xf32, #tpu.memory_space<hbm>>
        %dma_wait3A_202 = tpu.memref_slice %arg5[%multiple_of3A, %multiple_of3A_197] : memref<256x16384xf32, #tpu.memory_space<hbm>> -> memref<32x256xf32, #tpu.memory_space<hbm>>
        tpu.wait_dma2 semaphore(%run_scoped3A : memref<!tpu.dma_semaphore, #tpu.memory_space<semaphore_mem>>) src(%arg14 : memref<32x256xf32, #tpu.memory_space<vmem>>) dst(%dma_wait3A_202 : memref<32x256xf32, #tpu.memory_space<hbm>>)
        tpu.yield
      }) : () -> ()
      "tpu.region"() ({
        %run_scoped3A = tpu.sem_alloc : memref<!tpu.dma_semaphore, #tpu.memory_space<semaphore_mem>>
        %dma_start3A_199 = tpu.memref_slice %arg6[%multiple_of3A, %multiple_of3A_197] : memref<256x16384xf32, #tpu.memory_space<hbm>> -> memref<32x256xf32, #tpu.memory_space<hbm>>
        %dma_start3A_200 = tpu.memref_slice %arg6[%multiple_of3A, %multiple_of3A_197] : memref<256x16384xf32, #tpu.memory_space<hbm>> -> memref<32x256xf32, #tpu.memory_space<hbm>>
        tpu.enqueue_dma source(%arg15 : memref<32x256xf32, #tpu.memory_space<vmem>>) target(%dma_start3A_200 : memref<32x256xf32, #tpu.memory_space<hbm>>) target_semaphore(%run_scoped3A : memref<!tpu.dma_semaphore, #tpu.memory_space<semaphore_mem>>)
        %dma_wait3A_201 = tpu.memref_slice %arg6[%multiple_of3A, %multiple_of3A_197] : memref<256x16384xf32, #tpu.memory_space<hbm>> -> memref<32x256xf32, #tpu.memory_space<hbm>>
        %dma_wait3A_202 = tpu.memref_slice %arg6[%multiple_of3A, %multiple_of3A_197] : memref<256x16384xf32, #tpu.memory_space<hbm>> -> memref<32x256xf32, #tpu.memory_space<hbm>>
        tpu.wait_dma2 semaphore(%run_scoped3A : memref<!tpu.dma_semaphore, #tpu.memory_space<semaphore_mem>>) src(%arg15 : memref<32x256xf32, #tpu.memory_space<vmem>>) dst(%dma_wait3A_202 : memref<32x256xf32, #tpu.memory_space<hbm>>)
        tpu.yield
      }) : () -> ()
      "tpu.region"() ({
        %run_scoped3A = tpu.sem_alloc : memref<!tpu.dma_semaphore, #tpu.memory_space<semaphore_mem>>
        %dma_start3A_199 = tpu.memref_slice %arg7[%multiple_of3A, %multiple_of3A_197] : memref<256x16384xf32, #tpu.memory_space<hbm>> -> memref<32x256xf32, #tpu.memory_space<hbm>>
        %dma_start3A_200 = tpu.memref_slice %arg7[%multiple_of3A, %multiple_of3A_197] : memref<256x16384xf32, #tpu.memory_space<hbm>> -> memref<32x256xf32, #tpu.memory_space<hbm>>
        tpu.enqueue_dma source(%arg16 : memref<32x256xf32, #tpu.memory_space<vmem>>) target(%dma_start3A_200 : memref<32x256xf32, #tpu.memory_space<hbm>>) target_semaphore(%run_scoped3A : memref<!tpu.dma_semaphore, #tpu.memory_space<semaphore_mem>>)
        %dma_wait3A_201 = tpu.memref_slice %arg7[%multiple_of3A, %multiple_of3A_197] : memref<256x16384xf32, #tpu.memory_space<hbm>> -> memref<32x256xf32, #tpu.memory_space<hbm>>
        %dma_wait3A_202 = tpu.memref_slice %arg7[%multiple_of3A, %multiple_of3A_197] : memref<256x16384xf32, #tpu.memory_space<hbm>> -> memref<32x256xf32, #tpu.memory_space<hbm>>
        tpu.wait_dma2 semaphore(%run_scoped3A : memref<!tpu.dma_semaphore, #tpu.memory_space<semaphore_mem>>) src(%arg16 : memref<32x256xf32, #tpu.memory_space<vmem>>) dst(%dma_wait3A_202 : memref<32x256xf32, #tpu.memory_space<hbm>>)
        tpu.yield
      }) : () -> ()
      %scan3A_198 = arith.constant 0 : i32
      scf.yield %scan3A_198 : i32
    }
    %scan3A_49 = arith.constant 16 : i32
    return
  }
}

module attributes {stable_mosaic.version = 14 : i64} {
  func.func @_copy_body(%arg0: i32, %arg1: memref<4000x128xf32, #tpu.memory_space<vmem>>, %arg2: memref<4000x128xf32, #tpu.memory_space<vmem>>) attributes {dimension_semantics = [#tpu.dimension_semantics<arbitrary>], iteration_bounds = array<i64: 50>, scalar_prefetch = 0 : i64, scratch_operands = 0 : i64, tpu.core_type = #tpu.core_type<tc>, window_params = [{transform_indices = @transform_0, window_bounds = array<i64: 4000, 128>}, {transform_indices = @transform_1, window_bounds = array<i64: 4000, 128>}]} {
    %get3A = arith.constant 0 : index
    %get3A_0 = arith.constant 0 : index
    %get3A_1 = vector.load %arg1[%get3A, %get3A_0] : memref<4000x128xf32, #tpu.memory_space<vmem>>, vector<4000x128xf32>
    %swap3A = arith.constant 0 : index
    %swap3A_2 = arith.constant 0 : index
    %swap3A_3 = vector.load %arg2[%swap3A, %swap3A_2] : memref<4000x128xf32, #tpu.memory_space<vmem>>, vector<4000x128xf32>
    tpu.vector_store %arg2[%swap3A, %swap3A_2], %get3A_1 {strides = array<i32>} : memref<4000x128xf32, #tpu.memory_space<vmem>>, vector<4000x128xf32>,
    return
  }
  func.func @transform_0(%arg0: i32) -> (i32, i32) {
    %c0_i32 = arith.constant 0 : i32
    %c0_i32_0 = arith.constant 0 : i32
    return %arg0, %c0_i32 : i32, i32
  }
  func.func @transform_1(%arg0: i32) -> (i32, i32) {
    %c0_i32 = arith.constant 0 : i32
    %c0_i32_0 = arith.constant 0 : i32
    return %arg0, %c0_i32 : i32, i32
  }
}

module attributes {stable_mosaic.version = 14 : i64} {
  func.func @_unary_body(%arg0: i32, %arg1: i32, %arg2: memref<8x2x1x1x25x2000xf32, #tpu.memory_space<vmem>>, %arg3: memref<8x128xf32, #tpu.memory_space<vmem>>, %arg4: memref<1xf32, #tpu.memory_space<smem>>, %arg5: memref<1x25x2000xf32, #tpu.memory_space<vmem>>, %arg6: memref<8x2x1x1x25x2000xf32, #tpu.memory_space<vmem>>, %arg7: memref<8x25x2000xf32, #tpu.memory_space<vmem>>) attributes {dimension_semantics = [#tpu.dimension_semantics<arbitrary>, #tpu.dimension_semantics<arbitrary>], iteration_bounds = array<i64: 2, 16>, scalar_prefetch = 0 : i64, scratch_operands = 1 : i64, tpu.core_type = #tpu.core_type<tc>, window_params = [{transform_indices = @transform_0, window_bounds = array<i64: 8, 2, 1, 1, 25, 2000>}, {pipeline_mode = #tpu.pipeline_mode<synchronous>, transform_indices = @transform_1, window_bounds = array<i64: 8, 128>}, {transform_indices = @transform_2, window_bounds = array<i64: 1>}, {transform_indices = @transform_3, window_bounds = array<i64: 1, 25, 2000>}, {transform_indices = @transform_4, window_bounds = array<i64: 8, 2, 1, 1, 25, 2000>}]} {
    %get3A = arith.constant 0 : index
    %get3A_0 = arith.constant 0 : index
    %get3A_1 = arith.constant 0 : index
    %get3A_2 = arith.constant 0 : index
    %get3A_3 = arith.constant 0 : index
    %get3A_4 = arith.constant 0 : index
    %get3A_5 = vector.load %arg2[%get3A, %get3A_0, %get3A_1, %get3A_2, %get3A_3, %get3A_4] : memref<8x2x1x1x25x2000xf32, #tpu.memory_space<vmem>>, vector<8x2x1x1x25x2000xf32>
    %swap3A = arith.constant 0 : index
    %swap3A_6 = arith.constant 0 : index
    %swap3A_7 = arith.constant 0 : index
    %swap3A_8 = arith.constant 0 : index
    %swap3A_9 = arith.constant 0 : index
    %swap3A_10 = arith.constant 0 : index
    %swap3A_11 = vector.load %arg6[%swap3A, %swap3A_6, %swap3A_7, %swap3A_8, %swap3A_9, %swap3A_10] : memref<8x2x1x1x25x2000xf32, #tpu.memory_space<vmem>>, vector<8x2x1x1x25x2000xf32>
    tpu.vector_store %arg6[%swap3A, %swap3A_6, %swap3A_7, %swap3A_8, %swap3A_9, %swap3A_10], %get3A_5 {strides = array<i32>} : memref<8x2x1x1x25x2000xf32, #tpu.memory_space<vmem>>, vector<8x2x1x1x25x2000xf32>,
    %slice3A = vector.extract_strided_slice %get3A_5 {offsets = [0, 0, 0, 0, 0, 0], sizes = [8, 1, 1, 1, 25, 2000], strides = [1, 1, 1, 1, 1, 1]} : vector<8x2x1x1x25x2000xf32> to vector<8x1x1x1x25x2000xf32>
    %squeeze3A = vector.shape_cast %slice3A : vector<8x1x1x1x25x2000xf32> to vector<8x25x2000xf32>
    %jit3A = arith.constant 0.000000e+00 : f32
    %jit3A_12 = arith.constant 1.000000e+00 : f32
    %max3A = vector.broadcast %jit3A : f32 to vector<8x25x2000xf32>
    %max3A_13 = arith.maximumf %max3A, %squeeze3A : vector<8x25x2000xf32>
    %min3A = vector.broadcast %jit3A_12 : f32 to vector<8x25x2000xf32>
    %min3A_14 = arith.minimumf %min3A, %max3A_13 : vector<8x25x2000xf32>
    %slice3A_15 = vector.extract_strided_slice %get3A_5 {offsets = [0, 1, 0, 0, 0, 0], sizes = [8, 1, 1, 1, 25, 2000], strides = [1, 1, 1, 1, 1, 1]} : vector<8x2x1x1x25x2000xf32> to vector<8x1x1x1x25x2000xf32>
    %squeeze3A_16 = vector.shape_cast %slice3A_15 : vector<8x1x1x1x25x2000xf32> to vector<8x25x2000xf32>
    %jit3A_17 = arith.constant 0.000000e+00 : f32
    %jit3A_18 = arith.constant 1.000000e+00 : f32
    %max3A_19 = vector.broadcast %jit3A_17 : f32 to vector<8x25x2000xf32>
    %max3A_20 = arith.maximumf %max3A_19, %squeeze3A_16 : vector<8x25x2000xf32>
    %min3A_21 = vector.broadcast %jit3A_18 : f32 to vector<8x25x2000xf32>
    %min3A_22 = arith.minimumf %min3A_21, %max3A_20 : vector<8x25x2000xf32>
    %sub3A = arith.subf %min3A_22, %min3A_14 : vector<8x25x2000xf32>
    %max3A_23 = arith.constant 0.000000e+00 : f32
    %max3A_24 = vector.broadcast %max3A_23 : f32 to vector<8x25x2000xf32>
    %max3A_25 = arith.maximumf %sub3A, %max3A_24 : vector<8x25x2000xf32>
    %abs3A = math.absf %sub3A : vector<8x25x2000xf32>
    %neg3A = arith.constant 0.000000e+00 : f32
    %neg3A_26 = vector.broadcast %neg3A : f32 to vector<8x25x2000xf32>
    %neg3A_27 = arith.subf %neg3A_26, %abs3A : vector<8x25x2000xf32>
    %exp3A = math.exp %neg3A_27 : vector<8x25x2000xf32>
    %log1p3A = math.log1p %exp3A : vector<8x25x2000xf32>
    %add3A = arith.addf %max3A_25, %log1p3A : vector<8x25x2000xf32>
    %add3A_28 = arith.constant 1.17549435E-38 : f32
    %add3A_29 = vector.broadcast %add3A_28 : f32 to vector<8x25x2000xf32>
    %add3A_30 = arith.addf %add3A, %add3A_29 : vector<8x25x2000xf32>
    %eq3A = arith.constant 0 : i32
    %eq3A_31 = arith.cmpi eq, %arg1, %eq3A : i32
    %convert_element_type3A = arith.extui %eq3A_31 : i1 to i32
    %cond3A = arith.constant 0 : i32
    %cond3A_32 = arith.cmpi ne, %convert_element_type3A, %cond3A : i32
    scf.if %cond3A_32 {
      %swap3A_42 = arith.constant 0 : index
      %swap3A_43 = arith.constant 0 : index
      %swap3A_44 = arith.constant 0 : index
      %swap3A_45 = vector.load %arg7[%swap3A_42, %swap3A_43, %swap3A_44] : memref<8x25x2000xf32, #tpu.memory_space<vmem>>, vector<8x25x2000xf32>
      tpu.vector_store %arg7[%swap3A_42, %swap3A_43, %swap3A_44], %add3A_30 {strides = array<i32>} : memref<8x25x2000xf32, #tpu.memory_space<vmem>>, vector<8x25x2000xf32>,
    } else {
    }
    %gt3A = arith.constant 0 : i32
    %gt3A_33 = arith.cmpi sgt, %arg1, %gt3A : i32
    %convert_element_type3A_34 = arith.extui %gt3A_33 : i1 to i32
    %cond3A_35 = arith.constant 0 : i32
    %cond3A_36 = arith.cmpi ne, %convert_element_type3A_34, %cond3A_35 : i32
    scf.if %cond3A_36 {
      %get3A_42 = arith.constant 0 : index
      %get3A_43 = arith.constant 0 : index
      %get3A_44 = arith.constant 0 : index
      %get3A_45 = vector.load %arg7[%get3A_42, %get3A_43, %get3A_44] : memref<8x25x2000xf32, #tpu.memory_space<vmem>>, vector<8x25x2000xf32>
      %mul3A = arith.mulf %get3A_45, %add3A_30 : vector<8x25x2000xf32>
      %swap3A_46 = arith.constant 0 : index
      %swap3A_47 = arith.constant 0 : index
      %swap3A_48 = arith.constant 0 : index
      %swap3A_49 = vector.load %arg7[%swap3A_46, %swap3A_47, %swap3A_48] : memref<8x25x2000xf32, #tpu.memory_space<vmem>>, vector<8x25x2000xf32>
      tpu.vector_store %arg7[%swap3A_46, %swap3A_47, %swap3A_48], %mul3A {strides = array<i32>} : memref<8x25x2000xf32, #tpu.memory_space<vmem>>, vector<8x25x2000xf32>,
    } else {
    }
    %eq3A_37 = arith.constant 15 : i32
    %eq3A_38 = arith.cmpi eq, %arg1, %eq3A_37 : i32
    %convert_element_type3A_39 = arith.extui %eq3A_38 : i1 to i32
    %cond3A_40 = arith.constant 0 : i32
    %cond3A_41 = arith.cmpi ne, %convert_element_type3A_39, %cond3A_40 : i32
    scf.if %cond3A_41 {
      %get3A_42 = arith.constant 0 : index
      %get3A_43 = arith.constant 0 : index
      %get3A_44 = arith.constant 0 : index
      %get3A_45 = vector.load %arg7[%get3A_42, %get3A_43, %get3A_44] : memref<8x25x2000xf32, #tpu.memory_space<vmem>>, vector<8x25x2000xf32>
      %log3A = math.log %get3A_45 : vector<8x25x2000xf32>
      %get3A_46 = arith.constant 0 : index
      %get3A_47 = arith.constant 0 : index
      %get3A_48 = vector.load %arg3[%get3A_46, %get3A_47] : memref<8x128xf32, #tpu.memory_space<vmem>>, vector<8x128xf32>
      %slice3A_49 = vector.extract_strided_slice %get3A_48 {offsets = [0, 0], sizes = [8, 1], strides = [1, 1]} : vector<8x128xf32> to vector<8x1xf32>
      %broadcast_in_dim3A = vector.shape_cast %slice3A_49 : vector<8x1xf32> to vector<8x1x1xf32>
      %add3A_50 = vector.broadcast %broadcast_in_dim3A : vector<8x1x1xf32> to vector<8x25x2000xf32>
      %add3A_51 = arith.addf %log3A, %add3A_50 : vector<8x25x2000xf32>
      %reduce_max3A = arith.constant dense<0xFF800000> : vector<25x2000xf32>
      %reduce_max3A_52 = vector.multi_reduction <maximumf>, %add3A_51, %reduce_max3A [0] : vector<8x25x2000xf32> to vector<25x2000xf32>
      %broadcast_in_dim3A_53 = vector.shape_cast %reduce_max3A_52 : vector<25x2000xf32> to vector<1x25x2000xf32>
      %sub3A_54 = vector.broadcast %broadcast_in_dim3A_53 : vector<1x25x2000xf32> to vector<8x25x2000xf32>
      %sub3A_55 = arith.subf %add3A_51, %sub3A_54 : vector<8x25x2000xf32>
      %exp3A_56 = math.exp %sub3A_55 : vector<8x25x2000xf32>
      %reduce_sum3A = arith.constant dense<0.000000e+00> : vector<25x2000xf32>
      %reduce_sum3A_57 = vector.multi_reduction <add>, %exp3A_56, %reduce_sum3A [0] : vector<8x25x2000xf32> to vector<25x2000xf32>
      %log3A_58 = math.log %reduce_sum3A_57 : vector<25x2000xf32>
      %squeeze3A_59 = vector.shape_cast %broadcast_in_dim3A_53 : vector<1x25x2000xf32> to vector<25x2000xf32>
      %add3A_60 = arith.addf %log3A_58, %squeeze3A_59 : vector<25x2000xf32>
      %get3A_61 = arith.constant 0 : index
      %get3A_62 = memref.load %arg4[%get3A_61] : memref<1xf32, #tpu.memory_space<smem>>
      %sub3A_63 = vector.broadcast %get3A_62 : f32 to vector<25x2000xf32>
      %sub3A_64 = arith.subf %add3A_60, %sub3A_63 : vector<25x2000xf32>
      %broadcast_in_dim3A_65 = vector.shape_cast %sub3A_64 : vector<25x2000xf32> to vector<1x25x2000xf32>
      %swap3A_66 = arith.constant 0 : index
      %swap3A_67 = arith.constant 0 : index
      %swap3A_68 = arith.constant 0 : index
      %swap3A_69 = vector.load %arg5[%swap3A_66, %swap3A_67, %swap3A_68] : memref<1x25x2000xf32, #tpu.memory_space<vmem>>, vector<1x25x2000xf32>
      tpu.vector_store %arg5[%swap3A_66, %swap3A_67, %swap3A_68], %broadcast_in_dim3A_65 {strides = array<i32>} : memref<1x25x2000xf32, #tpu.memory_space<vmem>>, vector<1x25x2000xf32>,
    } else {
    }
    return
  }
  func.func @transform_0(%arg0: i32, %arg1: i32) -> (i32, i32, i32, i32, i32, i32) {
    %c0_i32 = arith.constant 0 : i32
    %c0_i32_0 = arith.constant 0 : i32
    %c0_i32_1 = arith.constant 0 : i32
    %c0_i32_2 = arith.constant 0 : i32
    %c0_i32_3 = arith.constant 0 : i32
    return %c0_i32, %c0_i32_0, %arg1, %arg0, %c0_i32_1, %c0_i32_2 : i32, i32, i32, i32, i32, i32
  }
  func.func @transform_1(%arg0: i32, %arg1: i32) -> (i32, i32) {
    %c0_i32 = arith.constant 0 : i32
    %c0_i32_0 = arith.constant 0 : i32
    %c0_i32_1 = arith.constant 0 : i32
    return %c0_i32, %c0_i32_0 : i32, i32
  }
  func.func @transform_2(%arg0: i32, %arg1: i32) -> i32 {
    %c0_i32 = arith.constant 0 : i32
    %c0_i32_0 = arith.constant 0 : i32
    return %c0_i32 : i32
  }
  func.func @transform_3(%arg0: i32, %arg1: i32) -> (i32, i32, i32) {
    %c0_i32 = arith.constant 0 : i32
    %c0_i32_0 = arith.constant 0 : i32
    %c0_i32_1 = arith.constant 0 : i32
    return %arg0, %c0_i32, %c0_i32_0 : i32, i32, i32
  }
  func.func @transform_4(%arg0: i32, %arg1: i32) -> (i32, i32, i32, i32, i32, i32) {
    %c0_i32 = arith.constant 0 : i32
    %c0_i32_0 = arith.constant 0 : i32
    %c0_i32_1 = arith.constant 0 : i32
    %c0_i32_2 = arith.constant 0 : i32
    %c0_i32_3 = arith.constant 0 : i32
    return %c0_i32, %c0_i32_0, %arg1, %arg0, %c0_i32_1, %c0_i32_2 : i32, i32, i32, i32, i32, i32
  }
}

module attributes {stable_mosaic.version = 14 : i64} {
  func.func @_pair_body(%arg0: i32, %arg1: memref<8x32x2048xf32, #tpu.memory_space<vmem>>, %arg2: memref<8x128xf32, #tpu.memory_space<vmem>>, %arg3: memref<1x1x2048xf32, #tpu.memory_space<vmem>>, %arg4: memref<1x1x2048xf32, #tpu.memory_space<vmem>>) attributes {dimension_semantics = [#tpu.dimension_semantics<arbitrary>], iteration_bounds = array<i64: 8>, scalar_prefetch = 0 : i64, scratch_operands = 0 : i64, tpu.core_type = #tpu.core_type<tc>, window_params = [{transform_indices = @transform_0, window_bounds = array<i64: 8, 32, 2048>}, {pipeline_mode = #tpu.pipeline_mode<synchronous>, transform_indices = @transform_1, window_bounds = array<i64: 8, 128>}, {transform_indices = @transform_2, window_bounds = array<i64: 1, 1, 2048>}, {transform_indices = @transform_3, window_bounds = array<i64: 1, 1, 2048>}]} {
    %get3A = arith.constant 0 : index
    %get3A_0 = arith.constant 0 : index
    %get3A_1 = arith.constant 0 : index
    %get3A_2 = vector.load %arg1[%get3A, %get3A_0, %get3A_1] : memref<8x32x2048xf32, #tpu.memory_space<vmem>>, vector<8x32x2048xf32>
    %max3A = arith.constant 0.000000e+00 : f32
    %max3A_3 = vector.broadcast %max3A : f32 to vector<8x32x2048xf32>
    %max3A_4 = arith.maximumf %get3A_2, %max3A_3 : vector<8x32x2048xf32>
    %abs3A = math.absf %get3A_2 : vector<8x32x2048xf32>
    %neg3A = arith.constant 0.000000e+00 : f32
    %neg3A_5 = vector.broadcast %neg3A : f32 to vector<8x32x2048xf32>
    %neg3A_6 = arith.subf %neg3A_5, %abs3A : vector<8x32x2048xf32>
    %exp3A = math.exp %neg3A_6 : vector<8x32x2048xf32>
    %log1p3A = math.log1p %exp3A : vector<8x32x2048xf32>
    %add3A = arith.addf %max3A_4, %log1p3A : vector<8x32x2048xf32>
    %add3A_7 = arith.constant 1.17549435E-38 : f32
    %add3A_8 = vector.broadcast %add3A_7 : f32 to vector<8x32x2048xf32>
    %add3A_9 = arith.addf %add3A, %add3A_8 : vector<8x32x2048xf32>
    %log3A = math.log %add3A_9 : vector<8x32x2048xf32>
    %slice3A = vector.extract_strided_slice %log3A {offsets = [0, 0, 0], sizes = [8, 16, 2048], strides = [1, 1, 1]} : vector<8x32x2048xf32> to vector<8x16x2048xf32>
    %reduce_sum3A = arith.constant dense<0.000000e+00> : vector<8x2048xf32>
    %reduce_sum3A_10 = vector.multi_reduction <add>, %slice3A, %reduce_sum3A [1] : vector<8x16x2048xf32> to vector<8x2048xf32>
    %get3A_11 = arith.constant 0 : index
    %get3A_12 = arith.constant 0 : index
    %get3A_13 = vector.load %arg2[%get3A_11, %get3A_12] : memref<8x128xf32, #tpu.memory_space<vmem>>, vector<8x128xf32>
    %slice3A_14 = vector.extract_strided_slice %get3A_13 {offsets = [0, 0], sizes = [8, 1], strides = [1, 1]} : vector<8x128xf32> to vector<8x1xf32>
    %add3A_15 = vector.broadcast %slice3A_14 : vector<8x1xf32> to vector<8x2048xf32>
    %add3A_16 = arith.addf %reduce_sum3A_10, %add3A_15 : vector<8x2048xf32>
    %slice3A_17 = vector.extract_strided_slice %log3A {offsets = [0, 16, 0], sizes = [8, 16, 2048], strides = [1, 1, 1]} : vector<8x32x2048xf32> to vector<8x16x2048xf32>
    %reduce_sum3A_18 = arith.constant dense<0.000000e+00> : vector<8x2048xf32>
    %reduce_sum3A_19 = vector.multi_reduction <add>, %slice3A_17, %reduce_sum3A_18 [1] : vector<8x16x2048xf32> to vector<8x2048xf32>
    %get3A_20 = arith.constant 0 : index
    %get3A_21 = arith.constant 0 : index
    %get3A_22 = vector.load %arg2[%get3A_20, %get3A_21] : memref<8x128xf32, #tpu.memory_space<vmem>>, vector<8x128xf32>
    %slice3A_23 = vector.extract_strided_slice %get3A_22 {offsets = [0, 0], sizes = [8, 1], strides = [1, 1]} : vector<8x128xf32> to vector<8x1xf32>
    %add3A_24 = vector.broadcast %slice3A_23 : vector<8x1xf32> to vector<8x2048xf32>
    %add3A_25 = arith.addf %reduce_sum3A_19, %add3A_24 : vector<8x2048xf32>
    %reduce_max3A = arith.constant dense<0xFF800000> : vector<2048xf32>
    %reduce_max3A_26 = vector.multi_reduction <maximumf>, %add3A_16, %reduce_max3A [0] : vector<8x2048xf32> to vector<2048xf32>
    %broadcast_in_dim3A = vector.shape_cast %reduce_max3A_26 : vector<2048xf32> to vector<1x2048xf32>
    %reduce_max3A_27 = arith.constant dense<0xFF800000> : vector<2048xf32>
    %reduce_max3A_28 = vector.multi_reduction <maximumf>, %add3A_25, %reduce_max3A_27 [0] : vector<8x2048xf32> to vector<2048xf32>
    %broadcast_in_dim3A_29 = vector.shape_cast %reduce_max3A_28 : vector<2048xf32> to vector<1x2048xf32>
    %sub3A = vector.broadcast %broadcast_in_dim3A : vector<1x2048xf32> to vector<8x2048xf32>
    %sub3A_30 = arith.subf %add3A_16, %sub3A : vector<8x2048xf32>
    %exp3A_31 = math.exp %sub3A_30 : vector<8x2048xf32>
    %reduce_sum3A_32 = arith.constant dense<0.000000e+00> : vector<2048xf32>
    %reduce_sum3A_33 = vector.multi_reduction <add>, %exp3A_31, %reduce_sum3A_32 [0] : vector<8x2048xf32> to vector<2048xf32>
    %log3A_34 = math.log %reduce_sum3A_33 : vector<2048xf32>
    %squeeze3A = vector.shape_cast %broadcast_in_dim3A : vector<1x2048xf32> to vector<2048xf32>
    %add3A_35 = arith.addf %log3A_34, %squeeze3A : vector<2048xf32>
    %sub3A_36 = vector.broadcast %broadcast_in_dim3A_29 : vector<1x2048xf32> to vector<8x2048xf32>
    %sub3A_37 = arith.subf %add3A_25, %sub3A_36 : vector<8x2048xf32>
    %exp3A_38 = math.exp %sub3A_37 : vector<8x2048xf32>
    %reduce_sum3A_39 = arith.constant dense<0.000000e+00> : vector<2048xf32>
    %reduce_sum3A_40 = vector.multi_reduction <add>, %exp3A_38, %reduce_sum3A_39 [0] : vector<8x2048xf32> to vector<2048xf32>
    %log3A_41 = math.log %reduce_sum3A_40 : vector<2048xf32>
    %squeeze3A_42 = vector.shape_cast %broadcast_in_dim3A_29 : vector<1x2048xf32> to vector<2048xf32>
    %add3A_43 = arith.addf %log3A_41, %squeeze3A_42 : vector<2048xf32>
    %sub3A_44 = arith.subf %add3A_35, %add3A_43 : vector<2048xf32>
    %broadcast_in_dim3A_45 = vector.shape_cast %sub3A_44 : vector<2048xf32> to vector<1x1x2048xf32>
    %swap3A = arith.constant 0 : index
    %swap3A_46 = arith.constant 0 : index
    %swap3A_47 = arith.constant 0 : index
    %swap3A_48 = vector.load %arg3[%swap3A, %swap3A_46, %swap3A_47] : memref<1x1x2048xf32, #tpu.memory_space<vmem>>, vector<1x1x2048xf32>
    tpu.vector_store %arg3[%swap3A, %swap3A_46, %swap3A_47], %broadcast_in_dim3A_45 {strides = array<i32>} : memref<1x1x2048xf32, #tpu.memory_space<vmem>>, vector<1x1x2048xf32>,
    %exp3A_49 = math.exp %sub3A_44 : vector<2048xf32>
    %broadcast_in_dim3A_50 = vector.shape_cast %exp3A_49 : vector<2048xf32> to vector<1x1x2048xf32>
    %swap3A_51 = arith.constant 0 : index
    %swap3A_52 = arith.constant 0 : index
    %swap3A_53 = arith.constant 0 : index
    %swap3A_54 = vector.load %arg4[%swap3A_51, %swap3A_52, %swap3A_53] : memref<1x1x2048xf32, #tpu.memory_space<vmem>>, vector<1x1x2048xf32>
    tpu.vector_store %arg4[%swap3A_51, %swap3A_52, %swap3A_53], %broadcast_in_dim3A_50 {strides = array<i32>} : memref<1x1x2048xf32, #tpu.memory_space<vmem>>, vector<1x1x2048xf32>,
    return
  }
  func.func @transform_0(%arg0: i32) -> (i32, i32, i32) {
    %c0_i32 = arith.constant 0 : i32
    %c0_i32_0 = arith.constant 0 : i32
    %c0_i32_1 = arith.constant 0 : i32
    return %c0_i32, %c0_i32_0, %arg0 : i32, i32, i32
  }
  func.func @transform_1(%arg0: i32) -> (i32, i32) {
    %c0_i32 = arith.constant 0 : i32
    %c0_i32_0 = arith.constant 0 : i32
    %c0_i32_1 = arith.constant 0 : i32
    return %c0_i32, %c0_i32_0 : i32, i32
  }
  func.func @transform_2(%arg0: i32) -> (i32, i32, i32) {
    %c0_i32 = arith.constant 0 : i32
    %c0_i32_0 = arith.constant 0 : i32
    %c0_i32_1 = arith.constant 0 : i32
    return %arg0, %c0_i32, %c0_i32_0 : i32, i32, i32
  }
  func.func @transform_3(%arg0: i32) -> (i32, i32, i32) {
    %c0_i32 = arith.constant 0 : i32
    %c0_i32_0 = arith.constant 0 : i32
    %c0_i32_1 = arith.constant 0 : i32
    return %arg0, %c0_i32, %c0_i32_0 : i32, i32, i32
  }
}

</mosaic_0001>

<sc_bundles>
// kernel: kernel.6.cloned.1.call-start
scs
__scs_entry_jumppad:
0x0: {  	(pc) =	sbr.rel $0x88, $3  }
0x1: {  	(tag) =	ssettag $0x0;
	lr =	simm.s32 $0x1  }
0x2: {  	[smem:$0x3F9E] =	sst lr;
	_ =	strace $0xD0000000  }
0x3: {  	_ = 	snop  }
0x4: {  	_ = 	snop  }
0x5: {  	_ = 	snop  }
0x6: {  	_ = 	snop  }
0x7: {  	_ = 	snop  }
__scs_overlays_trampoline_lowered:
0x8: {  	[smem:$0x3FAD] =	sst s0  }
0x9: {  	[smem:$0x3FAE] =	sst s1  }
0xa: {  	[smem:$0x3FAF] =	sst s2  }
0xb: {  	[smem:$0x3FB0] =	sst s3  }
0xc: {  	[smem:$0x3FB1] =	sst s4  }
0xd: {  	[smem:$0x3FB2] =	sst s5  }
0xe: {  	[smem:$0x3FB3] =	sst s6  }
0xf: {  	[smem:$0x3FB4] =	sst s7  }
0x10: {  	[smem:$0x3FB5] =	sst s8  }
0x11: {  	[smem:$0x3FB6] =	sst s9;
	s0 =	simm.s32 @!p0 $0x0  }
0x12: {  	s1 =	sld [smem:$0x3F9C];
	s0 =	simm.s32 @p0 $0x1  }
0x13: {  	[smem:$0x3FB7] =	sst s0;
	s0 =	simm.s32 @!p1 $0x0  }
0x14: {  	s2 =	sld [smem:$0x3F9B];
	s0 =	simm.s32 @p1 $0x1  }
0x15: {  	[smem:$0x3FB8] =	sst s0;
	s0 =	simm.s32 @!p2 $0x0  }
0x16: {  	s3 =	sld [smem:$0x3FDB];
	s0 =	simm.s32 @p2 $0x1  }
0x17: {  	s4 =	simm.s32 $0x1BF5;
	[smem:$0x3FBA] =	sst s0  }
0x18: {  	s0 =	sld [smem:$0x3F9D];
	_ =	swait.ge [sflag:s4], $0x0  }
0x19: {  	s7 =	sld [smem:$0x3F9E]  }
0x1a: {  	s8 =	sadd.s32 $0xFFFFE003, lr  }
0x1b: {  	s9 =	sadd.s32 $0xFFFFFEF7, lr;
	s5 =	simm.s32 $0xFFFFFFFF;
	p2 =	slt.u32 s8, $0xFFFFF086  }
0x1c: {  	p1 =	slt.u32 s9, $0xF7A;
	s5 =	simm.s32 @!p2 $0x0  }
0x1d: {  	s5 =	simm.s32 @p1 $0x1;
	p0 =	seq.s32 s7, s2  }
0x1e: {  	s7 =	smul.u32 @!p0 $0xF7A, s2;
	p2 =	seq.s32 @!p0 s5, $0x0  }
0x1f: {  	s9 =	smul.u32 $0xF7A, s1;
	s8 =	simm.s32 @!p0 $0x1BF5;
	p2 =	por !p2, p0  }
0x20: {  	[sflag:s8] =	ssyncset.s32 @!p0 $0xFFFFF086;
	s6 =	sadd.s32 @!p0 s3, s7;
	s7 =	simm.s32 @!p0 $0x108  }
0x21: {  	s3 =	sadd.s32 s3, s9;
	s6 =	sadd.s32 @!p0 $0x88, s6;
	s7 =	simm.s32 @p2 $0x1082  }
0x22: {  	[simem:s7], [sflag:s8] =	dma.local @!p0 [hbm:s6], $0xF7A  }
0x23: {  	s9 =	sor.u32 $0xD0000000, s2;
	s6 =	simm.s32 $0x108;
	_ =	swait.ge @!p0 [sflag:s8], $0x0  }
0x24: {  	s3 =	sadd.s32 $0x88, s3;
	s6 =	simm.s32 @!p1 $0x1082;
	[sflag:s4] =	ssyncset.s32 $0xFFFFF086  }
0x25: {  	[simem:s6], [sflag:s4] =	dma.local [hbm:s3], $0xF7A  }
0x26: {  	[smem:$0x3F9E] =	sst s1;
	(tag) =	ssettag s2;
	_ =	strace s9  }
0x27: {  	s1 =	sld [smem:$0x3FAE]  }
0x28: {  	s2 =	sld [smem:$0x3FAF]  }
0x29: {  	s4 =	sld [smem:$0x3FB1]  }
0x2a: {  	p0 =	seq.s32 s5, $0x0;
	s5 =	sld [smem:$0x3FB2]  }
0x2b: {  	s6 =	sld [smem:$0x3FB3]  }
0x2c: {  	s7 =	sld [smem:$0x3FB4]  }
0x2d: {  	s3 =	simm.s32 $0x108;
	s8 =	sld [smem:$0x3FB5]  }
0x2e: {  	s3 =	simm.s32 @!p0 $0x1082;
	s9 =	sld [smem:$0x3FB6]  }
0x2f: {  	lr =	sadd.s32 s0, s3;
	s0 =	sld [smem:$0x3FAD]  }
0x30: {  	s3 =	sld [smem:$0x3FB0]  }
0x31: {  	[smem:$0x3FB9] =	sst s10  }
0x32: {  	s10 =	sld [smem:$0x3FB7];
	_ =	sdelay $0x3  }
0x33: {  	p0 =	seq.s32 s10, $0x1;
	s10 =	sld [smem:$0x3FB9];
	_ =	sdelay $0x3  }
0x34: {  	[smem:$0x3FB9] =	sst s10  }
0x35: {  	s10 =	sld [smem:$0x3FB8];
	_ =	sdelay $0x3  }
0x36: {  	p1 =	seq.s32 s10, $0x1;
	s10 =	sld [smem:$0x3FB9];
	_ =	sdelay $0x3  }
0x37: {  	[smem:$0x3FB9] =	sst s10  }
0x38: {  	s10 =	sld [smem:$0x3FBA]  }
0x39: {  	_ = 	snop;
	(pc) =	sbr.ind lr, $3  }
0x3a: {  	_ = 	snop  }
0x3b: {  	_ = 	snop  }
0x3c: {  	p2 =	seq.s32 s10, $0x1;
	s10 =	sld [smem:$0x3FB9]  }
0x3d: {  	_ =	shalt  }
0x3e: {  	_ =	shalt  }
0x3f: {  	_ =	shalt  }
0x40: {  	_ =	shalt  }
0x41: {  	_ =	shalt  }
0x42: {  	_ =	shalt  }
0x43: {  	_ =	shalt  }
0x44: {  	_ =	shalt  }
0x45: {  	_ =	shalt  }
0x46: {  	_ =	shalt  }
0x47: {  	_ =	shalt  }
0x48: {  	_ =	shalt  }
0x49: {  	_ =	shalt  }
0x4a: {  	_ =	shalt  }
0x4b: {  	_ =	shalt  }
0x4c: {  	_ =	shalt  }
0x4d: {  	_ =	shalt  }
0x4e: {  	_ =	shalt  }
0x4f: {  	_ =	shalt  }
0x50: {  	_ =	shalt  }
0x51: {  	_ =	shalt  }
0x52: {  	_ =	shalt  }
0x53: {  	_ =	shalt  }
0x54: {  	_ =	shalt  }
0x55: {  	_ =	shalt  }
0x56: {  	_ =	shalt  }
0x57: {  	_ =	shalt  }
0x58: {  	_ =	shalt  }
0x59: {  	_ =	shalt  }
0x5a: {  	_ =	shalt  }
0x5b: {  	_ =	shalt  }
0x5c: {  	_ =	shalt  }
0x5d: {  	_ =	shalt  }
0x5e: {  	_ =	shalt  }
0x5f: {  	_ =	shalt  }
0x60: {  	_ =	shalt  }
0x61: {  	_ =	shalt  }
0x62: {  	_ =	shalt  }
0x63: {  	_ =	shalt  }
0x64: {  	_ =	shalt  }
0x65: {  	_ =	shalt  }
0x66: {  	_ =	shalt  }
0x67: {  	_ =	shalt  }
0x68: {  	_ =	shalt  }
0x69: {  	_ =	shalt  }
0x6a: {  	_ =	shalt  }
0x6b: {  	_ =	shalt  }
0x6c: {  	_ =	shalt  }
0x6d: {  	_ =	shalt  }
0x6e: {  	_ =	shalt  }
0x6f: {  	_ =	shalt  }
0x70: {  	_ =	shalt  }
0x71: {  	_ =	shalt  }
0x72: {  	_ =	shalt  }
0x73: {  	_ =	shalt  }
0x74: {  	_ =	shalt  }
0x75: {  	_ =	shalt  }
0x76: {  	_ =	shalt  }
0x77: {  	_ =	shalt  }
0x78: {  	_ =	shalt  }
0x79: {  	_ =	shalt  }
0x7a: {  	_ =	shalt  }
0x7b: {  	_ =	shalt  }
0x7c: {  	_ =	shalt  }
0x7d: {  	_ =	shalt  }
0x7e: {  	_ =	shalt  }
0x7f: {  	_ =	shalt  }
0x80: {  	_ =	shalt  }
0x81: {  	_ =	shalt  }
0x82: {  	_ =	shalt  }
0x83: {  	_ =	shalt  }
0x84: {  	_ =	shalt  }
0x85: {  	_ =	shalt  }
0x86: {  	_ =	shalt  }
0x87: {  	_ =	shalt  }
.Lfunc_end0:
.L_simem_size_0:
called_computation_lowered:
.L_overlay_start_0:
0x88: {  	s2 =	sld [smem:$0x3FD9]  }
0x89: {  	s3 =	sld [smem:$0x3FFE];
	_ =	sdelay $0x1  }
0x8a: {  	s1 =	srdreg.scid  }
0x8b: {  	s0 =	sand.u32 $0x1, s1  }
0x8c: {  	s14 =	sshll.u32 s0, $0xA;
	s2 =	sadd.s32 s3, s2  }
0x8d: {  	s2 =	sadd.s32 s2, s14  }
0x8e: {  	[smem:$0x3FC5] =	sst s2  }
0x8f: {  	_ = 	snop  }
0x90: {  	s2 =	sld [smem:$0x3FD0];
	_ =	sdelay $0x2  }
0x91: {  	s15 =	simm.s32 $0xA;
	s4 =	simm.s32 $0x10  }
0x92: {  	[smem:s4], [sflag:s15] =	dma.local [hbm:s2], $0x1  }
0x93: {  	_ =	swait.eq [sflag:s15], $0x1  }
0x94: {  	s16 =	sld [smem:$0x12]  }
0x95: {  	s17 =	sld [smem:$0x13];
	[sflag:s15] =	ssyncset.done $0x0  }
0x96: {  	s5 =	sld [smem:$0x14];
	[sflag:s15] =	ssyncadd.s32 $0xFFFFFFFF  }
0x97: {  	s18 =	sld [smem:$0x15];
	(tm) =	ssettm $0x1  }
0x98: {  	s6 =	sld [smem:$0x3FFB];
	_ =	sdelay $0x3  }
0x99: {  	_ =	strace s6  }
0x9a: {  	s6 =	sld [smem:$0x3FFC];
	_ =	sdelay $0x3  }
0x9b: {  	_ =	strace s6  }
0x9c: {  	s6 =	sld [smem:$0x3FFD];
	_ =	sdelay $0x3  }
0x9d: {  	_ =	strace s6  }
0x9e: {  	_ =	strace $0x8FFFFFFF  }
0x9f: {  	s19 =	sld [smem:$0x3FDB];
	_ =	sdelay $0x1  }
0xa0: {  	s7 =	simm.s32 $_scs_section_size  }
0xa1: {  	s8 =	simm.s32 $_size__tile_overlayer_lowered;
	s9 =	simm.s32 $_tile_overlayer_lowered  }
0xa2: {  	s22 =	simm.s32 $0x1BFF;
	s21 =	sshll.u32 s9, $0x1;
	s6 =	sadd.s32 s7, s19  }
0xa3: {  	s10 =	simm.s32 $0x0;
	s20 =	sshll.u32 s8, $0x1;
	s8 =	sadd.s32 s21, s6  }
0xa4: {  	[timem:s10], [sflag:s22] =	dma.local [hbm:s8], s20  }
0xa5: {  	_ =	swait.ge [sflag:s22], s20  }
0xa6: {  	s7 =	ssub.s32 $0x0, s20;
	[sflag:s22] =	ssyncset.done $0x0  }
0xa7: {  	[sflag:s22] =	ssyncadd.s32 s7;
	_ =	sdelay $0x1  }
0xa8: {  	s23 =	simm.s32 $0x1B8B  }
0xa9: {  	_ =	swait.ge [sflag:s23], $0x1  }
0xaa: {  	[sflag:s23] =	ssyncset.done $0x0  }
0xab: {  	s25 =	simm.s32 $0x1B8E;
	s24 =	sld [smem:$0x3FFE];
	[sflag:s23] =	ssyncadd.s32 $0xFFFFFFFF  }
0xac: {  	s26 =	simm.s32 $execute0_lowered;
	[smem:$0x3FD2] =	sst s25  }
0xad: {  	s8 =	sshll.u32 s26, $0x1;
	_ =	strace $0x80000046;
	[dreg:$0x1] =	wrdreg $0xFFFFFFFF  }
0xae: {  	s28 =	simm.s32 $_size_execute0_lowered;
	s6 =	sadd.s32 s6, s8;
	[dreg:$0x0] =	wrdreg $0x0  }
0xaf: {  	s8 =	sshll.u32 s28, $0x1;
	[dreg:$0x2] =	wrdreg s6  }
0xb0: {  	[dreg:$0x3] =	wrdreg s8  }
0xb1: {  	[dreg:$0x4] =	wrdreg $0xC0  }
0xb2: {  	_ =	task [dreg:s10], $0x5FFFF  }
0xb3: {  	[dreg:$0x1] =	wrdreg $0xFFFFFFFF  }
0xb4: {  	[dreg:$0x0] =	wrdreg $0x60  }
0xb5: {  	[dreg:$0x2] =	wrdreg s5  }
0xb6: {  	[dreg:$0x3] =	wrdreg s18  }
0xb7: {  	[dreg:$0x4] =	wrdreg s24  }
0xb8: {  	[dreg:$0x5] =	wrdreg s17  }
0xb9: {  	[dreg:$0x6] =	wrdreg s16  }
0xba: {  	[dreg:$0x7] =	wrdreg $0x9  }
0xbb: {  	_ =	task.clear_ibuf [dreg:s10], $0x8FFFF;
	_ =	strace $0x90000046  }
0xbc: {  	s29 =	simm.s32 $0x9;
	_ =	strace $0x80000048  }
0xbd: {  	_ =	swait.ge [sflag:s29], $0x1  }
0xbe: {  	[sflag:s29] =	ssyncadd.s32 $0xFFFFFFFF  }
0xbf: {  	_ =	strace $0x90000048  }
0xc0: {  	_ =	sfence  }
0xc1: {  	s30 =	sld [smem:$0x0];
	_ =	sdelay $0x2  }
0xc2: {  	s31 =	sshll.u32 s1, $0xD;
	s1 =	sshrl.u32 s1, $0x2  }
0xc3: {  	s3 =	sand.u32 $0x4000, s31;
	s1 =	sadd.s32 s1, s30  }
0xc4: {  	s0 =	sor.u32 s3, s0;
	s1 =	sshll.u32 s1, $0x11  }
0xc5: {  	s0 =	sor.u32 s1, s0  }
0xc6: {  	s0 =	sadd.s32 $0x8F2B, s0  }
0xc7: {  	[sflag:s0] =	ssyncadd.remote.s32 $0x1  }
0xc8: {  	_ =	sfence.sel $0xFFFF  }
0xc9: {  	[dreg:$0x0] =	wrdreg $0xFFFFFFFF;
	(pc) =	sbr.abs _section_cstart, $3  }
0xca: {  	[dreg:$0x1] =	wrdreg $0xFFFFFFFF  }
0xcb: {  	_ =	task.clear_ibuf [dreg:s10], $0x2FFFF;
	_ =	strace $0x9FFFFFFF  }
0xcc: {  	(tm) =	ssettm $0x7FFFFFFF  }
0xcd: {  	_ =	shalt  }
tec
execute0_lowered:
.L_overlay_start_1:
0x0: {  	(tag) =	ssettag $0x1  }
0x1: {  	s7 =	rddreg [dreg:$0x0]  }
0x2: {  	s8 =	rddreg [dreg:$0x1]  }
0x3: {  	s6 =	rddreg [dreg:$0x2]  }
0x4: {  	s1 =	rddreg [dreg:$0x3]  }
0x5: {  	s2 =	rddreg [dreg:$0x4];
	s4 =	simm.s32 $0x0;
	s9 =	srdreg.scid  }
0x6: {  	s0 =	stileid.u32;
	s14 =	simm.s32 $0x4000;
	s15 =	simm.s32 $0xC000  }
0x7: {  	s16 =	simm.s32 $0x8000;
	s17 =	simm.s32 $0x10000;
	s18 =	simm.s32 $0x1  }
0x8: {  	s19 =	simm.s32 $0x100;
	s20 =	simm.s32 $0x14000;
	s22 =	simm.s32 $0x18000  }
0x9: {  	s23 =	simm.s32 $0x0;
	[smem:$0x7FF] =	sst s4;
	s5 =	sadd.s32 $0x800, s6  }
0xa: {  	s9 =	sand.u32 $0x1, s9;
	s10 =	sshll.u32 s0, $0x1;
	s6 =	sadd.s32 $0x30DC00, s6  }
0xb: {  	s13 =	sshrl.u32 s0, $0x1;
	_ =	strace $0x80000047;
	s11 =	ssub.s32 $0x2, s9  }
0xc: {  	s10 =	sand.u32 $0x2, s10;
	s21 =	smul.u32 $0x61A8, s13;
	s31 =	sshll.u32 s13, $0x10  }
0xd: {  	s13 =	simm.s32 $0x80;
	s12 =	sshrl.u32 s11, $0x1;
	s9 =	sor.u32 s9, s10  }
0xe: {  	s30 =	ssub.s32 s11, s12;
	s9 =	sshll.u32 s9, $0x9;
	s11 =	simm.s32 $0x2  }
0xf: {  	v1 =	vlaneseq.u32;
	s12 =	simm.s32 $0x2000;
	v0 =	vmov s21;
	s21 =	simm.s32 $0x16000;
	s7 =	sadd.s32 s7, s9  }
0x10: {  	v1 =	vmul.u32 $0x80, v1;
	s8 =	sadd.s32 s8, s9;
	s9 =	sor.u32 s9, s31;
	s10 =	smax.u32 s30, $0x1  }
.LBB2_1:
0x11: {  	[tilespmem:s4], [sflag:$0x2] =	stream.linear.gather [hbm4b:s7+s4], $0x1000, $0x38;
	[tilespmem:$0x1A000] =	vst v63  }
0x12: {  	_ =	swait.ge [sflag:s11], $0x1000  }
0x13: {  	[sflag:s11] =	ssyncset.done $0x0  }
0x14: {  	[sflag:s11] =	ssyncadd.s32 $0xFFFFF000  }
0x15: {  	[tilespmem:s12], [sflag:$0x2] =	stream.linear.gather [hbm4b:s8+s4], $0x1000, $0x38;
	[tilespmem:$0x1A000] =	vst v63  }
0x16: {  	_ =	swait.ge [sflag:s11], $0x1000  }
0x17: {  	[sflag:s11] =	ssyncset.done $0x0  }
0x18: {  	s24 =	simm.s32 $0x0;
	[sflag:s11] =	ssyncadd.s32 $0xFFFFF000  }
0x19: {  	v2 =	vld [tilespmem:s24+$0x0]  }
0x1a: {  	v3 =	vld [tilespmem:s24+$0x2000];
	_ =	sdelay $0x3  }
0x1b: {  	v4 =	vshll.u32 v2, $0x5  }
0x1c: {  	v5 =	vshll.u32 v3, $0x5;
	v4 =	vand.u32 $0x60, v4  }
0x1d: {  	s25 =	simm.s32 $0x10;
	v3 =	vshra.s32 v3, $0x2;
	v5 =	vand.u32 $0x60, v5;
	[tilespmem:s24+$0x0] =	vst v4;
	v4 =	vshra.s32 v2, $0x2  }
0x1e: {  	s26 =	simm.s32 $0x80;
	v3 =	vadd.s32 v0, v3;
	v2 =	vld [tilespmem:s25+$0x0];
	v4 =	vadd.s32 v0, v4;
	[tilespmem:s24+$0x2000] =	vst v5  }
.LBB2_2:
0x1f: {  	p0 =	sne.s32 s26, $0x3FC0;
	v5 =	vld [tilespmem:s25+$0x2000];
	[tilespmem:s24+$0x1000] =	vst v4  }
0x20: {  	[tilespmem:s24+$0x3000] =	vst v3;
	s24 =	smov.u32 s25;
	_ =	sdelay $0x1  }
.Ltmp0:
0x21: {  	(pc) =	sbr.rel @p0 .LBB2_2-.Ltmp0, $4  }
0x22: {  	v3 =	vshra.s32 v2, $0x2;
	v2 =	vshll.u32 v2, $0x5  }
0x23: {  	v6 =	vshra.s32 v5, $0x2;
	v2 =	vand.u32 $0x60, v2;
	v5 =	vshll.u32 v5, $0x5  }
0x24: {  	s25 =	sshra.s32 s26, $0x2;
	v4 =	vadd.s32 v0, v3;
	v3 =	vadd.s32 v0, v6;
	[tilespmem:s24+$0x0] =	vst v2;
	v5 =	vand.u32 $0x60, v5  }
0x25: {  	s26 =	sadd.s32 $0x40, s26;
	v2 =	vld [tilespmem:s25+$0x0];
	[tilespmem:s24+$0x2000] =	vst v5  }
0x26: {  	_ = 	snop  }
0x27: {  	v5 =	vld [tilespmem:s25+$0x2000];
	_ =	sdelay $0x2  }
0x28: {  	[tilespmem:s24+$0x1000] =	vst v4;
	v61 =	vshll.u32 v2, $0x5  }
0x29: {  	[tilespmem:s24+$0x3000] =	vst v3;
	v2 =	vshra.s32 v2, $0x2;
	v3 =	vand.u32 $0x60, v61  }
0x2a: {  	v62 =	vshll.u32 v5, $0x5;
	v2 =	vadd.s32 v0, v2;
	[tilespmem:s25+$0x0] =	vst v3  }
0x2b: {  	v63 =	vshra.s32 v5, $0x2;
	v3 =	vand.u32 $0x60, v62;
	[tilespmem:s25+$0x1000] =	vst v2  }
0x2c: {  	[tilespmem:s25+$0x2000] =	vst v3;
	v3 =	vadd.s32 v0, v63  }
0x2d: {  	s24 =	simm.s32 $0x0;
	[tilespmem:s25+$0x3000] =	vst v3;
	s25 =	simm.s32 $0x0  }
.LBB2_4:
0x2e: {  	s26 =	sshll.u32 s25, $0x8  }
0x2f: {  	s28 =	sadd.s32 $0x1000, s26  }
0x30: {  	[tilespmem:s14], [sflag:$0x1] =	stream.indirect.gather [hbm4b:s5+s13], $0x80, s28, s13, $0xb8;
	[tilespmem:$0x1A000] =	vst v63  }
0x31: {  	s28 =	sadd.s32 $0x3000, s26  }
0x32: {  	[tilespmem:s15], [sflag:$0x1] =	stream.indirect.gather [hbm4b:s5+s13], $0x80, s28, s13, $0xb8;
	[tilespmem:$0x1A000] =	vst v63  }
0x33: {  	s28 =	sadd.s32 $0x1080, s26  }
0x34: {  	[tilespmem:s16], [sflag:$0x1] =	stream.indirect.gather [hbm4b:s5+s13], $0x80, s28, s13, $0xb8;
	[tilespmem:$0x1A000] =	vst v63  }
0x35: {  	s28 =	sadd.s32 $0x3080, s26  }
0x36: {  	[tilespmem:s17], [sflag:$0x1] =	stream.indirect.gather [hbm4b:s5+s13], $0x80, s28, s13, $0xb8;
	[tilespmem:$0x1A000] =	vst v63  }
0x37: {  	_ =	swait.ge [sflag:s18], $0x4000  }
0x38: {  	[sflag:s18] =	ssyncset.done $0x0  }
0x39: {  	[sflag:s18] =	ssyncadd.s32 $0xFFFFC000  }
0x3a: {  	_ =	swait.ge [sflag:s18], $0x4000  }
0x3b: {  	[sflag:s18] =	ssyncset.done $0x0  }
0x3c: {  	[sflag:s18] =	ssyncadd.s32 $0xFFFFC000  }
0x3d: {  	_ =	swait.ge [sflag:s18], $0x4000  }
0x3e: {  	[sflag:s18] =	ssyncset.done $0x0  }
0x3f: {  	[sflag:s18] =	ssyncadd.s32 $0xFFFFC000  }
0x40: {  	s29 =	simm.s32 $0x17000;
	_ =	swait.ge [sflag:s18], $0x4000  }
0x41: {  	s30 =	simm.s32 $0x15000;
	s31 =	simm.s32 $0x0;
	[sflag:s18] =	ssyncset.done $0x0  }
0x42: {  	s26 =	sand.u32 $0xC00, s26;
	s28 =	simm.s32 $0x19000;
	[sflag:s18] =	ssyncadd.s32 $0xFFFFC000  }
.LBB2_5:
0x43: {  	s0 =	sand.u32 $0x70, s31;
	s3 =	sadd.s32 s31, s24  }
0x44: {  	s3 =	sand.u32 $0x380, s3;
	s0 =	sor.u32 s26, s0  }
0x45: {  	s0 =	sor.u32 s3, s0  }
0x46: {  	v4 =	vld [tilespmem:s0+$0x0];
	_ =	sdelay $0x1  }
0x47: {  	v3 =	vld [tilespmem:s0+$0x2000]  }
0x48: {  	v2 =	vmov s31  }
0x49: {  	v2 =	vshll.u32 v2, $0x7  }
0x4a: {  	v2 =	vor.u32 v1, v2;
	v5 =	vand.u32 $0xFFFFFFF8, v4  }
0x4b: {  	v6 =	vand.u32 $0x7, v4;
	v5 =	vadd.s32 v2, v5  }
0x4c: {  	v24 =	vand.u32 $0xFFFFFFF8, v3;
	v5 =	vor.u32 v6, v5  }
0x4d: {  	v8 =	vand.u32 $0x7, v3;
	v6 =	vadd.s32 v2, v24;
	v7 =	vadd.s32 $0x10, v5  }
0x4e: {  	v6 =	vor.u32 v8, v6  }
0x4f: {  	v8 =	vadd.s32 $0x10, v6;
	_ =	sdelay $0x1  }
0x50: {  	v9 =	vld.idx.msk [tilespmem:v5+s14+$0x0], $0xffff  }
0x51: {  	v7 =	vld.idx.msk [tilespmem:v7+s14+$0x0], $0xffff  }
0x52: {  	v13 =	vadd.s32 $0x1, v4;
	v10 =	vld.idx.msk [tilespmem:v6+s15+$0x0], $0xffff  }
0x53: {  	v14 =	vadd.s32 $0x11, v4;
	v28 =	vadd.s32 $0x1, v3;
	v31 =	vadd.s32 $0x11, v3;
	v8 =	vld.idx.msk [tilespmem:v8+s15+$0x0], $0xffff  }
0x54: {  	v25 =	vand.u32 $0xFFFFFFF8, v13;
	v13 =	vand.u32 $0x7, v13;
	v26 =	vand.u32 $0xFFFFFFF8, v14  }
0x55: {  	v30 =	vand.u32 $0xFFFFFFF8, v28;
	v32 =	vand.u32 $0x7, v28;
	v33 =	vand.u32 $0xFFFFFFF8, v31  }
0x56: {  	v35 =	vand.u32 $0x7, v31;
	v36 =	vadd.s32 v2, v33;
	v9 =	vmax.f32 v9, $0.0e+00  }
0x57: {  	v9 =	vmin.f32 v9, $1.000000000e+00;
	v7 =	vmax.f32 v7, $0.0e+00;
	v10 =	vmax.f32 v10, $0.0e+00  }
0x58: {  	v8 =	vmax.f32 v8, $0.0e+00;
	v7 =	vmin.f32 v7, $1.000000000e+00;
	v10 =	vmin.f32 v10, $1.000000000e+00  }
0x59: {  	[tilespmem:s30+$0xFFFFF000] =	vst v9;
	v8 =	vmin.f32 v8, $1.000000000e+00;
	v12 =	vmax.f32 v9, v10;
	v9 =	vadd.s32 v2, v30  }
0x5a: {  	[tilespmem:s30+$0x0] =	vst v7;
	v11 =	vmin.f32 v7, v8;
	v15 =	vsub.f32 v8, v10;
	v34 =	vor.u32 v32, v9  }
0x5b: {  	[tilespmem:s29+$0xFFFFF000] =	vst v10;
	v9 =	vor.u32 v35, v36;
	v11 =	vsub.f32 v11, v12;
	v12 =	vadd.s32 v2, v25  }
0x5c: {  	v27 =	vand.u32 $0x7, v14;
	[tilespmem:s29+$0x0] =	vst v8;
	v12 =	vor.u32 v13, v12;
	v13 =	vadd.s32 v2, v26  }
0x5d: {  	[tilespmem:s28+$0x0] =	vst v15;
	v29 =	vor.u32 v27, v13  }
0x5e: {  	[tilespmem:s28+$0xFFFFF000] =	vst v11  }
0x5f: {  	v8 =	vld.idx.msk [tilespmem:v34+s15+$0x0], $0xffff  }
0x60: {  	v9 =	vld.idx.msk [tilespmem:v9+s15+$0x0], $0xffff  }
0x61: {  	v40 =	vadd.s32 $0x2, v4;
	v37 =	vld.idx.msk [tilespmem:v12+s14+$0x0], $0xffff  }
0x62: {  	v42 =	vadd.s32 $0x12, v4;
	v46 =	vadd.s32 $0x2, v3;
	v49 =	vadd.s32 $0x12, v3;
	v7 =	vld.idx.msk [tilespmem:v29+s14+$0x0], $0xffff  }
0x63: {  	v41 =	vand.u32 $0xFFFFFFF8, v40;
	v44 =	vand.u32 $0xFFFFFFF8, v42;
	v45 =	vand.u32 $0x7, v42  }
0x64: {  	v48 =	vand.u32 $0xFFFFFFF8, v46;
	v13 =	vand.u32 $0x7, v40;
	v12 =	vadd.s32 v2, v41  }
0x65: {  	v50 =	vand.u32 $0x7, v46;
	v51 =	vand.u32 $0xFFFFFFF8, v49;
	v12 =	vor.u32 v13, v12  }
0x66: {  	v13 =	vadd.s32 v2, v44;
	v8 =	vmax.f32 v8, $0.0e+00;
	v10 =	vmax.f32 v37, $0.0e+00  }
0x67: {  	v9 =	vmax.f32 v9, $0.0e+00;
	v10 =	vmin.f32 v10, $1.000000000e+00;
	v7 =	vmax.f32 v7, $0.0e+00  }
0x68: {  	v8 =	vmin.f32 v8, $1.000000000e+00;
	v9 =	vmin.f32 v9, $1.000000000e+00;
	v7 =	vmin.f32 v7, $1.000000000e+00;
	[tilespmem:s30+$0xFFFFF100] =	vst v10  }
0x69: {  	v52 =	vand.u32 $0x7, v49;
	v47 =	vor.u32 v45, v13;
	v43 =	vsub.f32 v9, v8;
	[tilespmem:s30+$0x100] =	vst v7  }
0x6a: {  	v39 =	vmax.f32 v10, v8;
	v10 =	vadd.s32 v2, v48;
	v38 =	vmin.f32 v7, v9;
	[tilespmem:s29+$0xFFFFF100] =	vst v8  }
0x6b: {  	v53 =	vadd.s32 v2, v51;
	v11 =	vsub.f32 v38, v39;
	[tilespmem:s29+$0x100] =	vst v9;
	v8 =	vor.u32 v50, v10  }
0x6c: {  	v9 =	vor.u32 v52, v53;
	[tilespmem:s28+$0x100] =	vst v43  }
0x6d: {  	[tilespmem:s28+$0xFFFFF100] =	vst v11  }
0x6e: {  	v54 =	vld.idx.msk [tilespmem:v12+s14+$0x0], $0xffff  }
0x6f: {  	v57 =	vadd.s32 $0x3, v4;
	v7 =	vld.idx.msk [tilespmem:v47+s14+$0x0], $0xffff  }
0x70: {  	v59 =	vadd.s32 $0x13, v4;
	v63 =	vadd.s32 $0x3, v3;
	v18 =	vadd.s32 $0x13, v3;
	v8 =	vld.idx.msk [tilespmem:v8+s15+$0x0], $0xffff  }
0x71: {  	v58 =	vand.u32 $0xFFFFFFF8, v57;
	v61 =	vand.u32 $0xFFFFFFF8, v59;
	v62 =	vand.u32 $0x7, v59;
	v9 =	vld.idx.msk [tilespmem:v9+s15+$0x0], $0xffff  }
0x72: {  	v17 =	vand.u32 $0xFFFFFFF8, v63;
	v19 =	vand.u32 $0x7, v63;
	v20 =	vand.u32 $0xFFFFFFF8, v18  }
0x73: {  	v21 =	vand.u32 $0x7, v18;
	v13 =	vand.u32 $0x7, v57;
	v12 =	vadd.s32 v2, v58  }
0x74: {  	v22 =	vadd.s32 v2, v20;
	v12 =	vor.u32 v13, v12;
	v10 =	vmax.f32 v54, $0.0e+00  }
0x75: {  	v13 =	vadd.s32 v2, v61;
	v7 =	vmax.f32 v7, $0.0e+00;
	v10 =	vmin.f32 v10, $1.000000000e+00  }
0x76: {  	v7 =	vmin.f32 v7, $1.000000000e+00;
	v8 =	vmax.f32 v8, $0.0e+00;
	v9 =	vmax.f32 v9, $0.0e+00;
	[tilespmem:s30+$0xFFFFF200] =	vst v10  }
0x77: {  	v16 =	vor.u32 v62, v13;
	[tilespmem:s30+$0x200] =	vst v7;
	v8 =	vmin.f32 v8, $1.000000000e+00;
	v9 =	vmin.f32 v9, $1.000000000e+00  }
0x78: {  	v55 =	vmin.f32 v7, v9;
	v56 =	vmax.f32 v10, v8;
	v60 =	vsub.f32 v9, v8;
	[tilespmem:s29+$0xFFFFF200] =	vst v8  }
0x79: {  	v10 =	vadd.s32 v2, v17;
	[tilespmem:s29+$0x200] =	vst v9;
	v9 =	vor.u32 v21, v22;
	v11 =	vsub.f32 v55, v56  }
0x7a: {  	v8 =	vor.u32 v19, v10;
	[tilespmem:s28+$0x200] =	vst v60  }
0x7b: {  	[tilespmem:s28+$0xFFFFF200] =	vst v11  }
0x7c: {  	v23 =	vld.idx.msk [tilespmem:v12+s14+$0x0], $0xffff  }
0x7d: {  	v28 =	vadd.s32 $0x14, v4;
	v7 =	vld.idx.msk [tilespmem:v16+s14+$0x0], $0xffff  }
0x7e: {  	v31 =	vand.u32 $0x7, v28;
	v30 =	vand.u32 $0xFFFFFFF8, v28;
	v32 =	vadd.s32 $0x4, v3;
	v9 =	vld.idx.msk [tilespmem:v9+s15+$0x0], $0xffff  }
0x7f: {  	v35 =	vadd.s32 $0x14, v3;
	v36 =	vand.u32 $0x7, v32;
	v26 =	vadd.s32 $0x4, v4;
	v8 =	vld.idx.msk [tilespmem:v8+s15+$0x0], $0xffff  }
0x80: {  	v27 =	vand.u32 $0xFFFFFFF8, v26;
	v34 =	vand.u32 $0xFFFFFFF8, v32;
	v37 =	vand.u32 $0xFFFFFFF8, v35  }
0x81: {  	v38 =	vand.u32 $0x7, v35;
	v13 =	vand.u32 $0x7, v26;
	v12 =	vadd.s32 v2, v27  }
0x82: {  	v39 =	vadd.s32 v2, v37;
	v12 =	vor.u32 v13, v12;
	v10 =	vmax.f32 v23, $0.0e+00  }
0x83: {  	v13 =	vadd.s32 v2, v30;
	v7 =	vmax.f32 v7, $0.0e+00;
	v10 =	vmin.f32 v10, $1.000000000e+00  }
0x84: {  	v9 =	vmax.f32 v9, $0.0e+00;
	v7 =	vmin.f32 v7, $1.000000000e+00;
	v8 =	vmax.f32 v8, $0.0e+00;
	[tilespmem:s30+$0xFFFFF300] =	vst v10  }
0x85: {  	v33 =	vor.u32 v31, v13;
	v9 =	vmin.f32 v9, $1.000000000e+00;
	[tilespmem:s30+$0x300] =	vst v7;
	v8 =	vmin.f32 v8, $1.000000000e+00  }
0x86: {  	v24 =	vmin.f32 v7, v9;
	[tilespmem:s29+$0x300] =	vst v9;
	v25 =	vmax.f32 v10, v8;
	v29 =	vsub.f32 v9, v8  }
0x87: {  	[tilespmem:s29+$0xFFFFF300] =	vst v8;
	v10 =	vadd.s32 v2, v34;
	v9 =	vor.u32 v38, v39;
	v11 =	vsub.f32 v24, v25  }
0x88: {  	v8 =	vor.u32 v36, v10;
	[tilespmem:s28+$0x300] =	vst v29  }
0x89: {  	[tilespmem:s28+$0xFFFFF300] =	vst v11  }
0x8a: {  	v40 =	vld.idx.msk [tilespmem:v12+s14+$0x0], $0xffff  }
0x8b: {  	v49 =	vadd.s32 $0x5, v3;
	v45 =	vadd.s32 $0x15, v4;
	v7 =	vld.idx.msk [tilespmem:v33+s14+$0x0], $0xffff  }
0x8c: {  	v51 =	vand.u32 $0xFFFFFFF8, v49;
	v48 =	vand.u32 $0x7, v45;
	v9 =	vld.idx.msk [tilespmem:v9+s15+$0x0], $0xffff  }
0x8d: {  	v52 =	vadd.s32 $0x15, v3;
	v53 =	vand.u32 $0x7, v49;
	v43 =	vadd.s32 $0x5, v4;
	v8 =	vld.idx.msk [tilespmem:v8+s15+$0x0], $0xffff  }
0x8e: {  	v44 =	vand.u32 $0xFFFFFFF8, v43;
	v47 =	vand.u32 $0xFFFFFFF8, v45;
	v54 =	vand.u32 $0xFFFFFFF8, v52  }
0x8f: {  	v55 =	vand.u32 $0x7, v52;
	v13 =	vand.u32 $0x7, v43;
	v12 =	vadd.s32 v2, v44  }
0x90: {  	v56 =	vadd.s32 v2, v54;
	v12 =	vor.u32 v13, v12;
	v10 =	vmax.f32 v40, $0.0e+00  }
0x91: {  	v13 =	vadd.s32 v2, v47;
	v7 =	vmax.f32 v7, $0.0e+00;
	v10 =	vmin.f32 v10, $1.000000000e+00  }
0x92: {  	v9 =	vmax.f32 v9, $0.0e+00;
	v7 =	vmin.f32 v7, $1.000000000e+00;
	v8 =	vmax.f32 v8, $0.0e+00;
	[tilespmem:s30+$0xFFFFF400] =	vst v10  }
0x93: {  	v50 =	vor.u32 v48, v13;
	v9 =	vmin.f32 v9, $1.000000000e+00;
	[tilespmem:s30+$0x400] =	vst v7;
	v8 =	vmin.f32 v8, $1.000000000e+00  }
0x94: {  	v41 =	vmin.f32 v7, v9;
	[tilespmem:s29+$0x400] =	vst v9;
	v42 =	vmax.f32 v10, v8;
	v46 =	vsub.f32 v9, v8  }
0x95: {  	[tilespmem:s29+$0xFFFFF400] =	vst v8;
	v10 =	vadd.s32 v2, v51;
	v9 =	vor.u32 v55, v56;
	v11 =	vsub.f32 v41, v42  }
0x96: {  	v8 =	vor.u32 v53, v10;
	[tilespmem:s28+$0x400] =	vst v46  }
0x97: {  	[tilespmem:s28+$0xFFFFF400] =	vst v11  }
0x98: {  	v57 =	vld.idx.msk [tilespmem:v12+s14+$0x0], $0xffff  }
0x99: {  	v20 =	vadd.s32 $0x6, v3;
	v62 =	vadd.s32 $0x16, v4;
	v7 =	vld.idx.msk [tilespmem:v50+s14+$0x0], $0xffff  }
0x9a: {  	v18 =	vand.u32 $0xFFFFFFF8, v62;
	v22 =	vand.u32 $0xFFFFFFF8, v20;
	v9 =	vld.idx.msk [tilespmem:v9+s15+$0x0], $0xffff  }
0x9b: {  	v19 =	vand.u32 $0x7, v62;
	v60 =	vadd.s32 $0x6, v4;
	v23 =	vadd.s32 $0x16, v3;
	v8 =	vld.idx.msk [tilespmem:v8+s15+$0x0], $0xffff  }
0x9c: {  	v61 =	vand.u32 $0xFFFFFFF8, v60;
	v26 =	vand.u32 $0x7, v23;
	v24 =	vand.u32 $0x7, v20  }
0x9d: {  	v25 =	vand.u32 $0xFFFFFFF8, v23;
	v13 =	vand.u32 $0x7, v60;
	v12 =	vadd.s32 v2, v61  }
0x9e: {  	v27 =	vadd.s32 v2, v25;
	v12 =	vor.u32 v13, v12;
	v10 =	vmax.f32 v57, $0.0e+00  }
0x9f: {  	v13 =	vadd.s32 v2, v18;
	v7 =	vmax.f32 v7, $0.0e+00;
	v10 =	vmin.f32 v10, $1.000000000e+00  }
0xa0: {  	v9 =	vmax.f32 v9, $0.0e+00;
	v7 =	vmin.f32 v7, $1.000000000e+00;
	v8 =	vmax.f32 v8, $0.0e+00;
	[tilespmem:s30+$0xFFFFF500] =	vst v10  }
0xa1: {  	v21 =	vor.u32 v19, v13;
	v9 =	vmin.f32 v9, $1.000000000e+00;
	[tilespmem:s30+$0x500] =	vst v7;
	v8 =	vmin.f32 v8, $1.000000000e+00  }
0xa2: {  	v58 =	vmin.f32 v7, v9;
	[tilespmem:s29+$0x500] =	vst v9;
	v59 =	vmax.f32 v10, v8;
	v63 =	vsub.f32 v9, v8  }
0xa3: {  	[tilespmem:s29+$0xFFFFF500] =	vst v8;
	v10 =	vadd.s32 v2, v22;
	v9 =	vor.u32 v26, v27;
	v11 =	vsub.f32 v58, v59  }
0xa4: {  	v8 =	vor.u32 v24, v10;
	[tilespmem:s28+$0x500] =	vst v63  }
0xa5: {  	[tilespmem:s28+$0xFFFFF500] =	vst v11  }
0xa6: {  	v28 =	vld.idx.msk [tilespmem:v12+s14+$0x0], $0xffff  }
0xa7: {  	v31 =	vadd.s32 $0x7, v4;
	v7 =	vld.idx.msk [tilespmem:v21+s14+$0x0], $0xffff  }
0xa8: {  	v37 =	vadd.s32 $0x7, v3;
	v32 =	vand.u32 $0xFFFFFFF8, v31;
	v33 =	vadd.s32 $0x17, v4;
	v9 =	vld.idx.msk [tilespmem:v9+s15+$0x0], $0xffff  }
0xa9: {  	v39 =	vand.u32 $0xFFFFFFF8, v37;
	v35 =	vand.u32 $0xFFFFFFF8, v33;
	v40 =	vadd.s32 $0x17, v3;
	v8 =	vld.idx.msk [tilespmem:v8+s15+$0x0], $0xffff  }
0xaa: {  	v36 =	vand.u32 $0x7, v33;
	v43 =	vand.u32 $0x7, v40;
	v41 =	vand.u32 $0x7, v37  }
0xab: {  	v42 =	vand.u32 $0xFFFFFFF8, v40;
	v13 =	vand.u32 $0x7, v31;
	v12 =	vadd.s32 v2, v32  }
0xac: {  	v44 =	vadd.s32 v2, v42;
	v12 =	vor.u32 v13, v12;
	v10 =	vmax.f32 v28, $0.0e+00  }
0xad: {  	v13 =	vadd.s32 v2, v35;
	v7 =	vmax.f32 v7, $0.0e+00;
	v10 =	vmin.f32 v10, $1.000000000e+00  }
0xae: {  	v9 =	vmax.f32 v9, $0.0e+00;
	v7 =	vmin.f32 v7, $1.000000000e+00;
	v8 =	vmax.f32 v8, $0.0e+00;
	[tilespmem:s30+$0xFFFFF600] =	vst v10  }
0xaf: {  	v38 =	vor.u32 v36, v13;
	v9 =	vmin.f32 v9, $1.000000000e+00;
	[tilespmem:s30+$0x600] =	vst v7;
	v8 =	vmin.f32 v8, $1.000000000e+00  }
0xb0: {  	v29 =	vmin.f32 v7, v9;
	[tilespmem:s29+$0x600] =	vst v9;
	v30 =	vmax.f32 v10, v8;
	v34 =	vsub.f32 v9, v8  }
0xb1: {  	[tilespmem:s29+$0xFFFFF600] =	vst v8;
	v10 =	vadd.s32 v2, v39;
	v9 =	vor.u32 v43, v44;
	v11 =	vsub.f32 v29, v30  }
0xb2: {  	v8 =	vor.u32 v41, v10;
	[tilespmem:s28+$0x600] =	vst v34  }
0xb3: {  	[tilespmem:s28+$0xFFFFF600] =	vst v11  }
0xb4: {  	v45 =	vld.idx.msk [tilespmem:v12+s14+$0x0], $0xffff  }
0xb5: {  	v7 =	vld.idx.msk [tilespmem:v38+s14+$0x0], $0xffff  }
0xb6: {  	v9 =	vld.idx.msk [tilespmem:v9+s15+$0x0], $0xffff  }
0xb7: {  	v8 =	vld.idx.msk [tilespmem:v8+s15+$0x0], $0xffff;
	_ =	sdelay $0x2  }
0xb8: {  	v10 =	vmax.f32 v45, $0.0e+00  }
0xb9: {  	v46 =	vadd.s32 $0x8, v5;
	v7 =	vmax.f32 v7, $0.0e+00;
	v10 =	vmin.f32 v10, $1.000000000e+00  }
0xba: {  	v9 =	vmax.f32 v9, $0.0e+00;
	v7 =	vmin.f32 v7, $1.000000000e+00;
	v8 =	vmax.f32 v8, $0.0e+00;
	[tilespmem:s30+$0xFFFFF700] =	vst v10  }
0xbb: {  	v5 =	vadd.s32 $0x18, v5;
	v9 =	vmin.f32 v9, $1.000000000e+00;
	[tilespmem:s30+$0x700] =	vst v7;
	v8 =	vmin.f32 v8, $1.000000000e+00  }
0xbc: {  	v7 =	vmin.f32 v7, v9;
	v10 =	vmax.f32 v10, v8;
	[tilespmem:s29+$0xFFFFF700] =	vst v8;
	v8 =	vsub.f32 v9, v8  }
0xbd: {  	v47 =	vadd.s32 $0x8, v6;
	v6 =	vadd.s32 $0x18, v6;
	[tilespmem:s29+$0x700] =	vst v9;
	v7 =	vsub.f32 v7, v10  }
0xbe: {  	[tilespmem:s28+$0x700] =	vst v8  }
0xbf: {  	[tilespmem:s28+$0xFFFFF700] =	vst v7  }
0xc0: {  	v7 =	vld.idx.msk [tilespmem:v46+s14+$0x0], $0xffff  }
0xc1: {  	v52 =	vadd.s32 $0x19, v4;
	v5 =	vld.idx.msk [tilespmem:v5+s14+$0x0], $0xffff  }
0xc2: {  	v54 =	vand.u32 $0xFFFFFFF8, v52;
	v55 =	vand.u32 $0x7, v52;
	v56 =	vadd.s32 $0x9, v3;
	v6 =	vld.idx.msk [tilespmem:v6+s15+$0x0], $0xffff  }
0xc3: {  	v60 =	vand.u32 $0x7, v56;
	v50 =	vadd.s32 $0x9, v4;
	v59 =	vadd.s32 $0x19, v3;
	v8 =	vld.idx.msk [tilespmem:v47+s15+$0x0], $0xffff  }
0xc4: {  	v51 =	vand.u32 $0xFFFFFFF8, v50;
	v58 =	vand.u32 $0xFFFFFFF8, v56;
	v61 =	vand.u32 $0xFFFFFFF8, v59  }
0xc5: {  	v63 =	vand.u32 $0x7, v59;
	v11 =	vand.u32 $0x7, v50;
	v10 =	vadd.s32 v2, v51  }
0xc6: {  	v10 =	vor.u32 v11, v10;
	v11 =	vadd.s32 v2, v54;
	v7 =	vmax.f32 v7, $0.0e+00  }
0xc7: {  	v5 =	vmax.f32 v5, $0.0e+00;
	v6 =	vmax.f32 v6, $0.0e+00;
	v7 =	vmin.f32 v7, $1.000000000e+00  }
0xc8: {  	v8 =	vmax.f32 v8, $0.0e+00;
	v5 =	vmin.f32 v5, $1.000000000e+00;
	v6 =	vmin.f32 v6, $1.000000000e+00;
	[tilespmem:s30+$0xFFFFF800] =	vst v7  }
0xc9: {  	v57 =	vor.u32 v55, v11;
	v8 =	vmin.f32 v8, $1.000000000e+00;
	v48 =	vmin.f32 v5, v6;
	[tilespmem:s30+$0x800] =	vst v5  }
0xca: {  	v49 =	vmax.f32 v7, v8;
	v53 =	vsub.f32 v6, v8;
	v7 =	vadd.s32 v2, v58;
	[tilespmem:s29+$0xFFFFF800] =	vst v8  }
0xcb: {  	v14 =	vadd.s32 v2, v61;
	v9 =	vsub.f32 v48, v49;
	[tilespmem:s29+$0x800] =	vst v6;
	v62 =	vor.u32 v60, v7  }
0xcc: {  	v7 =	vor.u32 v63, v14;
	[tilespmem:s28+$0x800] =	vst v53  }
0xcd: {  	[tilespmem:s28+$0xFFFFF800] =	vst v9  }
0xce: {  	v15 =	vld.idx.msk [tilespmem:v10+s14+$0x0], $0xffff  }
0xcf: {  	v20 =	vadd.s32 $0x1A, v4;
	v18 =	vadd.s32 $0xA, v4;
	v5 =	vld.idx.msk [tilespmem:v57+s14+$0x0], $0xffff  }
0xd0: {  	v23 =	vand.u32 $0x7, v20;
	v19 =	vand.u32 $0xFFFFFFF8, v18;
	v6 =	vld.idx.msk [tilespmem:v62+s15+$0x0], $0xffff  }
0xd1: {  	v22 =	vand.u32 $0xFFFFFFF8, v20;
	v27 =	vadd.s32 $0x1A, v3;
	v24 =	vadd.s32 $0xA, v3;
	v7 =	vld.idx.msk [tilespmem:v7+s15+$0x0], $0xffff  }
0xd2: {  	v26 =	vand.u32 $0xFFFFFFF8, v24;
	v28 =	vand.u32 $0x7, v24;
	v29 =	vand.u32 $0xFFFFFFF8, v27  }
0xd3: {  	v30 =	vand.u32 $0x7, v27;
	v11 =	vand.u32 $0x7, v18;
	v10 =	vadd.s32 v2, v19  }
0xd4: {  	v31 =	vadd.s32 v2, v29;
	v10 =	vor.u32 v11, v10;
	v8 =	vmax.f32 v15, $0.0e+00  }
0xd5: {  	v11 =	vadd.s32 v2, v22;
	v5 =	vmax.f32 v5, $0.0e+00;
	v8 =	vmin.f32 v8, $1.000000000e+00  }
0xd6: {  	v5 =	vmin.f32 v5, $1.000000000e+00;
	v6 =	vmax.f32 v6, $0.0e+00;
	v7 =	vmax.f32 v7, $0.0e+00;
	[tilespmem:s30+$0xFFFFF900] =	vst v8  }
0xd7: {  	v25 =	vor.u32 v23, v11;
	[tilespmem:s30+$0x900] =	vst v5;
	v6 =	vmin.f32 v6, $1.000000000e+00;
	v7 =	vmin.f32 v7, $1.000000000e+00  }
0xd8: {  	v16 =	vmin.f32 v5, v7;
	v17 =	vmax.f32 v8, v6;
	v21 =	vsub.f32 v7, v6;
	[tilespmem:s29+$0xFFFFF900] =	vst v6  }
0xd9: {  	v8 =	vadd.s32 v2, v26;
	[tilespmem:s29+$0x900] =	vst v7;
	v7 =	vor.u32 v30, v31;
	v9 =	vsub.f32 v16, v17  }
0xda: {  	v6 =	vor.u32 v28, v8;
	[tilespmem:s28+$0x900] =	vst v21  }
0xdb: {  	[tilespmem:s28+$0xFFFFF900] =	vst v9  }
0xdc: {  	v32 =	vld.idx.msk [tilespmem:v10+s14+$0x0], $0xffff  }
0xdd: {  	v37 =	vadd.s32 $0x1B, v4;
	v35 =	vadd.s32 $0xB, v4;
	v5 =	vld.idx.msk [tilespmem:v25+s14+$0x0], $0xffff  }
0xde: {  	v40 =	vand.u32 $0x7, v37;
	v36 =	vand.u32 $0xFFFFFFF8, v35;
	v7 =	vld.idx.msk [tilespmem:v7+s15+$0x0], $0xffff  }
0xdf: {  	v39 =	vand.u32 $0xFFFFFFF8, v37;
	v44 =	vadd.s32 $0x1B, v3;
	v41 =	vadd.s32 $0xB, v3;
	v6 =	vld.idx.msk [tilespmem:v6+s15+$0x0], $0xffff  }
0xe0: {  	v43 =	vand.u32 $0xFFFFFFF8, v41;
	v45 =	vand.u32 $0x7, v41;
	v46 =	vand.u32 $0xFFFFFFF8, v44  }
0xe1: {  	v47 =	vand.u32 $0x7, v44;
	v11 =	vand.u32 $0x7, v35;
	v10 =	vadd.s32 v2, v36  }
0xe2: {  	v48 =	vadd.s32 v2, v46;
	v10 =	vor.u32 v11, v10;
	v8 =	vmax.f32 v32, $0.0e+00  }
0xe3: {  	v11 =	vadd.s32 v2, v39;
	v5 =	vmax.f32 v5, $0.0e+00;
	v8 =	vmin.f32 v8, $1.000000000e+00  }
0xe4: {  	v7 =	vmax.f32 v7, $0.0e+00;
	v5 =	vmin.f32 v5, $1.000000000e+00;
	v6 =	vmax.f32 v6, $0.0e+00;
	[tilespmem:s30+$0xFFFFFA00] =	vst v8  }
0xe5: {  	v42 =	vor.u32 v40, v11;
	v7 =	vmin.f32 v7, $1.000000000e+00;
	[tilespmem:s30+$0xA00] =	vst v5;
	v6 =	vmin.f32 v6, $1.000000000e+00  }
0xe6: {  	v33 =	vmin.f32 v5, v7;
	[tilespmem:s29+$0xA00] =	vst v7;
	v34 =	vmax.f32 v8, v6;
	v38 =	vsub.f32 v7, v6  }
0xe7: {  	[tilespmem:s29+$0xFFFFFA00] =	vst v6;
	v8 =	vadd.s32 v2, v43;
	v7 =	vor.u32 v47, v48;
	v9 =	vsub.f32 v33, v34  }
0xe8: {  	v6 =	vor.u32 v45, v8;
	[tilespmem:s28+$0xA00] =	vst v38  }
0xe9: {  	[tilespmem:s28+$0xFFFFFA00] =	vst v9  }
0xea: {  	v49 =	vld.idx.msk [tilespmem:v10+s14+$0x0], $0xffff  }
0xeb: {  	v52 =	vadd.s32 $0xC, v4;
	v5 =	vld.idx.msk [tilespmem:v42+s14+$0x0], $0xffff  }
0xec: {  	v61 =	vadd.s32 $0x1C, v3;
	v54 =	vadd.s32 $0x1C, v4;
	v58 =	vadd.s32 $0xC, v3;
	v7 =	vld.idx.msk [tilespmem:v7+s15+$0x0], $0xffff  }
0xed: {  	v56 =	vand.u32 $0xFFFFFFF8, v54;
	v60 =	vand.u32 $0xFFFFFFF8, v58;
	v63 =	vand.u32 $0xFFFFFFF8, v61;
	v6 =	vld.idx.msk [tilespmem:v6+s15+$0x0], $0xffff  }
0xee: {  	v53 =	vand.u32 $0xFFFFFFF8, v52;
	v57 =	vand.u32 $0x7, v54;
	v62 =	vand.u32 $0x7, v58  }
0xef: {  	v16 =	vand.u32 $0x7, v61;
	v11 =	vand.u32 $0x7, v52;
	v10 =	vadd.s32 v2, v53  }
0xf0: {  	v17 =	vadd.s32 v2, v63;
	v10 =	vor.u32 v11, v10;
	v8 =	vmax.f32 v49, $0.0e+00  }
0xf1: {  	v11 =	vadd.s32 v2, v56;
	v5 =	vmax.f32 v5, $0.0e+00;
	v8 =	vmin.f32 v8, $1.000000000e+00  }
0xf2: {  	v7 =	vmax.f32 v7, $0.0e+00;
	v5 =	vmin.f32 v5, $1.000000000e+00;
	v6 =	vmax.f32 v6, $0.0e+00;
	[tilespmem:s30+$0xFFFFFB00] =	vst v8  }
0xf3: {  	v59 =	vor.u32 v57, v11;
	v7 =	vmin.f32 v7, $1.000000000e+00;
	[tilespmem:s30+$0xB00] =	vst v5;
	v6 =	vmin.f32 v6, $1.000000000e+00  }
0xf4: {  	v50 =	vmin.f32 v5, v7;
	[tilespmem:s29+$0xB00] =	vst v7;
	v51 =	vmax.f32 v8, v6;
	v55 =	vsub.f32 v7, v6  }
0xf5: {  	[tilespmem:s29+$0xFFFFFB00] =	vst v6;
	v8 =	vadd.s32 v2, v60;
	v7 =	vor.u32 v16, v17;
	v9 =	vsub.f32 v50, v51  }
0xf6: {  	v6 =	vor.u32 v62, v8;
	[tilespmem:s28+$0xB00] =	vst v55  }
0xf7: {  	[tilespmem:s28+$0xFFFFFB00] =	vst v9  }
0xf8: {  	v18 =	vld.idx.msk [tilespmem:v10+s14+$0x0], $0xffff  }
0xf9: {  	v27 =	vadd.s32 $0xD, v3;
	v23 =	vadd.s32 $0x1D, v4;
	v5 =	vld.idx.msk [tilespmem:v59+s14+$0x0], $0xffff  }
0xfa: {  	v29 =	vand.u32 $0xFFFFFFF8, v27;
	v26 =	vand.u32 $0x7, v23;
	v7 =	vld.idx.msk [tilespmem:v7+s15+$0x0], $0xffff  }
0xfb: {  	v30 =	vadd.s32 $0x1D, v3;
	v31 =	vand.u32 $0x7, v27;
	v21 =	vadd.s32 $0xD, v4;
	v6 =	vld.idx.msk [tilespmem:v6+s15+$0x0], $0xffff  }
0xfc: {  	v22 =	vand.u32 $0xFFFFFFF8, v21;
	v25 =	vand.u32 $0xFFFFFFF8, v23;
	v32 =	vand.u32 $0xFFFFFFF8, v30  }
0xfd: {  	v33 =	vand.u32 $0x7, v30;
	v11 =	vand.u32 $0x7, v21;
	v10 =	vadd.s32 v2, v22  }
0xfe: {  	v34 =	vadd.s32 v2, v32;
	v10 =	vor.u32 v11, v10;
	v8 =	vmax.f32 v18, $0.0e+00  }
0xff: {  	v11 =	vadd.s32 v2, v25;
	v5 =	vmax.f32 v5, $0.0e+00;
	v8 =	vmin.f32 v8, $1.000000000e+00  }
0x100: {  	v7 =	vmax.f32 v7, $0.0e+00;
	v5 =	vmin.f32 v5, $1.000000000e+00;
	v6 =	vmax.f32 v6, $0.0e+00;
	[tilespmem:s30+$0xFFFFFC00] =	vst v8  }
0x101: {  	v28 =	vor.u32 v26, v11;
	v7 =	vmin.f32 v7, $1.000000000e+00;
	[tilespmem:s30+$0xC00] =	vst v5;
	v6 =	vmin.f32 v6, $1.000000000e+00  }
0x102: {  	v19 =	vmin.f32 v5, v7;
	[tilespmem:s29+$0xC00] =	vst v7;
	v20 =	vmax.f32 v8, v6;
	v24 =	vsub.f32 v7, v6  }
0x103: {  	[tilespmem:s29+$0xFFFFFC00] =	vst v6;
	v8 =	vadd.s32 v2, v29;
	v7 =	vor.u32 v33, v34;
	v9 =	vsub.f32 v19, v20  }
0x104: {  	v6 =	vor.u32 v31, v8;
	[tilespmem:s28+$0xC00] =	vst v24  }
0x105: {  	[tilespmem:s28+$0xFFFFFC00] =	vst v9  }
0x106: {  	v35 =	vld.idx.msk [tilespmem:v10+s14+$0x0], $0xffff  }
0x107: {  	v44 =	vadd.s32 $0xE, v3;
	v40 =	vadd.s32 $0x1E, v4;
	v5 =	vld.idx.msk [tilespmem:v28+s14+$0x0], $0xffff  }
0x108: {  	v46 =	vand.u32 $0xFFFFFFF8, v44;
	v43 =	vand.u32 $0x7, v40;
	v7 =	vld.idx.msk [tilespmem:v7+s15+$0x0], $0xffff  }
0x109: {  	v47 =	vadd.s32 $0x1E, v3;
	v48 =	vand.u32 $0x7, v44;
	v38 =	vadd.s32 $0xE, v4;
	v6 =	vld.idx.msk [tilespmem:v6+s15+$0x0], $0xffff  }
0x10a: {  	v39 =	vand.u32 $0xFFFFFFF8, v38;
	v42 =	vand.u32 $0xFFFFFFF8, v40;
	v49 =	vand.u32 $0xFFFFFFF8, v47  }
0x10b: {  	v50 =	vand.u32 $0x7, v47;
	v11 =	vand.u32 $0x7, v38;
	v10 =	vadd.s32 v2, v39  }
0x10c: {  	v51 =	vadd.s32 v2, v49;
	v10 =	vor.u32 v11, v10;
	v8 =	vmax.f32 v35, $0.0e+00  }
0x10d: {  	v11 =	vadd.s32 v2, v42;
	v5 =	vmax.f32 v5, $0.0e+00;
	v8 =	vmin.f32 v8, $1.000000000e+00  }
0x10e: {  	v7 =	vmax.f32 v7, $0.0e+00;
	v5 =	vmin.f32 v5, $1.000000000e+00;
	v6 =	vmax.f32 v6, $0.0e+00;
	[tilespmem:s30+$0xFFFFFD00] =	vst v8  }
0x10f: {  	v45 =	vor.u32 v43, v11;
	v7 =	vmin.f32 v7, $1.000000000e+00;
	[tilespmem:s30+$0xD00] =	vst v5;
	v6 =	vmin.f32 v6, $1.000000000e+00  }
0x110: {  	v36 =	vmin.f32 v5, v7;
	[tilespmem:s29+$0xD00] =	vst v7;
	v37 =	vmax.f32 v8, v6;
	v41 =	vsub.f32 v7, v6  }
0x111: {  	[tilespmem:s29+$0xFFFFFD00] =	vst v6;
	v8 =	vadd.s32 v2, v46;
	v7 =	vor.u32 v50, v51;
	v9 =	vsub.f32 v36, v37  }
0x112: {  	v6 =	vor.u32 v48, v8;
	[tilespmem:s28+$0xD00] =	vst v41  }
0x113: {  	[tilespmem:s28+$0xFFFFFD00] =	vst v9  }
0x114: {  	v52 =	vld.idx.msk [tilespmem:v10+s14+$0x0], $0xffff  }
0x115: {  	v60 =	vadd.s32 $0xF, v3;
	v5 =	vld.idx.msk [tilespmem:v45+s14+$0x0], $0xffff  }
0x116: {  	v3 =	vadd.s32 $0x1F, v3;
	v55 =	vadd.s32 $0xF, v4;
	v4 =	vadd.s32 $0x1F, v4;
	v7 =	vld.idx.msk [tilespmem:v7+s15+$0x0], $0xffff  }
0x117: {  	v61 =	vand.u32 $0xFFFFFFF8, v60;
	v62 =	vand.u32 $0x7, v60;
	v58 =	vand.u32 $0xFFFFFFF8, v4;
	v6 =	vld.idx.msk [tilespmem:v6+s15+$0x0], $0xffff  }
0x118: {  	v63 =	vand.u32 $0xFFFFFFF8, v3;
	v4 =	vand.u32 $0x7, v4;
	v59 =	vadd.s32 v2, v58  }
0x119: {  	v3 =	vand.u32 $0x7, v3;
	v56 =	vand.u32 $0xFFFFFFF8, v55;
	v4 =	vor.u32 v4, v59  }
0x11a: {  	v11 =	vand.u32 $0x7, v55;
	v10 =	vadd.s32 v2, v56;
	v8 =	vmax.f32 v52, $0.0e+00  }
0x11b: {  	v5 =	vmax.f32 v5, $0.0e+00;
	v8 =	vmin.f32 v8, $1.000000000e+00;
	v7 =	vmax.f32 v7, $0.0e+00  }
0x11c: {  	v5 =	vmin.f32 v5, $1.000000000e+00;
	v6 =	vmax.f32 v6, $0.0e+00;
	v7 =	vmin.f32 v7, $1.000000000e+00;
	[tilespmem:s30+$0xFFFFFE00] =	vst v8  }
0x11d: {  	v10 =	vor.u32 v11, v10;
	[tilespmem:s30+$0xE00] =	vst v5;
	v6 =	vmin.f32 v6, $1.000000000e+00;
	v53 =	vmin.f32 v5, v7  }
0x11e: {  	v5 =	vadd.s32 v2, v61;
	[tilespmem:s29+$0xE00] =	vst v7;
	v54 =	vmax.f32 v8, v6;
	v57 =	vsub.f32 v7, v6  }
0x11f: {  	v2 =	vadd.s32 v2, v63;
	[tilespmem:s29+$0xFFFFFE00] =	vst v6;
	v5 =	vor.u32 v62, v5;
	v9 =	vsub.f32 v53, v54  }
0x120: {  	v2 =	vor.u32 v3, v2;
	[tilespmem:s28+$0xE00] =	vst v57  }
0x121: {  	[tilespmem:s28+$0xFFFFFE00] =	vst v9  }
0x122: {  	v3 =	vld.idx.msk [tilespmem:v10+s14+$0x0], $0xffff  }
0x123: {  	v4 =	vld.idx.msk [tilespmem:v4+s14+$0x0], $0xffff  }
0x124: {  	v5 =	vld.idx.msk [tilespmem:v5+s15+$0x0], $0xffff  }
0x125: {  	v2 =	vld.idx.msk [tilespmem:v2+s15+$0x0], $0xffff;
	_ =	sdelay $0x2  }
0x126: {  	v3 =	vmax.f32 v3, $0.0e+00  }
0x127: {  	v4 =	vmax.f32 v4, $0.0e+00;
	v3 =	vmin.f32 v3, $1.000000000e+00  }
0x128: {  	p0 =	sne.s32 s31, $0xF0;
	v5 =	vmax.f32 v5, $0.0e+00;
	v2 =	vmax.f32 v2, $0.0e+00;
	v4 =	vmin.f32 v4, $1.000000000e+00;
	[tilespmem:s30+$0xFFFFFF00] =	vst v3  }
.Ltmp1:
0x129: {  	v5 =	vmin.f32 v5, $1.000000000e+00;
	v2 =	vmin.f32 v2, $1.000000000e+00;
	[tilespmem:s30+$0xF00] =	vst v4;
	(pc) =	sbr.rel @p0 .LBB2_5-.Ltmp1, $4  }
0x12a: {  	v4 =	vmin.f32 v4, v2;
	v3 =	vmax.f32 v3, v5;
	[tilespmem:s29+$0xF00] =	vst v2;
	v2 =	vsub.f32 v2, v5  }
0x12b: {  	[tilespmem:s29+$0xFFFFFF00] =	vst v5;
	v3 =	vsub.f32 v4, v3  }
0x12c: {  	s31 =	sadd.s32 $0x10, s31;
	[tilespmem:s28+$0xF00] =	vst v2  }
0x12d: {  	s30 =	sadd.s32 $0x10, s30;
	s29 =	sadd.s32 $0x10, s29;
	[tilespmem:s28+$0xFFFFFF00] =	vst v3;
	s28 =	sadd.s32 $0x10, s28  }
0x12e: {  	s0 =	sshll.u32 s25, $0x5  }
0x12f: {  	s0 =	sadd.s32 s9, s0  }
0x130: {  	s3 =	sadd.s32 s1, s0  }
0x131: {  	[hbm4b:s3+s19] =	stream.strided.scatter [tilespmem:s20], [sflag:$0x2], $0x2000, s14, s19, $0x38;
	[tilespmem:$0x1A000] =	vst v63  }
0x132: {  	_ =	swait.ge [sflag:s11], $0x2000  }
0x133: {  	[sflag:s11] =	ssyncset.done $0x0  }
0x134: {  	s31 =	sadd.s32 s6, s0;
	[sflag:s11] =	ssyncadd.s32 $0xFFFFE000  }
0x135: {  	[hbm4b:s31+s19] =	stream.strided.scatter [tilespmem:s21], [sflag:$0x2], $0x2000, s14, s19, $0x38;
	[tilespmem:$0x1A000] =	vst v63  }
0x136: {  	s25 =	sadd.s32 $0x1, s25;
	_ =	swait.ge [sflag:s11], $0x2000  }
0x137: {  	p0 =	sne.s32 s25, $0x10;
	[sflag:s11] =	ssyncset.done $0x0  }
.Ltmp2:
0x138: {  	s0 =	sadd.s32 s2, s0;
	[sflag:s11] =	ssyncadd.s32 $0xFFFFE000;
	(pc) =	sbr.rel @p0 .LBB2_4-.Ltmp2, $4  }
0x139: {  	[hbm4b:s0+s19] =	stream.strided.scatter [tilespmem:s22], [sflag:$0x2], $0x2000, s14, s19, $0x38;
	[tilespmem:$0x1A000] =	vst v63  }
0x13a: {  	_ =	swait.ge [sflag:s11], $0x2000  }
0x13b: {  	[sflag:s11] =	ssyncset.done $0x0  }
0x13c: {  	s24 =	sadd.s32 $0x100, s24;
	[sflag:s11] =	ssyncadd.s32 $0xFFFFE000  }
0x13d: {  	s23 =	sadd.s32 $0x1, s23  }
0x13e: {  	p0 =	sne.s32 s23, s10  }
.Ltmp3:
0x13f: {  	_ = 	snop;
	(pc) =	sbr.rel @p0 .LBB2_1-.Ltmp3, $1  }
0x140: {  	_ =	sdelay $0x3  }
0x141: {  	_ =	sfence.sel $0x180000  }
0x142: {  	[bflag:$0x0] =	sbarrier.arrive $0xFFFF  }
0x143: {  	_ =	strace $0x90000047  }
0x144: {  	s0 =	stileid.u32;
	[bflag:$0x2] =	sbarrier.arrive $0xFFFF  }
0x145: {  	p0 =	sne.s32 s0, $0x0;
	s0 =	rddreg [dreg:$0x5]  }
0x146: {  	s0 =	sadd.s32 @!p0 $0x100000, s0  }
0x147: {  	[sflag:s0] =	ssyncadd.tile.s32 @!p0 $0x1;
	_ =	shalt  }
.Lfunc_end2:
_tile_overlayer_lowered:
.L_overlay_start_2:
0x148: {  	(tag) =	ssettag $0x2  }
0x149: {  	s0 =	rddreg [dreg:$0x0];
	s2 =	stileid.u32  }
0x14a: {  	s1 =	rddreg [dreg:$0x1];
	p0 =	sne.s32 s2, $0x0  }
0x14b: {  	s3 =	rddreg [dreg:$0x2];
	[bflag:$0x3] =	sbarrier.arrive $0xFFFF;
	s2 =	simm.s32 @!p0 $0x1C02  }
0x14c: {  	[timem:s3], [sflag:s2] =	dma.local @!p0 [hbm:s0], s1  }
0x14d: {  	s0 =	simm.s32 @!p0 $0x2  }
0x14e: {  	_ =	swait.ge @!p0 [sflag:s0], s1  }
0x14f: {  	s1 =	ssub.s32 @!p0 $0x0, s1;
	[sflag:s0] =	ssyncset.done @!p0 $0x0  }
0x150: {  	[sflag:s0] =	ssyncadd.s32 @!p0 s1  }
0x151: {  	[bflag:$0x3] =	sbarrier.arrive $0xFFFF  }
0x152: {  	_ =	shalt  }

</sc_bundles>
